<compile_context>
chip_gen: v7x
topology: tpu7x:2x2x1
jax: 0.10.2.dev20260603
libtpu: 0.0.44.dev20260713+nightly
codegen_flags: <defaults>
</compile_context>

<pallas_src>
import functools
import jax
import jax.numpy as jnp
from jax import lax
from jax.experimental import pallas as pl
from jax.experimental.pallas import tpu as pltpu
from jax.experimental.pallas import tpu_sc as plsc

_SINK = 5
_TOPK_MAIN = 3
_CHUNK = 128
_TILE = 512
_NEG_INF = float("-inf")


def _tc_body(q_ref, k_ref, wq_ref, wk_ref, g_ref, bln_ref, wu_ref, wv_ref,
             bu_ref, bv_ref, wo_ref, bo_ref, logits_ref):
    H = wq_ref.shape[1]
    Jc = k_ref.shape[1]
    tile = q_ref.shape[1]
    f32 = jnp.float32

    Qt = q_ref[0]
    Kb = k_ref[0]
    qp = jnp.dot(Qt, wq_ref[...], preferred_element_type=f32)
    kp = jnp.dot(Kb, wk_ref[...], preferred_element_type=f32)

    g = g_ref[...]
    bln = bln_ref[...]
    Wu = wu_ref[...]
    Wv = wv_ref[...]
    g_q = g[:, :H]
    g_k = g[:, H:2 * H]
    g_m = g[:, 2 * H:]

    su = jnp.dot(g, Wu, preferred_element_type=f32)
    sv = jnp.dot(g, Wv, preferred_element_type=f32)
    cu = jnp.dot(bln, Wu, preferred_element_type=f32) + bu_ref[...]
    cv = jnp.dot(bln, Wv, preferred_element_type=f32) + bv_ref[...]

    ones_h = jnp.ones((1, H), dtype=f32)
    qp2 = qp * qp
    kp2 = kp * kp
    s1q = jnp.sum(qp, axis=1, keepdims=True)
    s2q = jnp.sum(qp2, axis=1, keepdims=True)
    dn = (((1,), (1,)), ((), ()))
    s1k = lax.dot_general(ones_h, kp, dn, preferred_element_type=f32)
    s2k = lax.dot_general(ones_h, kp2, dn, preferred_element_type=f32)
    G1 = lax.dot_general(qp, kp, dn, preferred_element_type=f32)
    G2 = lax.dot_general(qp2, kp2, dn, preferred_element_type=f32)
    inv_d = 1.0 / (3.0 * H)
    mu = (s1q + s1k + G1) * inv_d
    ex2 = (s2q + s2k + G2) * inv_d
    rstd = lax.rsqrt(ex2 - mu * mu + 1e-5)

    qs = qp * g_q
    ks = kp * g_k
    kg = kp * g_m
    Wu_q, Wu_k, Wu_m = Wu[:H], Wu[H:2 * H], Wu[2 * H:]
    Wv_q, Wv_k, Wv_m = Wv[:H], Wv[H:2 * H], Wv[2 * H:]
    Aq_u = jnp.dot(qs, Wu_q, preferred_element_type=f32)
    Aq_v = jnp.dot(qs, Wv_q, preferred_element_type=f32)
    Ak_u = jnp.dot(ks, Wu_k, preferred_element_type=f32)
    Ak_v = jnp.dot(ks, Wv_k, preferred_element_type=f32)

    wo = wo_ref[...]
    bos = bo_ref[0, 0]
    cols = []
    for j in range(Jc):
        xm = qp * kg[j:j + 1, :]
        Pu = jnp.dot(xm, Wu_m, preferred_element_type=f32)
        Pv = jnp.dot(xm, Wv_m, preferred_element_type=f32)
        rj = rstd[:, j:j + 1]
        muj = mu[:, j:j + 1]
        U = rj * (Aq_u + Ak_u[j:j + 1, :] + Pu - muj * su) + cu
        V = rj * (Aq_v + Ak_v[j:j + 1, :] + Pv - muj * sv) + cv
        geluV = 0.5 * V * (1.0 + lax.erf(V * 0.7071067811865476))
        Z = U * geluV
        cols.append(lax.dot_general(Z, wo, dn, preferred_element_type=f32))
    logits_ref[0] = jnp.concatenate(cols, axis=1) + bos


def _tc_logits(Q, K, Wq, Wk, ln_g, ln_b, Wu, bu, Wv, bv, Wo, bo):
    B, T, QD = Q.shape
    Jc = K.shape[1]
    KD = K.shape[2]
    H = Wq.shape[1]
    tile = _TILE
    grid = (B, T // tile)

    g2 = ln_g.reshape(1, -1)
    b2 = ln_b.reshape(1, -1)
    bu2 = bu.reshape(1, -1)
    bv2 = bv.reshape(1, -1)
    wo2 = Wo.reshape(1, -1)
    bo2 = bo.reshape(1, 1)

    full = lambda shape: pl.BlockSpec(shape, lambda b, t: (0,) * len(shape))
    return pl.pallas_call(
        _tc_body,
        grid=grid,
        in_specs=[
            pl.BlockSpec((1, tile, QD), lambda b, t: (b, t, 0)),
            pl.BlockSpec((1, Jc, KD), lambda b, t: (b, 0, 0)),
            full((QD, H)),
            full((KD, H)),
            full((1, 3 * H)),
            full((1, 3 * H)),
            full((3 * H, H)),
            full((3 * H, H)),
            full((1, H)),
            full((1, H)),
            full((1, H)),
            full((1, 1)),
        ],
        out_specs=pl.BlockSpec((1, tile, Jc), lambda b, t: (b, t, 0)),
        out_shape=jax.ShapeDtypeStruct((B, T, Jc), jnp.float32),
    )(Q, K, Wq, Wk, g2, b2, Wu, Wv, bu2, bv2, wo2, bo2)


def _sc_bias_call(ROWS, T, Jc, Lctx):
    NC, NS, L = 2, 16, 16
    NW = NC * NS
    rows_per = ROWS // NW
    RB = 32
    nbatch = rows_per // RB
    mesh = plsc.VectorSubcoreMesh(core_axis_name="c", subcore_axis_name="s")

    @functools.partial(
        pl.kernel, mesh=mesh,
        out_type=jax.ShapeDtypeStruct((ROWS, Lctx), jnp.float32),
        compiler_params=pltpu.CompilerParams(needs_layout_passes=False),
        scratch_types=[
            pltpu.VMEM((rows_per, Jc), jnp.float32),
            pltpu.VMEM((RB, Lctx), jnp.float32),
            pltpu.VMEM((RB, L), jnp.float32),
        ],
    )
    def k(logits_hbm, bias_hbm, lbuf, obuf, fscr):
        wid = lax.axis_index("s") * NC + lax.axis_index("c")
        base = wid * rows_per
        pltpu.sync_copy(logits_hbm.at[pl.ds(base, rows_per)], lbuf)

        lane = lax.broadcasted_iota(jnp.int32, (L,), 0)
        negv = jnp.full((L,), _NEG_INF, jnp.float32)
        zerov = jnp.zeros((L,), jnp.float32)
        i15 = jnp.full((L,), L - 1, jnp.int32)

        def batch_body(bi, carry):
            @plsc.parallel_loop(0, RB, step=1, unroll=2)
            def row_body(rr):
                frow = fscr.at[rr]

                def splat_f(vec, idxv):
                    frow[...] = vec
                    return plsc.load_gather(frow, [idxv])

                def splat_last_f(vec):
                    return splat_f(vec, i15)

                r = bi * RB + rr
                lvec = lbuf[r]
                t = lax.rem(base + r, T)
                mxv = splat_last_f(plsc.cummax(lvec))
                e = jnp.exp(lvec - mxv)
                sv = splat_last_f(plsc.cumsum(e))
                w = e / sv
                pcb = -8.0 * (1.0 - w)
                tail_ok = jnp.logical_and(lane >= _SINK, lane - _SINK <= t)
                masked = jnp.where(tail_ok, lvec, negv)
                skeys, _svals = plsc.sort_key_val(masked, lane,
                                                  descending=True)
                thr = splat_f(skeys, jnp.full((L,), _TOPK_MAIN - 1,
                                              jnp.int32))
                sel = jnp.logical_or(lane < _SINK, masked >= thr)
                vals = jnp.where(sel, zerov, pcb)
                cvals = jnp.where(lane * _CHUNK <= t, vals, negv)
                frow[...] = cvals
                for c in range(Jc):
                    idx = jnp.full((L,), c, jnp.int32)
                    splat = plsc.load_gather(frow, [idx])
                    for g in range(_CHUNK // L):
                        obuf[rr, pl.ds(c * _CHUNK + g * L, L)] = splat
                cb = lax.shift_right_logical(t, 7)
                splat_b = plsc.load_gather(frow, [jnp.full((L,), cb, jnp.int32)])
                cb128 = cb * _CHUNK
                for g in range(_CHUNK // L):
                    colv = lane + (cb128 + g * L)
                    obuf[rr, pl.ds(cb128 + g * L, L)] = jnp.where(
                        colv <= t, splat_b, negv)

            pltpu.sync_copy(obuf, bias_hbm.at[pl.ds(base + bi * RB, RB)])
            return carry

        lax.fori_loop(0, nbatch, batch_body, 0, unroll=False)

    return k


def kernel(Q, K, chunk_len, L_ctx, sink_blocks, Wq, Wk, ln_g, ln_b,
           Wu, bu, Wv, bv, Wo, bo):
    B, T, _ = Q.shape
    Jc = K.shape[1]
    Lctx = Jc * _CHUNK
    logits = _tc_logits(Q, K, Wq, Wk, ln_g, ln_b, Wu, bu, Wv, bv, Wo, bo)
    sc = _sc_bias_call(B * T, T, Jc, Lctx)
    bias = sc(logits.reshape(B * T, Jc)).reshape(B, T, Lctx)
    return logits, bias

# --- scband reference (transcript-rebuilt; emitter-appended) ---
"""Pipeline reference for scband-topk-masker-25666724561375 (READ-ONLY COPY).

The authoritative reference and input builder live on the scoring server;
editing this copy changes nothing except your own understanding.
"""

import jax, jax.numpy as jnp
import numpy as np

Q_DIM = 1024
K_DIM = 1024
HIDDEN = 256
TOPK = 8
B = 2
T = 2048
L_CTX = 2048
CHUNK_LEN = 128
J = (L_CTX + CHUNK_LEN - 1) // CHUNK_LEN


def setup_inputs(seed: int = 0) -> dict:
    key = jax.random.key(seed)
    ks = jax.random.split(key, 8)
    s = 0.02
    inp = {}
    inp["Q"] = jax.random.normal(ks[0], (B, T, Q_DIM), dtype=jnp.float32)
    inp["K"] = jax.random.normal(ks[1], (B, J, K_DIM), dtype=jnp.float32)
    inp["chunk_len"] = CHUNK_LEN
    inp["L_ctx"] = L_CTX
    inp["sink_blocks"] = 5
    inp["Wq"] = jax.random.normal(ks[2], (Q_DIM, HIDDEN), dtype=jnp.float32) * s
    inp["Wk"] = jax.random.normal(ks[3], (K_DIM, HIDDEN), dtype=jnp.float32) * s
    inp["ln_g"] = jnp.ones((3 * HIDDEN,), dtype=jnp.float32)
    inp["ln_b"] = jnp.zeros((3 * HIDDEN,), dtype=jnp.float32)
    inp["Wu"] = jax.random.normal(ks[4], (3 * HIDDEN, HIDDEN), dtype=jnp.float32) * s
    inp["bu"] = jnp.zeros((HIDDEN,), dtype=jnp.float32)
    inp["Wv"] = jax.random.normal(ks[5], (3 * HIDDEN, HIDDEN), dtype=jnp.float32) * s
    inp["bv"] = jnp.zeros((HIDDEN,), dtype=jnp.float32)
    inp["Wo"] = jax.random.normal(ks[6], (HIDDEN, 1), dtype=jnp.float32) * s
    inp["bo"] = jnp.zeros((1,), dtype=jnp.float32)
    return inp


def _layernorm(x, g, b, eps=1e-5):
    mu = jnp.mean(x, axis=-1, keepdims=True)
    var = jnp.mean((x - mu) ** 2, axis=-1, keepdims=True)
    return (x - mu) / jnp.sqrt(var + eps) * g + b


def _scorer(Q, K, Wq, Wk, ln_g, ln_b, Wu, bu, Wv, bv, Wo, bo):
    Bq, Tq, _ = Q.shape
    Jk = K.shape[1]
    q = (Q @ Wq)[:, :, None, :]
    k = (K @ Wk)[:, None, :, :]
    qb = jnp.broadcast_to(q, (Bq, Tq, Jk, q.shape[-1]))
    kb = jnp.broadcast_to(k, (Bq, Tq, Jk, k.shape[-1]))
    x = jnp.concatenate([qb, kb, qb * kb], axis=-1)
    x = _layernorm(x, ln_g, ln_b)
    U = x @ Wu + bu
    V = x @ Wv + bv
    Z = U * jax.nn.gelu(V, approximate=False)
    return (Z @ Wo + bo)[..., 0]


def reference(Q, K, chunk_len, L_ctx, sink_blocks, Wq, Wk, ln_g, ln_b, Wu, bu, Wv, bv, Wo, bo):
    tau = 1.0
    soft_alpha = 8.0
    topk = TOPK
    logits = _scorer(Q, K, Wq, Wk, ln_g, ln_b, Wu, bu, Wv, bv, Wo, bo)
    dep = (jnp.asarray(sink_blocks) * 0 + jnp.asarray(chunk_len) * 0 + jnp.asarray(L_ctx) * 0).astype(jnp.float32)
    logits = logits + dep
    Bq, Tq, Jc = logits.shape
    sb = int(min(max(0, 5), Jc))
    J_tail = Jc - sb
    topk_main = max(min(Jc, topk) - sb, 0)
    # deterministic top-k over tail chunks with causal masking (topk_indices)
    logits_tail = logits[..., sb:]
    causal = jnp.tril(jnp.ones((Tq, J_tail), dtype=bool))
    masked = jnp.where(causal[None, :, :], logits_tail, -jnp.inf)
    idx_tail = jax.lax.top_k(masked, topk_main)[1] + sb
    idx_sink = jnp.broadcast_to(jnp.arange(sb)[None, None, :], (Bq, Tq, sb))
    idx = jnp.concatenate([idx_sink, idx_tail], axis=-1)
    # soft warmup weights (use_soft_warmup=True, tau buffer = 1.0)
    w_soft = jax.nn.softmax(logits / tau, axis=-1)
    # build_block_bias_from_topk
    num_chunks = (L_CTX + CHUNK_LEN - 1) // CHUNK_LEN
    sel = jnp.zeros((Bq, Tq, num_chunks), dtype=bool)
    sel = sel.at[jnp.arange(Bq)[:, None, None], jnp.arange(Tq)[None, :, None], idx].set(True)
    token_chunk = jnp.minimum(jnp.arange(L_CTX) // CHUNK_LEN, num_chunks - 1)
    selected_tokens = sel[:, :, token_chunk]
    per_chunk_bias = -soft_alpha * (1.0 - w_soft)
    bias = per_chunk_bias[:, :, token_chunk]
    bias = jnp.where(selected_tokens, 0.0, bias)
    tri = jnp.triu(jnp.ones((Tq, L_CTX), dtype=bool), k=1)
    bias = jnp.where(tri[None, :, :], -jnp.inf, bias)
    return logits, bias


if False:  # reference __main__ guard neutralized (emitter)
    out = reference(**setup_inputs())
    print(out[0].shape, out[1].shape)

if __name__ == "__main__":
    import jax
    _d = setup_inputs()
    print(jax.jit(kernel)(*tuple(_d.values())))

</pallas_src>

<mosaic_0001>
#map = affine_map<(d0, d1) -> (0, 0)>
module attributes {stable_mosaic.version = 14 : i64} {
  func.func @k(%arg0: i32, %arg1: i32, %arg2: memref<4096x16xf32, #tpu.memory_space<hbm>>, %arg3: memref<4096x2048xf32, #tpu.memory_space<hbm>>, %arg4: memref<128x16xf32, #tpu.memory_space<vmem>>, %arg5: memref<32x2048xf32, #tpu.memory_space<vmem>>, %arg6: memref<32x16xf32, #tpu.memory_space<vmem>>) attributes {dimension_semantics = [#tpu.dimension_semantics<core_parallel>, #tpu.dimension_semantics<subcore_parallel>], iteration_bounds = array<i64: 2, 16>, scalar_prefetch = 0 : i64, scratch_operands = 3 : i64, tpu.core_type = #tpu.core_type<sc_vector_subcore>, window_params = [{transform_indices = #map}, {transform_indices = #map}]} {
    %mul3A = arith.constant 2 : i32
    %mul3A_0 = arith.muli %arg1, %mul3A : i32
    %add3A = arith.addi %mul3A_0, %arg0 : i32
    %mul3A_1 = arith.constant 128 : i32
    %mul3A_2 = arith.muli %add3A, %mul3A_1 : i32
    "tpu.region"() ({
      %run_scoped3A = tpu.sem_alloc : memref<!tpu.dma_semaphore, #tpu.memory_space<semaphore_mem>>
      %dma_start3A = arith.constant 0 : i32
      %dma_start3A_13 = tpu.memref_slice %arg2[%mul3A_2, %dma_start3A] : memref<4096x16xf32, #tpu.memory_space<hbm>> -> memref<128x16xf32, #tpu.memory_space<hbm>>
      %dma_start3A_14 = arith.constant 0 : i32
      %dma_start3A_15 = tpu.memref_slice %arg2[%mul3A_2, %dma_start3A_14] : memref<4096x16xf32, #tpu.memory_space<hbm>> -> memref<128x16xf32, #tpu.memory_space<hbm>>
      tpu.enqueue_dma source(%dma_start3A_15 : memref<128x16xf32, #tpu.memory_space<hbm>>) target(%arg4 : memref<128x16xf32, #tpu.memory_space<vmem>>) target_semaphore(%run_scoped3A : memref<!tpu.dma_semaphore, #tpu.memory_space<semaphore_mem>>)
      %dma_wait3A = arith.constant 0 : i32
      %dma_wait3A_16 = tpu.memref_slice %arg2[%mul3A_2, %dma_wait3A] : memref<4096x16xf32, #tpu.memory_space<hbm>> -> memref<128x16xf32, #tpu.memory_space<hbm>>
      %dma_wait3A_17 = arith.constant 0 : i32
      %dma_wait3A_18 = tpu.memref_slice %arg2[%mul3A_2, %dma_wait3A_17] : memref<4096x16xf32, #tpu.memory_space<hbm>> -> memref<128x16xf32, #tpu.memory_space<hbm>>
      tpu.wait_dma2 semaphore(%run_scoped3A : memref<!tpu.dma_semaphore, #tpu.memory_space<semaphore_mem>>) src(%dma_wait3A_18 : memref<128x16xf32, #tpu.memory_space<hbm>>) dst(%arg4 : memref<128x16xf32, #tpu.memory_space<vmem>>)
      tpu.yield
    }) : () -> ()
    %iota3A = tpu.iota {dimensions = array<i32: 0>} : vector<16xi32>
    %broadcast_in_dim3A = arith.constant 0xFF800000 : f32
    %broadcast_in_dim3A_3 = vector.broadcast %broadcast_in_dim3A : f32 to vector<16xf32>
    %broadcast_in_dim3A_4 = arith.constant 0.000000e+00 : f32
    %broadcast_in_dim3A_5 = vector.broadcast %broadcast_in_dim3A_4 : f32 to vector<16xf32>
    %broadcast_in_dim3A_6 = arith.constant 15 : i32
    %broadcast_in_dim3A_7 = vector.broadcast %broadcast_in_dim3A_6 : i32 to vector<16xi32>
    %scan3A = arith.constant 0 : i32
    %scan3A_8 = arith.constant 0 : i32
    %scan3A_9 = arith.constant 4 : i32
    %scan3A_10 = arith.addi %scan3A_8, %scan3A_9 : i32
    %scan3A_11 = arith.constant 1 : i32
    scf.for %scan3A_13 = %scan3A_8 to %scan3A_10 step %scan3A_11  : i32 {
      %parallel_loop3A = arith.constant 0 : i32
      %parallel_loop3A_14 = arith.constant 32 : i32
      %parallel_loop3A_15 = arith.constant 1 : i32
      scf.for %parallel_loop3A_19 = %parallel_loop3A to %parallel_loop3A_14 step %parallel_loop3A_15  : i32 {
        %parallel_loop3A_20 = arith.constant 32 : i32
        %parallel_loop3A_21 = arith.muli %scan3A_13, %parallel_loop3A_20 : i32
        %parallel_loop3A_22 = arith.addi %parallel_loop3A_21, %parallel_loop3A_19 : i32
        %parallel_loop3A_23 = arith.index_cast %parallel_loop3A_22 : i32 to index
        %parallel_loop3A_24 = arith.constant 0 : index
        %parallel_loop3A_25 = tpu.vector_load %arg4[%parallel_loop3A_23, %parallel_loop3A_24] {strides = array<i32>} : memref<128x16xf32, #tpu.memory_space<vmem>>, vector<16xf32>,
        %parallel_loop3A_26 = arith.addi %mul3A_2, %parallel_loop3A_22 : i32
        %parallel_loop3A_27 = arith.constant 2048 : i32
        %parallel_loop3A_28 = arith.remsi %parallel_loop3A_26, %parallel_loop3A_27 : i32
        %parallel_loop3A_29 = arith.constant true
        %parallel_loop3A_30 = vector.broadcast %parallel_loop3A_29 : i1 to vector<16xi1>
        %parallel_loop3A_31 = tpu.scan <max>, %parallel_loop3A_25 masked %parallel_loop3A_30 : vector<16xf32>, vector<16xi1> -> vector<16xf32>
        %parallel_loop3A_32 = arith.index_cast %parallel_loop3A_19 : i32 to index
        %parallel_loop3A_33 = arith.constant 0 : index
        %parallel_loop3A_34 = tpu.vector_load %arg6[%parallel_loop3A_32, %parallel_loop3A_33] {strides = array<i32>} : memref<32x16xf32, #tpu.memory_space<vmem>>, vector<16xf32>,
        tpu.vector_store %arg6[%parallel_loop3A_32, %parallel_loop3A_33], %parallel_loop3A_31 {strides = array<i32>} : memref<32x16xf32, #tpu.memory_space<vmem>>, vector<16xf32>,
        %parallel_loop3A_35 = arith.constant 0 : i32
        %parallel_loop3A_36 = tpu.memref_slice %arg6[%parallel_loop3A_19, %parallel_loop3A_35] : memref<32x16xf32, #tpu.memory_space<vmem>> -> memref<1x16xf32, #tpu.memory_space<vmem>>
        %parallel_loop3A_37 = tpu.memref_squeeze %parallel_loop3A_36 : memref<1x16xf32, #tpu.memory_space<vmem>> -> memref<16xf32, #tpu.memory_space<vmem>>
        %parallel_loop3A_38 = tpu.vector_load_idx %parallel_loop3A_37[%broadcast_in_dim3A_7] : memref<16xf32, #tpu.memory_space<vmem>>[vector<16xi32>], vector<16xf32>,
        %parallel_loop3A_39 = arith.subf %parallel_loop3A_25, %parallel_loop3A_38 : vector<16xf32>
        %parallel_loop3A_40 = math.exp %parallel_loop3A_39 : vector<16xf32>
        %parallel_loop3A_41 = arith.constant true
        %parallel_loop3A_42 = vector.broadcast %parallel_loop3A_41 : i1 to vector<16xi1>
        %parallel_loop3A_43 = tpu.scan <sum>, %parallel_loop3A_40 masked %parallel_loop3A_42 : vector<16xf32>, vector<16xi1> -> vector<16xf32>
        %parallel_loop3A_44 = arith.index_cast %parallel_loop3A_19 : i32 to index
        %parallel_loop3A_45 = arith.constant 0 : index
        %parallel_loop3A_46 = tpu.vector_load %arg6[%parallel_loop3A_44, %parallel_loop3A_45] {strides = array<i32>} : memref<32x16xf32, #tpu.memory_space<vmem>>, vector<16xf32>,
        tpu.vector_store %arg6[%parallel_loop3A_44, %parallel_loop3A_45], %parallel_loop3A_43 {strides = array<i32>} : memref<32x16xf32, #tpu.memory_space<vmem>>, vector<16xf32>,
        %parallel_loop3A_47 = arith.constant 0 : i32
        %parallel_loop3A_48 = tpu.memref_slice %arg6[%parallel_loop3A_19, %parallel_loop3A_47] : memref<32x16xf32, #tpu.memory_space<vmem>> -> memref<1x16xf32, #tpu.memory_space<vmem>>
        %parallel_loop3A_49 = tpu.memref_squeeze %parallel_loop3A_48 : memref<1x16xf32, #tpu.memory_space<vmem>> -> memref<16xf32, #tpu.memory_space<vmem>>
        %parallel_loop3A_50 = tpu.vector_load_idx %parallel_loop3A_49[%broadcast_in_dim3A_7] : memref<16xf32, #tpu.memory_space<vmem>>[vector<16xi32>], vector<16xf32>,
        %parallel_loop3A_51 = arith.divf %parallel_loop3A_40, %parallel_loop3A_50 : vector<16xf32>
        %parallel_loop3A_52 = arith.constant 1.000000e+00 : f32
        %parallel_loop3A_53 = vector.broadcast %parallel_loop3A_52 : f32 to vector<16xf32>
        %parallel_loop3A_54 = arith.subf %parallel_loop3A_53, %parallel_loop3A_51 : vector<16xf32>
        %parallel_loop3A_55 = arith.constant -8.000000e+00 : f32
        %parallel_loop3A_56 = vector.broadcast %parallel_loop3A_55 : f32 to vector<16xf32>
        %parallel_loop3A_57 = arith.mulf %parallel_loop3A_56, %parallel_loop3A_54 : vector<16xf32>
        %parallel_loop3A_58 = arith.constant 5 : i32
        %parallel_loop3A_59 = vector.broadcast %parallel_loop3A_58 : i32 to vector<16xi32>
        %parallel_loop3A_60 = arith.cmpi sge, %iota3A, %parallel_loop3A_59 : vector<16xi32>
        %parallel_loop3A_61 = arith.constant 5 : i32
        %parallel_loop3A_62 = vector.broadcast %parallel_loop3A_61 : i32 to vector<16xi32>
        %parallel_loop3A_63 = arith.subi %iota3A, %parallel_loop3A_62 : vector<16xi32>
        %parallel_loop3A_64 = vector.broadcast %parallel_loop3A_28 : i32 to vector<16xi32>
        %parallel_loop3A_65 = arith.cmpi sle, %parallel_loop3A_63, %parallel_loop3A_64 : vector<16xi32>
        %parallel_loop3A_66 = arith.andi %parallel_loop3A_60, %parallel_loop3A_65 : vector<16xi1>
        %parallel_loop3A_67 = arith.select %parallel_loop3A_66, %parallel_loop3A_25, %broadcast_in_dim3A_3 : vector<16xi1>, vector<16xf32>
        %parallel_loop3A_68 = arith.constant dense<true> : vector<16xi1>
        %parallel_loop3A_69, %parallel_loop3A_70, %parallel_loop3A_71 = tpu.sort %parallel_loop3A_67, %iota3A masked %parallel_loop3A_68 {descending = true} : (vector<16xf32>, vector<16xi32>, vector<16xi1>) -> (vector<16xi1>, vector<16xf32>, vector<16xi32>)
        %parallel_loop3A_72 = arith.constant 2 : i32
        %parallel_loop3A_73 = vector.broadcast %parallel_loop3A_72 : i32 to vector<16xi32>
        %parallel_loop3A_74 = arith.index_cast %parallel_loop3A_19 : i32 to index
        %parallel_loop3A_75 = arith.constant 0 : index
        %parallel_loop3A_76 = tpu.vector_load %arg6[%parallel_loop3A_74, %parallel_loop3A_75] {strides = array<i32>} : memref<32x16xf32, #tpu.memory_space<vmem>>, vector<16xf32>,
        tpu.vector_store %arg6[%parallel_loop3A_74, %parallel_loop3A_75], %parallel_loop3A_70 {strides = array<i32>} : memref<32x16xf32, #tpu.memory_space<vmem>>, vector<16xf32>,
        %parallel_loop3A_77 = arith.constant 0 : i32
        %parallel_loop3A_78 = tpu.memref_slice %arg6[%parallel_loop3A_19, %parallel_loop3A_77] : memref<32x16xf32, #tpu.memory_space<vmem>> -> memref<1x16xf32, #tpu.memory_space<vmem>>
        %parallel_loop3A_79 = tpu.memref_squeeze %parallel_loop3A_78 : memref<1x16xf32, #tpu.memory_space<vmem>> -> memref<16xf32, #tpu.memory_space<vmem>>
        %parallel_loop3A_80 = tpu.vector_load_idx %parallel_loop3A_79[%parallel_loop3A_73] : memref<16xf32, #tpu.memory_space<vmem>>[vector<16xi32>], vector<16xf32>,
        %parallel_loop3A_81 = arith.constant 5 : i32
        %parallel_loop3A_82 = vector.broadcast %parallel_loop3A_81 : i32 to vector<16xi32>
        %parallel_loop3A_83 = arith.cmpi slt, %iota3A, %parallel_loop3A_82 : vector<16xi32>
        %parallel_loop3A_84 = arith.cmpf oge, %parallel_loop3A_67, %parallel_loop3A_80 : vector<16xf32>
        %parallel_loop3A_85 = arith.ori %parallel_loop3A_83, %parallel_loop3A_84 : vector<16xi1>
        %parallel_loop3A_86 = arith.select %parallel_loop3A_85, %broadcast_in_dim3A_5, %parallel_loop3A_57 : vector<16xi1>, vector<16xf32>
        %parallel_loop3A_87 = arith.constant 128 : i32
        %parallel_loop3A_88 = vector.broadcast %parallel_loop3A_87 : i32 to vector<16xi32>
        %parallel_loop3A_89 = arith.muli %iota3A, %parallel_loop3A_88 : vector<16xi32>
        %parallel_loop3A_90 = vector.broadcast %parallel_loop3A_28 : i32 to vector<16xi32>
        %parallel_loop3A_91 = arith.cmpi sle, %parallel_loop3A_89, %parallel_loop3A_90 : vector<16xi32>
        %parallel_loop3A_92 = arith.select %parallel_loop3A_91, %parallel_loop3A_86, %broadcast_in_dim3A_3 : vector<16xi1>, vector<16xf32>
        %parallel_loop3A_93 = arith.index_cast %parallel_loop3A_19 : i32 to index
        %parallel_loop3A_94 = arith.constant 0 : index
        %parallel_loop3A_95 = tpu.vector_load %arg6[%parallel_loop3A_93, %parallel_loop3A_94] {strides = array<i32>} : memref<32x16xf32, #tpu.memory_space<vmem>>, vector<16xf32>,
        tpu.vector_store %arg6[%parallel_loop3A_93, %parallel_loop3A_94], %parallel_loop3A_92 {strides = array<i32>} : memref<32x16xf32, #tpu.memory_space<vmem>>, vector<16xf32>,
        %parallel_loop3A_96 = arith.constant 0 : i32
        %parallel_loop3A_97 = vector.broadcast %parallel_loop3A_96 : i32 to vector<16xi32>
        %parallel_loop3A_98 = arith.constant 0 : i32
        %parallel_loop3A_99 = tpu.memref_slice %arg6[%parallel_loop3A_19, %parallel_loop3A_98] : memref<32x16xf32, #tpu.memory_space<vmem>> -> memref<1x16xf32, #tpu.memory_space<vmem>>
        %parallel_loop3A_100 = tpu.memref_squeeze %parallel_loop3A_99 : memref<1x16xf32, #tpu.memory_space<vmem>> -> memref<16xf32, #tpu.memory_space<vmem>>
        %parallel_loop3A_101 = tpu.vector_load_idx %parallel_loop3A_100[%parallel_loop3A_97] : memref<16xf32, #tpu.memory_space<vmem>>[vector<16xi32>], vector<16xf32>,
        %parallel_loop3A_102 = arith.index_cast %parallel_loop3A_19 : i32 to index
        %parallel_loop3A_103 = arith.constant 0 : index
        %parallel_loop3A_104 = tpu.vector_load %arg5[%parallel_loop3A_102, %parallel_loop3A_103] {strides = array<i32>} : memref<32x2048xf32, #tpu.memory_space<vmem>>, vector<16xf32>,
        tpu.vector_store %arg5[%parallel_loop3A_102, %parallel_loop3A_103], %parallel_loop3A_101 {strides = array<i32>} : memref<32x2048xf32, #tpu.memory_space<vmem>>, vector<16xf32>,
        %parallel_loop3A_105 = arith.index_cast %parallel_loop3A_19 : i32 to index
        %parallel_loop3A_106 = arith.constant 16 : index
        %parallel_loop3A_107 = tpu.vector_load %arg5[%parallel_loop3A_105, %parallel_loop3A_106] {strides = array<i32>} : memref<32x2048xf32, #tpu.memory_space<vmem>>, vector<16xf32>,
        tpu.vector_store %arg5[%parallel_loop3A_105, %parallel_loop3A_106], %parallel_loop3A_101 {strides = array<i32>} : memref<32x2048xf32, #tpu.memory_space<vmem>>, vector<16xf32>,
        %parallel_loop3A_108 = arith.index_cast %parallel_loop3A_19 : i32 to index
        %parallel_loop3A_109 = arith.constant 32 : index
        %parallel_loop3A_110 = tpu.vector_load %arg5[%parallel_loop3A_108, %parallel_loop3A_109] {strides = array<i32>} : memref<32x2048xf32, #tpu.memory_space<vmem>>, vector<16xf32>,
        tpu.vector_store %arg5[%parallel_loop3A_108, %parallel_loop3A_109], %parallel_loop3A_101 {strides = array<i32>} : memref<32x2048xf32, #tpu.memory_space<vmem>>, vector<16xf32>,
        %parallel_loop3A_111 = arith.index_cast %parallel_loop3A_19 : i32 to index
        %parallel_loop3A_112 = arith.constant 48 : index
        %parallel_loop3A_113 = tpu.vector_load %arg5[%parallel_loop3A_111, %parallel_loop3A_112] {strides = array<i32>} : memref<32x2048xf32, #tpu.memory_space<vmem>>, vector<16xf32>,
        tpu.vector_store %arg5[%parallel_loop3A_111, %parallel_loop3A_112], %parallel_loop3A_101 {strides = array<i32>} : memref<32x2048xf32, #tpu.memory_space<vmem>>, vector<16xf32>,
        %parallel_loop3A_114 = arith.index_cast %parallel_loop3A_19 : i32 to index
        %parallel_loop3A_115 = arith.constant 64 : index
        %parallel_loop3A_116 = tpu.vector_load %arg5[%parallel_loop3A_114, %parallel_loop3A_115] {strides = array<i32>} : memref<32x2048xf32, #tpu.memory_space<vmem>>, vector<16xf32>,
        tpu.vector_store %arg5[%parallel_loop3A_114, %parallel_loop3A_115], %parallel_loop3A_101 {strides = array<i32>} : memref<32x2048xf32, #tpu.memory_space<vmem>>, vector<16xf32>,
        %parallel_loop3A_117 = arith.index_cast %parallel_loop3A_19 : i32 to index
        %parallel_loop3A_118 = arith.constant 80 : index
        %parallel_loop3A_119 = tpu.vector_load %arg5[%parallel_loop3A_117, %parallel_loop3A_118] {strides = array<i32>} : memref<32x2048xf32, #tpu.memory_space<vmem>>, vector<16xf32>,
        tpu.vector_store %arg5[%parallel_loop3A_117, %parallel_loop3A_118], %parallel_loop3A_101 {strides = array<i32>} : memref<32x2048xf32, #tpu.memory_space<vmem>>, vector<16xf32>,
        %parallel_loop3A_120 = arith.index_cast %parallel_loop3A_19 : i32 to index
        %parallel_loop3A_121 = arith.constant 96 : index
        %parallel_loop3A_122 = tpu.vector_load %arg5[%parallel_loop3A_120, %parallel_loop3A_121] {strides = array<i32>} : memref<32x2048xf32, #tpu.memory_space<vmem>>, vector<16xf32>,
        tpu.vector_store %arg5[%parallel_loop3A_120, %parallel_loop3A_121], %parallel_loop3A_101 {strides = array<i32>} : memref<32x2048xf32, #tpu.memory_space<vmem>>, vector<16xf32>,
        %parallel_loop3A_123 = arith.index_cast %parallel_loop3A_19 : i32 to index
        %parallel_loop3A_124 = arith.constant 112 : index
        %parallel_loop3A_125 = tpu.vector_load %arg5[%parallel_loop3A_123, %parallel_loop3A_124] {strides = array<i32>} : memref<32x2048xf32, #tpu.memory_space<vmem>>, vector<16xf32>,
        tpu.vector_store %arg5[%parallel_loop3A_123, %parallel_loop3A_124], %parallel_loop3A_101 {strides = array<i32>} : memref<32x2048xf32, #tpu.memory_space<vmem>>, vector<16xf32>,
        %parallel_loop3A_126 = arith.constant 1 : i32
        %parallel_loop3A_127 = vector.broadcast %parallel_loop3A_126 : i32 to vector<16xi32>
        %parallel_loop3A_128 = arith.constant 0 : i32
        %parallel_loop3A_129 = tpu.memref_slice %arg6[%parallel_loop3A_19, %parallel_loop3A_128] : memref<32x16xf32, #tpu.memory_space<vmem>> -> memref<1x16xf32, #tpu.memory_space<vmem>>
        %parallel_loop3A_130 = tpu.memref_squeeze %parallel_loop3A_129 : memref<1x16xf32, #tpu.memory_space<vmem>> -> memref<16xf32, #tpu.memory_space<vmem>>
        %parallel_loop3A_131 = tpu.vector_load_idx %parallel_loop3A_130[%parallel_loop3A_127] : memref<16xf32, #tpu.memory_space<vmem>>[vector<16xi32>], vector<16xf32>,
        %parallel_loop3A_132 = arith.index_cast %parallel_loop3A_19 : i32 to index
        %parallel_loop3A_133 = arith.constant 128 : index
        %parallel_loop3A_134 = tpu.vector_load %arg5[%parallel_loop3A_132, %parallel_loop3A_133] {strides = array<i32>} : memref<32x2048xf32, #tpu.memory_space<vmem>>, vector<16xf32>,
        tpu.vector_store %arg5[%parallel_loop3A_132, %parallel_loop3A_133], %parallel_loop3A_131 {strides = array<i32>} : memref<32x2048xf32, #tpu.memory_space<vmem>>, vector<16xf32>,
        %parallel_loop3A_135 = arith.index_cast %parallel_loop3A_19 : i32 to index
        %parallel_loop3A_136 = arith.constant 144 : index
        %parallel_loop3A_137 = tpu.vector_load %arg5[%parallel_loop3A_135, %parallel_loop3A_136] {strides = array<i32>} : memref<32x2048xf32, #tpu.memory_space<vmem>>, vector<16xf32>,
        tpu.vector_store %arg5[%parallel_loop3A_135, %parallel_loop3A_136], %parallel_loop3A_131 {strides = array<i32>} : memref<32x2048xf32, #tpu.memory_space<vmem>>, vector<16xf32>,
        %parallel_loop3A_138 = arith.index_cast %parallel_loop3A_19 : i32 to index
        %parallel_loop3A_139 = arith.constant 160 : index
        %parallel_loop3A_140 = tpu.vector_load %arg5[%parallel_loop3A_138, %parallel_loop3A_139] {strides = array<i32>} : memref<32x2048xf32, #tpu.memory_space<vmem>>, vector<16xf32>,
        tpu.vector_store %arg5[%parallel_loop3A_138, %parallel_loop3A_139], %parallel_loop3A_131 {strides = array<i32>} : memref<32x2048xf32, #tpu.memory_space<vmem>>, vector<16xf32>,
        %parallel_loop3A_141 = arith.index_cast %parallel_loop3A_19 : i32 to index
        %parallel_loop3A_142 = arith.constant 176 : index
        %parallel_loop3A_143 = tpu.vector_load %arg5[%parallel_loop3A_141, %parallel_loop3A_142] {strides = array<i32>} : memref<32x2048xf32, #tpu.memory_space<vmem>>, vector<16xf32>,
        tpu.vector_store %arg5[%parallel_loop3A_141, %parallel_loop3A_142], %parallel_loop3A_131 {strides = array<i32>} : memref<32x2048xf32, #tpu.memory_space<vmem>>, vector<16xf32>,
        %parallel_loop3A_144 = arith.index_cast %parallel_loop3A_19 : i32 to index
        %parallel_loop3A_145 = arith.constant 192 : index
        %parallel_loop3A_146 = tpu.vector_load %arg5[%parallel_loop3A_144, %parallel_loop3A_145] {strides = array<i32>} : memref<32x2048xf32, #tpu.memory_space<vmem>>, vector<16xf32>,
        tpu.vector_store %arg5[%parallel_loop3A_144, %parallel_loop3A_145], %parallel_loop3A_131 {strides = array<i32>} : memref<32x2048xf32, #tpu.memory_space<vmem>>, vector<16xf32>,
        %parallel_loop3A_147 = arith.index_cast %parallel_loop3A_19 : i32 to index
        %parallel_loop3A_148 = arith.constant 208 : index
        %parallel_loop3A_149 = tpu.vector_load %arg5[%parallel_loop3A_147, %parallel_loop3A_148] {strides = array<i32>} : memref<32x2048xf32, #tpu.memory_space<vmem>>, vector<16xf32>,
        tpu.vector_store %arg5[%parallel_loop3A_147, %parallel_loop3A_148], %parallel_loop3A_131 {strides = array<i32>} : memref<32x2048xf32, #tpu.memory_space<vmem>>, vector<16xf32>,
        %parallel_loop3A_150 = arith.index_cast %parallel_loop3A_19 : i32 to index
        %parallel_loop3A_151 = arith.constant 224 : index
        %parallel_loop3A_152 = tpu.vector_load %arg5[%parallel_loop3A_150, %parallel_loop3A_151] {strides = array<i32>} : memref<32x2048xf32, #tpu.memory_space<vmem>>, vector<16xf32>,
        tpu.vector_store %arg5[%parallel_loop3A_150, %parallel_loop3A_151], %parallel_loop3A_131 {strides = array<i32>} : memref<32x2048xf32, #tpu.memory_space<vmem>>, vector<16xf32>,
        %parallel_loop3A_153 = arith.index_cast %parallel_loop3A_19 : i32 to index
        %parallel_loop3A_154 = arith.constant 240 : index
        %parallel_loop3A_155 = tpu.vector_load %arg5[%parallel_loop3A_153, %parallel_loop3A_154] {strides = array<i32>} : memref<32x2048xf32, #tpu.memory_space<vmem>>, vector<16xf32>,
        tpu.vector_store %arg5[%parallel_loop3A_153, %parallel_loop3A_154], %parallel_loop3A_131 {strides = array<i32>} : memref<32x2048xf32, #tpu.memory_space<vmem>>, vector<16xf32>,
        %parallel_loop3A_156 = arith.constant 2 : i32
        %parallel_loop3A_157 = vector.broadcast %parallel_loop3A_156 : i32 to vector<16xi32>
        %parallel_loop3A_158 = arith.constant 0 : i32
        %parallel_loop3A_159 = tpu.memref_slice %arg6[%parallel_loop3A_19, %parallel_loop3A_158] : memref<32x16xf32, #tpu.memory_space<vmem>> -> memref<1x16xf32, #tpu.memory_space<vmem>>
        %parallel_loop3A_160 = tpu.memref_squeeze %parallel_loop3A_159 : memref<1x16xf32, #tpu.memory_space<vmem>> -> memref<16xf32, #tpu.memory_space<vmem>>
        %parallel_loop3A_161 = tpu.vector_load_idx %parallel_loop3A_160[%parallel_loop3A_157] : memref<16xf32, #tpu.memory_space<vmem>>[vector<16xi32>], vector<16xf32>,
        %parallel_loop3A_162 = arith.index_cast %parallel_loop3A_19 : i32 to index
        %parallel_loop3A_163 = arith.constant 256 : index
        %parallel_loop3A_164 = tpu.vector_load %arg5[%parallel_loop3A_162, %parallel_loop3A_163] {strides = array<i32>} : memref<32x2048xf32, #tpu.memory_space<vmem>>, vector<16xf32>,
        tpu.vector_store %arg5[%parallel_loop3A_162, %parallel_loop3A_163], %parallel_loop3A_161 {strides = array<i32>} : memref<32x2048xf32, #tpu.memory_space<vmem>>, vector<16xf32>,
        %parallel_loop3A_165 = arith.index_cast %parallel_loop3A_19 : i32 to index
        %parallel_loop3A_166 = arith.constant 272 : index
        %parallel_loop3A_167 = tpu.vector_load %arg5[%parallel_loop3A_165, %parallel_loop3A_166] {strides = array<i32>} : memref<32x2048xf32, #tpu.memory_space<vmem>>, vector<16xf32>,
        tpu.vector_store %arg5[%parallel_loop3A_165, %parallel_loop3A_166], %parallel_loop3A_161 {strides = array<i32>} : memref<32x2048xf32, #tpu.memory_space<vmem>>, vector<16xf32>,
        %parallel_loop3A_168 = arith.index_cast %parallel_loop3A_19 : i32 to index
        %parallel_loop3A_169 = arith.constant 288 : index
        %parallel_loop3A_170 = tpu.vector_load %arg5[%parallel_loop3A_168, %parallel_loop3A_169] {strides = array<i32>} : memref<32x2048xf32, #tpu.memory_space<vmem>>, vector<16xf32>,
        tpu.vector_store %arg5[%parallel_loop3A_168, %parallel_loop3A_169], %parallel_loop3A_161 {strides = array<i32>} : memref<32x2048xf32, #tpu.memory_space<vmem>>, vector<16xf32>,
        %parallel_loop3A_171 = arith.index_cast %parallel_loop3A_19 : i32 to index
        %parallel_loop3A_172 = arith.constant 304 : index
        %parallel_loop3A_173 = tpu.vector_load %arg5[%parallel_loop3A_171, %parallel_loop3A_172] {strides = array<i32>} : memref<32x2048xf32, #tpu.memory_space<vmem>>, vector<16xf32>,
        tpu.vector_store %arg5[%parallel_loop3A_171, %parallel_loop3A_172], %parallel_loop3A_161 {strides = array<i32>} : memref<32x2048xf32, #tpu.memory_space<vmem>>, vector<16xf32>,
        %parallel_loop3A_174 = arith.index_cast %parallel_loop3A_19 : i32 to index
        %parallel_loop3A_175 = arith.constant 320 : index
        %parallel_loop3A_176 = tpu.vector_load %arg5[%parallel_loop3A_174, %parallel_loop3A_175] {strides = array<i32>} : memref<32x2048xf32, #tpu.memory_space<vmem>>, vector<16xf32>,
        tpu.vector_store %arg5[%parallel_loop3A_174, %parallel_loop3A_175], %parallel_loop3A_161 {strides = array<i32>} : memref<32x2048xf32, #tpu.memory_space<vmem>>, vector<16xf32>,
        %parallel_loop3A_177 = arith.index_cast %parallel_loop3A_19 : i32 to index
        %parallel_loop3A_178 = arith.constant 336 : index
        %parallel_loop3A_179 = tpu.vector_load %arg5[%parallel_loop3A_177, %parallel_loop3A_178] {strides = array<i32>} : memref<32x2048xf32, #tpu.memory_space<vmem>>, vector<16xf32>,
        tpu.vector_store %arg5[%parallel_loop3A_177, %parallel_loop3A_178], %parallel_loop3A_161 {strides = array<i32>} : memref<32x2048xf32, #tpu.memory_space<vmem>>, vector<16xf32>,
        %parallel_loop3A_180 = arith.index_cast %parallel_loop3A_19 : i32 to index
        %parallel_loop3A_181 = arith.constant 352 : index
        %parallel_loop3A_182 = tpu.vector_load %arg5[%parallel_loop3A_180, %parallel_loop3A_181] {strides = array<i32>} : memref<32x2048xf32, #tpu.memory_space<vmem>>, vector<16xf32>,
        tpu.vector_store %arg5[%parallel_loop3A_180, %parallel_loop3A_181], %parallel_loop3A_161 {strides = array<i32>} : memref<32x2048xf32, #tpu.memory_space<vmem>>, vector<16xf32>,
        %parallel_loop3A_183 = arith.index_cast %parallel_loop3A_19 : i32 to index
        %parallel_loop3A_184 = arith.constant 368 : index
        %parallel_loop3A_185 = tpu.vector_load %arg5[%parallel_loop3A_183, %parallel_loop3A_184] {strides = array<i32>} : memref<32x2048xf32, #tpu.memory_space<vmem>>, vector<16xf32>,
        tpu.vector_store %arg5[%parallel_loop3A_183, %parallel_loop3A_184], %parallel_loop3A_161 {strides = array<i32>} : memref<32x2048xf32, #tpu.memory_space<vmem>>, vector<16xf32>,
        %parallel_loop3A_186 = arith.constant 3 : i32
        %parallel_loop3A_187 = vector.broadcast %parallel_loop3A_186 : i32 to vector<16xi32>
        %parallel_loop3A_188 = arith.constant 0 : i32
        %parallel_loop3A_189 = tpu.memref_slice %arg6[%parallel_loop3A_19, %parallel_loop3A_188] : memref<32x16xf32, #tpu.memory_space<vmem>> -> memref<1x16xf32, #tpu.memory_space<vmem>>
        %parallel_loop3A_190 = tpu.memref_squeeze %parallel_loop3A_189 : memref<1x16xf32, #tpu.memory_space<vmem>> -> memref<16xf32, #tpu.memory_space<vmem>>
        %parallel_loop3A_191 = tpu.vector_load_idx %parallel_loop3A_190[%parallel_loop3A_187] : memref<16xf32, #tpu.memory_space<vmem>>[vector<16xi32>], vector<16xf32>,
        %parallel_loop3A_192 = arith.index_cast %parallel_loop3A_19 : i32 to index
        %parallel_loop3A_193 = arith.constant 384 : index
        %parallel_loop3A_194 = tpu.vector_load %arg5[%parallel_loop3A_192, %parallel_loop3A_193] {strides = array<i32>} : memref<32x2048xf32, #tpu.memory_space<vmem>>, vector<16xf32>,
        tpu.vector_store %arg5[%parallel_loop3A_192, %parallel_loop3A_193], %parallel_loop3A_191 {strides = array<i32>} : memref<32x2048xf32, #tpu.memory_space<vmem>>, vector<16xf32>,
        %parallel_loop3A_195 = arith.index_cast %parallel_loop3A_19 : i32 to index
        %parallel_loop3A_196 = arith.constant 400 : index
        %parallel_loop3A_197 = tpu.vector_load %arg5[%parallel_loop3A_195, %parallel_loop3A_196] {strides = array<i32>} : memref<32x2048xf32, #tpu.memory_space<vmem>>, vector<16xf32>,
        tpu.vector_store %arg5[%parallel_loop3A_195, %parallel_loop3A_196], %parallel_loop3A_191 {strides = array<i32>} : memref<32x2048xf32, #tpu.memory_space<vmem>>, vector<16xf32>,
        %parallel_loop3A_198 = arith.index_cast %parallel_loop3A_19 : i32 to index
        %parallel_loop3A_199 = arith.constant 416 : index
        %parallel_loop3A_200 = tpu.vector_load %arg5[%parallel_loop3A_198, %parallel_loop3A_199] {strides = array<i32>} : memref<32x2048xf32, #tpu.memory_space<vmem>>, vector<16xf32>,
        tpu.vector_store %arg5[%parallel_loop3A_198, %parallel_loop3A_199], %parallel_loop3A_191 {strides = array<i32>} : memref<32x2048xf32, #tpu.memory_space<vmem>>, vector<16xf32>,
        %parallel_loop3A_201 = arith.index_cast %parallel_loop3A_19 : i32 to index
        %parallel_loop3A_202 = arith.constant 432 : index
        %parallel_loop3A_203 = tpu.vector_load %arg5[%parallel_loop3A_201, %parallel_loop3A_202] {strides = array<i32>} : memref<32x2048xf32, #tpu.memory_space<vmem>>, vector<16xf32>,
        tpu.vector_store %arg5[%parallel_loop3A_201, %parallel_loop3A_202], %parallel_loop3A_191 {strides = array<i32>} : memref<32x2048xf32, #tpu.memory_space<vmem>>, vector<16xf32>,
        %parallel_loop3A_204 = arith.index_cast %parallel_loop3A_19 : i32 to index
        %parallel_loop3A_205 = arith.constant 448 : index
        %parallel_loop3A_206 = tpu.vector_load %arg5[%parallel_loop3A_204, %parallel_loop3A_205] {strides = array<i32>} : memref<32x2048xf32, #tpu.memory_space<vmem>>, vector<16xf32>,
        tpu.vector_store %arg5[%parallel_loop3A_204, %parallel_loop3A_205], %parallel_loop3A_191 {strides = array<i32>} : memref<32x2048xf32, #tpu.memory_space<vmem>>, vector<16xf32>,
        %parallel_loop3A_207 = arith.index_cast %parallel_loop3A_19 : i32 to index
        %parallel_loop3A_208 = arith.constant 464 : index
        %parallel_loop3A_209 = tpu.vector_load %arg5[%parallel_loop3A_207, %parallel_loop3A_208] {strides = array<i32>} : memref<32x2048xf32, #tpu.memory_space<vmem>>, vector<16xf32>,
        tpu.vector_store %arg5[%parallel_loop3A_207, %parallel_loop3A_208], %parallel_loop3A_191 {strides = array<i32>} : memref<32x2048xf32, #tpu.memory_space<vmem>>, vector<16xf32>,
        %parallel_loop3A_210 = arith.index_cast %parallel_loop3A_19 : i32 to index
        %parallel_loop3A_211 = arith.constant 480 : index
        %parallel_loop3A_212 = tpu.vector_load %arg5[%parallel_loop3A_210, %parallel_loop3A_211] {strides = array<i32>} : memref<32x2048xf32, #tpu.memory_space<vmem>>, vector<16xf32>,
        tpu.vector_store %arg5[%parallel_loop3A_210, %parallel_loop3A_211], %parallel_loop3A_191 {strides = array<i32>} : memref<32x2048xf32, #tpu.memory_space<vmem>>, vector<16xf32>,
        %parallel_loop3A_213 = arith.index_cast %parallel_loop3A_19 : i32 to index
        %parallel_loop3A_214 = arith.constant 496 : index
        %parallel_loop3A_215 = tpu.vector_load %arg5[%parallel_loop3A_213, %parallel_loop3A_214] {strides = array<i32>} : memref<32x2048xf32, #tpu.memory_space<vmem>>, vector<16xf32>,
        tpu.vector_store %arg5[%parallel_loop3A_213, %parallel_loop3A_214], %parallel_loop3A_191 {strides = array<i32>} : memref<32x2048xf32, #tpu.memory_space<vmem>>, vector<16xf32>,
        %parallel_loop3A_216 = arith.constant 4 : i32
        %parallel_loop3A_217 = vector.broadcast %parallel_loop3A_216 : i32 to vector<16xi32>
        %parallel_loop3A_218 = arith.constant 0 : i32
        %parallel_loop3A_219 = tpu.memref_slice %arg6[%parallel_loop3A_19, %parallel_loop3A_218] : memref<32x16xf32, #tpu.memory_space<vmem>> -> memref<1x16xf32, #tpu.memory_space<vmem>>
        %parallel_loop3A_220 = tpu.memref_squeeze %parallel_loop3A_219 : memref<1x16xf32, #tpu.memory_space<vmem>> -> memref<16xf32, #tpu.memory_space<vmem>>
        %parallel_loop3A_221 = tpu.vector_load_idx %parallel_loop3A_220[%parallel_loop3A_217] : memref<16xf32, #tpu.memory_space<vmem>>[vector<16xi32>], vector<16xf32>,
        %parallel_loop3A_222 = arith.index_cast %parallel_loop3A_19 : i32 to index
        %parallel_loop3A_223 = arith.constant 512 : index
        %parallel_loop3A_224 = tpu.vector_load %arg5[%parallel_loop3A_222, %parallel_loop3A_223] {strides = array<i32>} : memref<32x2048xf32, #tpu.memory_space<vmem>>, vector<16xf32>,
        tpu.vector_store %arg5[%parallel_loop3A_222, %parallel_loop3A_223], %parallel_loop3A_221 {strides = array<i32>} : memref<32x2048xf32, #tpu.memory_space<vmem>>, vector<16xf32>,
        %parallel_loop3A_225 = arith.index_cast %parallel_loop3A_19 : i32 to index
        %parallel_loop3A_226 = arith.constant 528 : index
        %parallel_loop3A_227 = tpu.vector_load %arg5[%parallel_loop3A_225, %parallel_loop3A_226] {strides = array<i32>} : memref<32x2048xf32, #tpu.memory_space<vmem>>, vector<16xf32>,
        tpu.vector_store %arg5[%parallel_loop3A_225, %parallel_loop3A_226], %parallel_loop3A_221 {strides = array<i32>} : memref<32x2048xf32, #tpu.memory_space<vmem>>, vector<16xf32>,
        %parallel_loop3A_228 = arith.index_cast %parallel_loop3A_19 : i32 to index
        %parallel_loop3A_229 = arith.constant 544 : index
        %parallel_loop3A_230 = tpu.vector_load %arg5[%parallel_loop3A_228, %parallel_loop3A_229] {strides = array<i32>} : memref<32x2048xf32, #tpu.memory_space<vmem>>, vector<16xf32>,
        tpu.vector_store %arg5[%parallel_loop3A_228, %parallel_loop3A_229], %parallel_loop3A_221 {strides = array<i32>} : memref<32x2048xf32, #tpu.memory_space<vmem>>, vector<16xf32>,
        %parallel_loop3A_231 = arith.index_cast %parallel_loop3A_19 : i32 to index
        %parallel_loop3A_232 = arith.constant 560 : index
        %parallel_loop3A_233 = tpu.vector_load %arg5[%parallel_loop3A_231, %parallel_loop3A_232] {strides = array<i32>} : memref<32x2048xf32, #tpu.memory_space<vmem>>, vector<16xf32>,
        tpu.vector_store %arg5[%parallel_loop3A_231, %parallel_loop3A_232], %parallel_loop3A_221 {strides = array<i32>} : memref<32x2048xf32, #tpu.memory_space<vmem>>, vector<16xf32>,
        %parallel_loop3A_234 = arith.index_cast %parallel_loop3A_19 : i32 to index
        %parallel_loop3A_235 = arith.constant 576 : index
        %parallel_loop3A_236 = tpu.vector_load %arg5[%parallel_loop3A_234, %parallel_loop3A_235] {strides = array<i32>} : memref<32x2048xf32, #tpu.memory_space<vmem>>, vector<16xf32>,
        tpu.vector_store %arg5[%parallel_loop3A_234, %parallel_loop3A_235], %parallel_loop3A_221 {strides = array<i32>} : memref<32x2048xf32, #tpu.memory_space<vmem>>, vector<16xf32>,
        %parallel_loop3A_237 = arith.index_cast %parallel_loop3A_19 : i32 to index
        %parallel_loop3A_238 = arith.constant 592 : index
        %parallel_loop3A_239 = tpu.vector_load %arg5[%parallel_loop3A_237, %parallel_loop3A_238] {strides = array<i32>} : memref<32x2048xf32, #tpu.memory_space<vmem>>, vector<16xf32>,
        tpu.vector_store %arg5[%parallel_loop3A_237, %parallel_loop3A_238], %parallel_loop3A_221 {strides = array<i32>} : memref<32x2048xf32, #tpu.memory_space<vmem>>, vector<16xf32>,
        %parallel_loop3A_240 = arith.index_cast %parallel_loop3A_19 : i32 to index
        %parallel_loop3A_241 = arith.constant 608 : index
        %parallel_loop3A_242 = tpu.vector_load %arg5[%parallel_loop3A_240, %parallel_loop3A_241] {strides = array<i32>} : memref<32x2048xf32, #tpu.memory_space<vmem>>, vector<16xf32>,
        tpu.vector_store %arg5[%parallel_loop3A_240, %parallel_loop3A_241], %parallel_loop3A_221 {strides = array<i32>} : memref<32x2048xf32, #tpu.memory_space<vmem>>, vector<16xf32>,
        %parallel_loop3A_243 = arith.index_cast %parallel_loop3A_19 : i32 to index
        %parallel_loop3A_244 = arith.constant 624 : index
        %parallel_loop3A_245 = tpu.vector_load %arg5[%parallel_loop3A_243, %parallel_loop3A_244] {strides = array<i32>} : memref<32x2048xf32, #tpu.memory_space<vmem>>, vector<16xf32>,
        tpu.vector_store %arg5[%parallel_loop3A_243, %parallel_loop3A_244], %parallel_loop3A_221 {strides = array<i32>} : memref<32x2048xf32, #tpu.memory_space<vmem>>, vector<16xf32>,
        %parallel_loop3A_246 = arith.constant 5 : i32
        %parallel_loop3A_247 = vector.broadcast %parallel_loop3A_246 : i32 to vector<16xi32>
        %parallel_loop3A_248 = arith.constant 0 : i32
        %parallel_loop3A_249 = tpu.memref_slice %arg6[%parallel_loop3A_19, %parallel_loop3A_248] : memref<32x16xf32, #tpu.memory_space<vmem>> -> memref<1x16xf32, #tpu.memory_space<vmem>>
        %parallel_loop3A_250 = tpu.memref_squeeze %parallel_loop3A_249 : memref<1x16xf32, #tpu.memory_space<vmem>> -> memref<16xf32, #tpu.memory_space<vmem>>
        %parallel_loop3A_251 = tpu.vector_load_idx %parallel_loop3A_250[%parallel_loop3A_247] : memref<16xf32, #tpu.memory_space<vmem>>[vector<16xi32>], vector<16xf32>,
        %parallel_loop3A_252 = arith.index_cast %parallel_loop3A_19 : i32 to index
        %parallel_loop3A_253 = arith.constant 640 : index
        %parallel_loop3A_254 = tpu.vector_load %arg5[%parallel_loop3A_252, %parallel_loop3A_253] {strides = array<i32>} : memref<32x2048xf32, #tpu.memory_space<vmem>>, vector<16xf32>,
        tpu.vector_store %arg5[%parallel_loop3A_252, %parallel_loop3A_253], %parallel_loop3A_251 {strides = array<i32>} : memref<32x2048xf32, #tpu.memory_space<vmem>>, vector<16xf32>,
        %parallel_loop3A_255 = arith.index_cast %parallel_loop3A_19 : i32 to index
        %parallel_loop3A_256 = arith.constant 656 : index
        %parallel_loop3A_257 = tpu.vector_load %arg5[%parallel_loop3A_255, %parallel_loop3A_256] {strides = array<i32>} : memref<32x2048xf32, #tpu.memory_space<vmem>>, vector<16xf32>,
        tpu.vector_store %arg5[%parallel_loop3A_255, %parallel_loop3A_256], %parallel_loop3A_251 {strides = array<i32>} : memref<32x2048xf32, #tpu.memory_space<vmem>>, vector<16xf32>,
        %parallel_loop3A_258 = arith.index_cast %parallel_loop3A_19 : i32 to index
        %parallel_loop3A_259 = arith.constant 672 : index
        %parallel_loop3A_260 = tpu.vector_load %arg5[%parallel_loop3A_258, %parallel_loop3A_259] {strides = array<i32>} : memref<32x2048xf32, #tpu.memory_space<vmem>>, vector<16xf32>,
        tpu.vector_store %arg5[%parallel_loop3A_258, %parallel_loop3A_259], %parallel_loop3A_251 {strides = array<i32>} : memref<32x2048xf32, #tpu.memory_space<vmem>>, vector<16xf32>,
        %parallel_loop3A_261 = arith.index_cast %parallel_loop3A_19 : i32 to index
        %parallel_loop3A_262 = arith.constant 688 : index
        %parallel_loop3A_263 = tpu.vector_load %arg5[%parallel_loop3A_261, %parallel_loop3A_262] {strides = array<i32>} : memref<32x2048xf32, #tpu.memory_space<vmem>>, vector<16xf32>,
        tpu.vector_store %arg5[%parallel_loop3A_261, %parallel_loop3A_262], %parallel_loop3A_251 {strides = array<i32>} : memref<32x2048xf32, #tpu.memory_space<vmem>>, vector<16xf32>,
        %parallel_loop3A_264 = arith.index_cast %parallel_loop3A_19 : i32 to index
        %parallel_loop3A_265 = arith.constant 704 : index
        %parallel_loop3A_266 = tpu.vector_load %arg5[%parallel_loop3A_264, %parallel_loop3A_265] {strides = array<i32>} : memref<32x2048xf32, #tpu.memory_space<vmem>>, vector<16xf32>,
        tpu.vector_store %arg5[%parallel_loop3A_264, %parallel_loop3A_265], %parallel_loop3A_251 {strides = array<i32>} : memref<32x2048xf32, #tpu.memory_space<vmem>>, vector<16xf32>,
        %parallel_loop3A_267 = arith.index_cast %parallel_loop3A_19 : i32 to index
        %parallel_loop3A_268 = arith.constant 720 : index
        %parallel_loop3A_269 = tpu.vector_load %arg5[%parallel_loop3A_267, %parallel_loop3A_268] {strides = array<i32>} : memref<32x2048xf32, #tpu.memory_space<vmem>>, vector<16xf32>,
        tpu.vector_store %arg5[%parallel_loop3A_267, %parallel_loop3A_268], %parallel_loop3A_251 {strides = array<i32>} : memref<32x2048xf32, #tpu.memory_space<vmem>>, vector<16xf32>,
        %parallel_loop3A_270 = arith.index_cast %parallel_loop3A_19 : i32 to index
        %parallel_loop3A_271 = arith.constant 736 : index
        %parallel_loop3A_272 = tpu.vector_load %arg5[%parallel_loop3A_270, %parallel_loop3A_271] {strides = array<i32>} : memref<32x2048xf32, #tpu.memory_space<vmem>>, vector<16xf32>,
        tpu.vector_store %arg5[%parallel_loop3A_270, %parallel_loop3A_271], %parallel_loop3A_251 {strides = array<i32>} : memref<32x2048xf32, #tpu.memory_space<vmem>>, vector<16xf32>,
        %parallel_loop3A_273 = arith.index_cast %parallel_loop3A_19 : i32 to index
        %parallel_loop3A_274 = arith.constant 752 : index
        %parallel_loop3A_275 = tpu.vector_load %arg5[%parallel_loop3A_273, %parallel_loop3A_274] {strides = array<i32>} : memref<32x2048xf32, #tpu.memory_space<vmem>>, vector<16xf32>,
        tpu.vector_store %arg5[%parallel_loop3A_273, %parallel_loop3A_274], %parallel_loop3A_251 {strides = array<i32>} : memref<32x2048xf32, #tpu.memory_space<vmem>>, vector<16xf32>,
        %parallel_loop3A_276 = arith.constant 6 : i32
        %parallel_loop3A_277 = vector.broadcast %parallel_loop3A_276 : i32 to vector<16xi32>
        %parallel_loop3A_278 = arith.constant 0 : i32
        %parallel_loop3A_279 = tpu.memref_slice %arg6[%parallel_loop3A_19, %parallel_loop3A_278] : memref<32x16xf32, #tpu.memory_space<vmem>> -> memref<1x16xf32, #tpu.memory_space<vmem>>
        %parallel_loop3A_280 = tpu.memref_squeeze %parallel_loop3A_279 : memref<1x16xf32, #tpu.memory_space<vmem>> -> memref<16xf32, #tpu.memory_space<vmem>>
        %parallel_loop3A_281 = tpu.vector_load_idx %parallel_loop3A_280[%parallel_loop3A_277] : memref<16xf32, #tpu.memory_space<vmem>>[vector<16xi32>], vector<16xf32>,
        %parallel_loop3A_282 = arith.index_cast %parallel_loop3A_19 : i32 to index
        %parallel_loop3A_283 = arith.constant 768 : index
        %parallel_loop3A_284 = tpu.vector_load %arg5[%parallel_loop3A_282, %parallel_loop3A_283] {strides = array<i32>} : memref<32x2048xf32, #tpu.memory_space<vmem>>, vector<16xf32>,
        tpu.vector_store %arg5[%parallel_loop3A_282, %parallel_loop3A_283], %parallel_loop3A_281 {strides = array<i32>} : memref<32x2048xf32, #tpu.memory_space<vmem>>, vector<16xf32>,
        %parallel_loop3A_285 = arith.index_cast %parallel_loop3A_19 : i32 to index
        %parallel_loop3A_286 = arith.constant 784 : index
        %parallel_loop3A_287 = tpu.vector_load %arg5[%parallel_loop3A_285, %parallel_loop3A_286] {strides = array<i32>} : memref<32x2048xf32, #tpu.memory_space<vmem>>, vector<16xf32>,
        tpu.vector_store %arg5[%parallel_loop3A_285, %parallel_loop3A_286], %parallel_loop3A_281 {strides = array<i32>} : memref<32x2048xf32, #tpu.memory_space<vmem>>, vector<16xf32>,
        %parallel_loop3A_288 = arith.index_cast %parallel_loop3A_19 : i32 to index
        %parallel_loop3A_289 = arith.constant 800 : index
        %parallel_loop3A_290 = tpu.vector_load %arg5[%parallel_loop3A_288, %parallel_loop3A_289] {strides = array<i32>} : memref<32x2048xf32, #tpu.memory_space<vmem>>, vector<16xf32>,
        tpu.vector_store %arg5[%parallel_loop3A_288, %parallel_loop3A_289], %parallel_loop3A_281 {strides = array<i32>} : memref<32x2048xf32, #tpu.memory_space<vmem>>, vector<16xf32>,
        %parallel_loop3A_291 = arith.index_cast %parallel_loop3A_19 : i32 to index
        %parallel_loop3A_292 = arith.constant 816 : index
        %parallel_loop3A_293 = tpu.vector_load %arg5[%parallel_loop3A_291, %parallel_loop3A_292] {strides = array<i32>} : memref<32x2048xf32, #tpu.memory_space<vmem>>, vector<16xf32>,
        tpu.vector_store %arg5[%parallel_loop3A_291, %parallel_loop3A_292], %parallel_loop3A_281 {strides = array<i32>} : memref<32x2048xf32, #tpu.memory_space<vmem>>, vector<16xf32>,
        %parallel_loop3A_294 = arith.index_cast %parallel_loop3A_19 : i32 to index
        %parallel_loop3A_295 = arith.constant 832 : index
        %parallel_loop3A_296 = tpu.vector_load %arg5[%parallel_loop3A_294, %parallel_loop3A_295] {strides = array<i32>} : memref<32x2048xf32, #tpu.memory_space<vmem>>, vector<16xf32>,
        tpu.vector_store %arg5[%parallel_loop3A_294, %parallel_loop3A_295], %parallel_loop3A_281 {strides = array<i32>} : memref<32x2048xf32, #tpu.memory_space<vmem>>, vector<16xf32>,
        %parallel_loop3A_297 = arith.index_cast %parallel_loop3A_19 : i32 to index
        %parallel_loop3A_298 = arith.constant 848 : index
        %parallel_loop3A_299 = tpu.vector_load %arg5[%parallel_loop3A_297, %parallel_loop3A_298] {strides = array<i32>} : memref<32x2048xf32, #tpu.memory_space<vmem>>, vector<16xf32>,
        tpu.vector_store %arg5[%parallel_loop3A_297, %parallel_loop3A_298], %parallel_loop3A_281 {strides = array<i32>} : memref<32x2048xf32, #tpu.memory_space<vmem>>, vector<16xf32>,
        %parallel_loop3A_300 = arith.index_cast %parallel_loop3A_19 : i32 to index
        %parallel_loop3A_301 = arith.constant 864 : index
        %parallel_loop3A_302 = tpu.vector_load %arg5[%parallel_loop3A_300, %parallel_loop3A_301] {strides = array<i32>} : memref<32x2048xf32, #tpu.memory_space<vmem>>, vector<16xf32>,
        tpu.vector_store %arg5[%parallel_loop3A_300, %parallel_loop3A_301], %parallel_loop3A_281 {strides = array<i32>} : memref<32x2048xf32, #tpu.memory_space<vmem>>, vector<16xf32>,
        %parallel_loop3A_303 = arith.index_cast %parallel_loop3A_19 : i32 to index
        %parallel_loop3A_304 = arith.constant 880 : index
        %parallel_loop3A_305 = tpu.vector_load %arg5[%parallel_loop3A_303, %parallel_loop3A_304] {strides = array<i32>} : memref<32x2048xf32, #tpu.memory_space<vmem>>, vector<16xf32>,
        tpu.vector_store %arg5[%parallel_loop3A_303, %parallel_loop3A_304], %parallel_loop3A_281 {strides = array<i32>} : memref<32x2048xf32, #tpu.memory_space<vmem>>, vector<16xf32>,
        %parallel_loop3A_306 = arith.constant 7 : i32
        %parallel_loop3A_307 = vector.broadcast %parallel_loop3A_306 : i32 to vector<16xi32>
        %parallel_loop3A_308 = arith.constant 0 : i32
        %parallel_loop3A_309 = tpu.memref_slice %arg6[%parallel_loop3A_19, %parallel_loop3A_308] : memref<32x16xf32, #tpu.memory_space<vmem>> -> memref<1x16xf32, #tpu.memory_space<vmem>>
        %parallel_loop3A_310 = tpu.memref_squeeze %parallel_loop3A_309 : memref<1x16xf32, #tpu.memory_space<vmem>> -> memref<16xf32, #tpu.memory_space<vmem>>
        %parallel_loop3A_311 = tpu.vector_load_idx %parallel_loop3A_310[%parallel_loop3A_307] : memref<16xf32, #tpu.memory_space<vmem>>[vector<16xi32>], vector<16xf32>,
        %parallel_loop3A_312 = arith.index_cast %parallel_loop3A_19 : i32 to index
        %parallel_loop3A_313 = arith.constant 896 : index
        %parallel_loop3A_314 = tpu.vector_load %arg5[%parallel_loop3A_312, %parallel_loop3A_313] {strides = array<i32>} : memref<32x2048xf32, #tpu.memory_space<vmem>>, vector<16xf32>,
        tpu.vector_store %arg5[%parallel_loop3A_312, %parallel_loop3A_313], %parallel_loop3A_311 {strides = array<i32>} : memref<32x2048xf32, #tpu.memory_space<vmem>>, vector<16xf32>,
        %parallel_loop3A_315 = arith.index_cast %parallel_loop3A_19 : i32 to index
        %parallel_loop3A_316 = arith.constant 912 : index
        %parallel_loop3A_317 = tpu.vector_load %arg5[%parallel_loop3A_315, %parallel_loop3A_316] {strides = array<i32>} : memref<32x2048xf32, #tpu.memory_space<vmem>>, vector<16xf32>,
        tpu.vector_store %arg5[%parallel_loop3A_315, %parallel_loop3A_316], %parallel_loop3A_311 {strides = array<i32>} : memref<32x2048xf32, #tpu.memory_space<vmem>>, vector<16xf32>,
        %parallel_loop3A_318 = arith.index_cast %parallel_loop3A_19 : i32 to index
        %parallel_loop3A_319 = arith.constant 928 : index
        %parallel_loop3A_320 = tpu.vector_load %arg5[%parallel_loop3A_318, %parallel_loop3A_319] {strides = array<i32>} : memref<32x2048xf32, #tpu.memory_space<vmem>>, vector<16xf32>,
        tpu.vector_store %arg5[%parallel_loop3A_318, %parallel_loop3A_319], %parallel_loop3A_311 {strides = array<i32>} : memref<32x2048xf32, #tpu.memory_space<vmem>>, vector<16xf32>,
        %parallel_loop3A_321 = arith.index_cast %parallel_loop3A_19 : i32 to index
        %parallel_loop3A_322 = arith.constant 944 : index
        %parallel_loop3A_323 = tpu.vector_load %arg5[%parallel_loop3A_321, %parallel_loop3A_322] {strides = array<i32>} : memref<32x2048xf32, #tpu.memory_space<vmem>>, vector<16xf32>,
        tpu.vector_store %arg5[%parallel_loop3A_321, %parallel_loop3A_322], %parallel_loop3A_311 {strides = array<i32>} : memref<32x2048xf32, #tpu.memory_space<vmem>>, vector<16xf32>,
        %parallel_loop3A_324 = arith.index_cast %parallel_loop3A_19 : i32 to index
        %parallel_loop3A_325 = arith.constant 960 : index
        %parallel_loop3A_326 = tpu.vector_load %arg5[%parallel_loop3A_324, %parallel_loop3A_325] {strides = array<i32>} : memref<32x2048xf32, #tpu.memory_space<vmem>>, vector<16xf32>,
        tpu.vector_store %arg5[%parallel_loop3A_324, %parallel_loop3A_325], %parallel_loop3A_311 {strides = array<i32>} : memref<32x2048xf32, #tpu.memory_space<vmem>>, vector<16xf32>,
        %parallel_loop3A_327 = arith.index_cast %parallel_loop3A_19 : i32 to index
        %parallel_loop3A_328 = arith.constant 976 : index
        %parallel_loop3A_329 = tpu.vector_load %arg5[%parallel_loop3A_327, %parallel_loop3A_328] {strides = array<i32>} : memref<32x2048xf32, #tpu.memory_space<vmem>>, vector<16xf32>,
        tpu.vector_store %arg5[%parallel_loop3A_327, %parallel_loop3A_328], %parallel_loop3A_311 {strides = array<i32>} : memref<32x2048xf32, #tpu.memory_space<vmem>>, vector<16xf32>,
        %parallel_loop3A_330 = arith.index_cast %parallel_loop3A_19 : i32 to index
        %parallel_loop3A_331 = arith.constant 992 : index
        %parallel_loop3A_332 = tpu.vector_load %arg5[%parallel_loop3A_330, %parallel_loop3A_331] {strides = array<i32>} : memref<32x2048xf32, #tpu.memory_space<vmem>>, vector<16xf32>,
        tpu.vector_store %arg5[%parallel_loop3A_330, %parallel_loop3A_331], %parallel_loop3A_311 {strides = array<i32>} : memref<32x2048xf32, #tpu.memory_space<vmem>>, vector<16xf32>,
        %parallel_loop3A_333 = arith.index_cast %parallel_loop3A_19 : i32 to index
        %parallel_loop3A_334 = arith.constant 1008 : index
        %parallel_loop3A_335 = tpu.vector_load %arg5[%parallel_loop3A_333, %parallel_loop3A_334] {strides = array<i32>} : memref<32x2048xf32, #tpu.memory_space<vmem>>, vector<16xf32>,
        tpu.vector_store %arg5[%parallel_loop3A_333, %parallel_loop3A_334], %parallel_loop3A_311 {strides = array<i32>} : memref<32x2048xf32, #tpu.memory_space<vmem>>, vector<16xf32>,
        %parallel_loop3A_336 = arith.constant 8 : i32
        %parallel_loop3A_337 = vector.broadcast %parallel_loop3A_336 : i32 to vector<16xi32>
        %parallel_loop3A_338 = arith.constant 0 : i32
        %parallel_loop3A_339 = tpu.memref_slice %arg6[%parallel_loop3A_19, %parallel_loop3A_338] : memref<32x16xf32, #tpu.memory_space<vmem>> -> memref<1x16xf32, #tpu.memory_space<vmem>>
        %parallel_loop3A_340 = tpu.memref_squeeze %parallel_loop3A_339 : memref<1x16xf32, #tpu.memory_space<vmem>> -> memref<16xf32, #tpu.memory_space<vmem>>
        %parallel_loop3A_341 = tpu.vector_load_idx %parallel_loop3A_340[%parallel_loop3A_337] : memref<16xf32, #tpu.memory_space<vmem>>[vector<16xi32>], vector<16xf32>,
        %parallel_loop3A_342 = arith.index_cast %parallel_loop3A_19 : i32 to index
        %parallel_loop3A_343 = arith.constant 1024 : index
        %parallel_loop3A_344 = tpu.vector_load %arg5[%parallel_loop3A_342, %parallel_loop3A_343] {strides = array<i32>} : memref<32x2048xf32, #tpu.memory_space<vmem>>, vector<16xf32>,
        tpu.vector_store %arg5[%parallel_loop3A_342, %parallel_loop3A_343], %parallel_loop3A_341 {strides = array<i32>} : memref<32x2048xf32, #tpu.memory_space<vmem>>, vector<16xf32>,
        %parallel_loop3A_345 = arith.index_cast %parallel_loop3A_19 : i32 to index
        %parallel_loop3A_346 = arith.constant 1040 : index
        %parallel_loop3A_347 = tpu.vector_load %arg5[%parallel_loop3A_345, %parallel_loop3A_346] {strides = array<i32>} : memref<32x2048xf32, #tpu.memory_space<vmem>>, vector<16xf32>,
        tpu.vector_store %arg5[%parallel_loop3A_345, %parallel_loop3A_346], %parallel_loop3A_341 {strides = array<i32>} : memref<32x2048xf32, #tpu.memory_space<vmem>>, vector<16xf32>,
        %parallel_loop3A_348 = arith.index_cast %parallel_loop3A_19 : i32 to index
        %parallel_loop3A_349 = arith.constant 1056 : index
        %parallel_loop3A_350 = tpu.vector_load %arg5[%parallel_loop3A_348, %parallel_loop3A_349] {strides = array<i32>} : memref<32x2048xf32, #tpu.memory_space<vmem>>, vector<16xf32>,
        tpu.vector_store %arg5[%parallel_loop3A_348, %parallel_loop3A_349], %parallel_loop3A_341 {strides = array<i32>} : memref<32x2048xf32, #tpu.memory_space<vmem>>, vector<16xf32>,
        %parallel_loop3A_351 = arith.index_cast %parallel_loop3A_19 : i32 to index
        %parallel_loop3A_352 = arith.constant 1072 : index
        %parallel_loop3A_353 = tpu.vector_load %arg5[%parallel_loop3A_351, %parallel_loop3A_352] {strides = array<i32>} : memref<32x2048xf32, #tpu.memory_space<vmem>>, vector<16xf32>,
        tpu.vector_store %arg5[%parallel_loop3A_351, %parallel_loop3A_352], %parallel_loop3A_341 {strides = array<i32>} : memref<32x2048xf32, #tpu.memory_space<vmem>>, vector<16xf32>,
        %parallel_loop3A_354 = arith.index_cast %parallel_loop3A_19 : i32 to index
        %parallel_loop3A_355 = arith.constant 1088 : index
        %parallel_loop3A_356 = tpu.vector_load %arg5[%parallel_loop3A_354, %parallel_loop3A_355] {strides = array<i32>} : memref<32x2048xf32, #tpu.memory_space<vmem>>, vector<16xf32>,
        tpu.vector_store %arg5[%parallel_loop3A_354, %parallel_loop3A_355], %parallel_loop3A_341 {strides = array<i32>} : memref<32x2048xf32, #tpu.memory_space<vmem>>, vector<16xf32>,
        %parallel_loop3A_357 = arith.index_cast %parallel_loop3A_19 : i32 to index
        %parallel_loop3A_358 = arith.constant 1104 : index
        %parallel_loop3A_359 = tpu.vector_load %arg5[%parallel_loop3A_357, %parallel_loop3A_358] {strides = array<i32>} : memref<32x2048xf32, #tpu.memory_space<vmem>>, vector<16xf32>,
        tpu.vector_store %arg5[%parallel_loop3A_357, %parallel_loop3A_358], %parallel_loop3A_341 {strides = array<i32>} : memref<32x2048xf32, #tpu.memory_space<vmem>>, vector<16xf32>,
        %parallel_loop3A_360 = arith.index_cast %parallel_loop3A_19 : i32 to index
        %parallel_loop3A_361 = arith.constant 1120 : index
        %parallel_loop3A_362 = tpu.vector_load %arg5[%parallel_loop3A_360, %parallel_loop3A_361] {strides = array<i32>} : memref<32x2048xf32, #tpu.memory_space<vmem>>, vector<16xf32>,
        tpu.vector_store %arg5[%parallel_loop3A_360, %parallel_loop3A_361], %parallel_loop3A_341 {strides = array<i32>} : memref<32x2048xf32, #tpu.memory_space<vmem>>, vector<16xf32>,
        %parallel_loop3A_363 = arith.index_cast %parallel_loop3A_19 : i32 to index
        %parallel_loop3A_364 = arith.constant 1136 : index
        %parallel_loop3A_365 = tpu.vector_load %arg5[%parallel_loop3A_363, %parallel_loop3A_364] {strides = array<i32>} : memref<32x2048xf32, #tpu.memory_space<vmem>>, vector<16xf32>,
        tpu.vector_store %arg5[%parallel_loop3A_363, %parallel_loop3A_364], %parallel_loop3A_341 {strides = array<i32>} : memref<32x2048xf32, #tpu.memory_space<vmem>>, vector<16xf32>,
        %parallel_loop3A_366 = arith.constant 9 : i32
        %parallel_loop3A_367 = vector.broadcast %parallel_loop3A_366 : i32 to vector<16xi32>
        %parallel_loop3A_368 = arith.constant 0 : i32
        %parallel_loop3A_369 = tpu.memref_slice %arg6[%parallel_loop3A_19, %parallel_loop3A_368] : memref<32x16xf32, #tpu.memory_space<vmem>> -> memref<1x16xf32, #tpu.memory_space<vmem>>
        %parallel_loop3A_370 = tpu.memref_squeeze %parallel_loop3A_369 : memref<1x16xf32, #tpu.memory_space<vmem>> -> memref<16xf32, #tpu.memory_space<vmem>>
        %parallel_loop3A_371 = tpu.vector_load_idx %parallel_loop3A_370[%parallel_loop3A_367] : memref<16xf32, #tpu.memory_space<vmem>>[vector<16xi32>], vector<16xf32>,
        %parallel_loop3A_372 = arith.index_cast %parallel_loop3A_19 : i32 to index
        %parallel_loop3A_373 = arith.constant 1152 : index
        %parallel_loop3A_374 = tpu.vector_load %arg5[%parallel_loop3A_372, %parallel_loop3A_373] {strides = array<i32>} : memref<32x2048xf32, #tpu.memory_space<vmem>>, vector<16xf32>,
        tpu.vector_store %arg5[%parallel_loop3A_372, %parallel_loop3A_373], %parallel_loop3A_371 {strides = array<i32>} : memref<32x2048xf32, #tpu.memory_space<vmem>>, vector<16xf32>,
        %parallel_loop3A_375 = arith.index_cast %parallel_loop3A_19 : i32 to index
        %parallel_loop3A_376 = arith.constant 1168 : index
        %parallel_loop3A_377 = tpu.vector_load %arg5[%parallel_loop3A_375, %parallel_loop3A_376] {strides = array<i32>} : memref<32x2048xf32, #tpu.memory_space<vmem>>, vector<16xf32>,
        tpu.vector_store %arg5[%parallel_loop3A_375, %parallel_loop3A_376], %parallel_loop3A_371 {strides = array<i32>} : memref<32x2048xf32, #tpu.memory_space<vmem>>, vector<16xf32>,
        %parallel_loop3A_378 = arith.index_cast %parallel_loop3A_19 : i32 to index
        %parallel_loop3A_379 = arith.constant 1184 : index
        %parallel_loop3A_380 = tpu.vector_load %arg5[%parallel_loop3A_378, %parallel_loop3A_379] {strides = array<i32>} : memref<32x2048xf32, #tpu.memory_space<vmem>>, vector<16xf32>,
        tpu.vector_store %arg5[%parallel_loop3A_378, %parallel_loop3A_379], %parallel_loop3A_371 {strides = array<i32>} : memref<32x2048xf32, #tpu.memory_space<vmem>>, vector<16xf32>,
        %parallel_loop3A_381 = arith.index_cast %parallel_loop3A_19 : i32 to index
        %parallel_loop3A_382 = arith.constant 1200 : index
        %parallel_loop3A_383 = tpu.vector_load %arg5[%parallel_loop3A_381, %parallel_loop3A_382] {strides = array<i32>} : memref<32x2048xf32, #tpu.memory_space<vmem>>, vector<16xf32>,
        tpu.vector_store %arg5[%parallel_loop3A_381, %parallel_loop3A_382], %parallel_loop3A_371 {strides = array<i32>} : memref<32x2048xf32, #tpu.memory_space<vmem>>, vector<16xf32>,
        %parallel_loop3A_384 = arith.index_cast %parallel_loop3A_19 : i32 to index
        %parallel_loop3A_385 = arith.constant 1216 : index
        %parallel_loop3A_386 = tpu.vector_load %arg5[%parallel_loop3A_384, %parallel_loop3A_385] {strides = array<i32>} : memref<32x2048xf32, #tpu.memory_space<vmem>>, vector<16xf32>,
        tpu.vector_store %arg5[%parallel_loop3A_384, %parallel_loop3A_385], %parallel_loop3A_371 {strides = array<i32>} : memref<32x2048xf32, #tpu.memory_space<vmem>>, vector<16xf32>,
        %parallel_loop3A_387 = arith.index_cast %parallel_loop3A_19 : i32 to index
        %parallel_loop3A_388 = arith.constant 1232 : index
        %parallel_loop3A_389 = tpu.vector_load %arg5[%parallel_loop3A_387, %parallel_loop3A_388] {strides = array<i32>} : memref<32x2048xf32, #tpu.memory_space<vmem>>, vector<16xf32>,
        tpu.vector_store %arg5[%parallel_loop3A_387, %parallel_loop3A_388], %parallel_loop3A_371 {strides = array<i32>} : memref<32x2048xf32, #tpu.memory_space<vmem>>, vector<16xf32>,
        %parallel_loop3A_390 = arith.index_cast %parallel_loop3A_19 : i32 to index
        %parallel_loop3A_391 = arith.constant 1248 : index
        %parallel_loop3A_392 = tpu.vector_load %arg5[%parallel_loop3A_390, %parallel_loop3A_391] {strides = array<i32>} : memref<32x2048xf32, #tpu.memory_space<vmem>>, vector<16xf32>,
        tpu.vector_store %arg5[%parallel_loop3A_390, %parallel_loop3A_391], %parallel_loop3A_371 {strides = array<i32>} : memref<32x2048xf32, #tpu.memory_space<vmem>>, vector<16xf32>,
        %parallel_loop3A_393 = arith.index_cast %parallel_loop3A_19 : i32 to index
        %parallel_loop3A_394 = arith.constant 1264 : index
        %parallel_loop3A_395 = tpu.vector_load %arg5[%parallel_loop3A_393, %parallel_loop3A_394] {strides = array<i32>} : memref<32x2048xf32, #tpu.memory_space<vmem>>, vector<16xf32>,
        tpu.vector_store %arg5[%parallel_loop3A_393, %parallel_loop3A_394], %parallel_loop3A_371 {strides = array<i32>} : memref<32x2048xf32, #tpu.memory_space<vmem>>, vector<16xf32>,
        %parallel_loop3A_396 = arith.constant 10 : i32
        %parallel_loop3A_397 = vector.broadcast %parallel_loop3A_396 : i32 to vector<16xi32>
        %parallel_loop3A_398 = arith.constant 0 : i32
        %parallel_loop3A_399 = tpu.memref_slice %arg6[%parallel_loop3A_19, %parallel_loop3A_398] : memref<32x16xf32, #tpu.memory_space<vmem>> -> memref<1x16xf32, #tpu.memory_space<vmem>>
        %parallel_loop3A_400 = tpu.memref_squeeze %parallel_loop3A_399 : memref<1x16xf32, #tpu.memory_space<vmem>> -> memref<16xf32, #tpu.memory_space<vmem>>
        %parallel_loop3A_401 = tpu.vector_load_idx %parallel_loop3A_400[%parallel_loop3A_397] : memref<16xf32, #tpu.memory_space<vmem>>[vector<16xi32>], vector<16xf32>,
        %parallel_loop3A_402 = arith.index_cast %parallel_loop3A_19 : i32 to index
        %parallel_loop3A_403 = arith.constant 1280 : index
        %parallel_loop3A_404 = tpu.vector_load %arg5[%parallel_loop3A_402, %parallel_loop3A_403] {strides = array<i32>} : memref<32x2048xf32, #tpu.memory_space<vmem>>, vector<16xf32>,
        tpu.vector_store %arg5[%parallel_loop3A_402, %parallel_loop3A_403], %parallel_loop3A_401 {strides = array<i32>} : memref<32x2048xf32, #tpu.memory_space<vmem>>, vector<16xf32>,
        %parallel_loop3A_405 = arith.index_cast %parallel_loop3A_19 : i32 to index
        %parallel_loop3A_406 = arith.constant 1296 : index
        %parallel_loop3A_407 = tpu.vector_load %arg5[%parallel_loop3A_405, %parallel_loop3A_406] {strides = array<i32>} : memref<32x2048xf32, #tpu.memory_space<vmem>>, vector<16xf32>,
        tpu.vector_store %arg5[%parallel_loop3A_405, %parallel_loop3A_406], %parallel_loop3A_401 {strides = array<i32>} : memref<32x2048xf32, #tpu.memory_space<vmem>>, vector<16xf32>,
        %parallel_loop3A_408 = arith.index_cast %parallel_loop3A_19 : i32 to index
        %parallel_loop3A_409 = arith.constant 1312 : index
        %parallel_loop3A_410 = tpu.vector_load %arg5[%parallel_loop3A_408, %parallel_loop3A_409] {strides = array<i32>} : memref<32x2048xf32, #tpu.memory_space<vmem>>, vector<16xf32>,
        tpu.vector_store %arg5[%parallel_loop3A_408, %parallel_loop3A_409], %parallel_loop3A_401 {strides = array<i32>} : memref<32x2048xf32, #tpu.memory_space<vmem>>, vector<16xf32>,
        %parallel_loop3A_411 = arith.index_cast %parallel_loop3A_19 : i32 to index
        %parallel_loop3A_412 = arith.constant 1328 : index
        %parallel_loop3A_413 = tpu.vector_load %arg5[%parallel_loop3A_411, %parallel_loop3A_412] {strides = array<i32>} : memref<32x2048xf32, #tpu.memory_space<vmem>>, vector<16xf32>,
        tpu.vector_store %arg5[%parallel_loop3A_411, %parallel_loop3A_412], %parallel_loop3A_401 {strides = array<i32>} : memref<32x2048xf32, #tpu.memory_space<vmem>>, vector<16xf32>,
        %parallel_loop3A_414 = arith.index_cast %parallel_loop3A_19 : i32 to index
        %parallel_loop3A_415 = arith.constant 1344 : index
        %parallel_loop3A_416 = tpu.vector_load %arg5[%parallel_loop3A_414, %parallel_loop3A_415] {strides = array<i32>} : memref<32x2048xf32, #tpu.memory_space<vmem>>, vector<16xf32>,
        tpu.vector_store %arg5[%parallel_loop3A_414, %parallel_loop3A_415], %parallel_loop3A_401 {strides = array<i32>} : memref<32x2048xf32, #tpu.memory_space<vmem>>, vector<16xf32>,
        %parallel_loop3A_417 = arith.index_cast %parallel_loop3A_19 : i32 to index
        %parallel_loop3A_418 = arith.constant 1360 : index
        %parallel_loop3A_419 = tpu.vector_load %arg5[%parallel_loop3A_417, %parallel_loop3A_418] {strides = array<i32>} : memref<32x2048xf32, #tpu.memory_space<vmem>>, vector<16xf32>,
        tpu.vector_store %arg5[%parallel_loop3A_417, %parallel_loop3A_418], %parallel_loop3A_401 {strides = array<i32>} : memref<32x2048xf32, #tpu.memory_space<vmem>>, vector<16xf32>,
        %parallel_loop3A_420 = arith.index_cast %parallel_loop3A_19 : i32 to index
        %parallel_loop3A_421 = arith.constant 1376 : index
        %parallel_loop3A_422 = tpu.vector_load %arg5[%parallel_loop3A_420, %parallel_loop3A_421] {strides = array<i32>} : memref<32x2048xf32, #tpu.memory_space<vmem>>, vector<16xf32>,
        tpu.vector_store %arg5[%parallel_loop3A_420, %parallel_loop3A_421], %parallel_loop3A_401 {strides = array<i32>} : memref<32x2048xf32, #tpu.memory_space<vmem>>, vector<16xf32>,
        %parallel_loop3A_423 = arith.index_cast %parallel_loop3A_19 : i32 to index
        %parallel_loop3A_424 = arith.constant 1392 : index
        %parallel_loop3A_425 = tpu.vector_load %arg5[%parallel_loop3A_423, %parallel_loop3A_424] {strides = array<i32>} : memref<32x2048xf32, #tpu.memory_space<vmem>>, vector<16xf32>,
        tpu.vector_store %arg5[%parallel_loop3A_423, %parallel_loop3A_424], %parallel_loop3A_401 {strides = array<i32>} : memref<32x2048xf32, #tpu.memory_space<vmem>>, vector<16xf32>,
        %parallel_loop3A_426 = arith.constant 11 : i32
        %parallel_loop3A_427 = vector.broadcast %parallel_loop3A_426 : i32 to vector<16xi32>
        %parallel_loop3A_428 = arith.constant 0 : i32
        %parallel_loop3A_429 = tpu.memref_slice %arg6[%parallel_loop3A_19, %parallel_loop3A_428] : memref<32x16xf32, #tpu.memory_space<vmem>> -> memref<1x16xf32, #tpu.memory_space<vmem>>
        %parallel_loop3A_430 = tpu.memref_squeeze %parallel_loop3A_429 : memref<1x16xf32, #tpu.memory_space<vmem>> -> memref<16xf32, #tpu.memory_space<vmem>>
        %parallel_loop3A_431 = tpu.vector_load_idx %parallel_loop3A_430[%parallel_loop3A_427] : memref<16xf32, #tpu.memory_space<vmem>>[vector<16xi32>], vector<16xf32>,
        %parallel_loop3A_432 = arith.index_cast %parallel_loop3A_19 : i32 to index
        %parallel_loop3A_433 = arith.constant 1408 : index
        %parallel_loop3A_434 = tpu.vector_load %arg5[%parallel_loop3A_432, %parallel_loop3A_433] {strides = array<i32>} : memref<32x2048xf32, #tpu.memory_space<vmem>>, vector<16xf32>,
        tpu.vector_store %arg5[%parallel_loop3A_432, %parallel_loop3A_433], %parallel_loop3A_431 {strides = array<i32>} : memref<32x2048xf32, #tpu.memory_space<vmem>>, vector<16xf32>,
        %parallel_loop3A_435 = arith.index_cast %parallel_loop3A_19 : i32 to index
        %parallel_loop3A_436 = arith.constant 1424 : index
        %parallel_loop3A_437 = tpu.vector_load %arg5[%parallel_loop3A_435, %parallel_loop3A_436] {strides = array<i32>} : memref<32x2048xf32, #tpu.memory_space<vmem>>, vector<16xf32>,
        tpu.vector_store %arg5[%parallel_loop3A_435, %parallel_loop3A_436], %parallel_loop3A_431 {strides = array<i32>} : memref<32x2048xf32, #tpu.memory_space<vmem>>, vector<16xf32>,
        %parallel_loop3A_438 = arith.index_cast %parallel_loop3A_19 : i32 to index
        %parallel_loop3A_439 = arith.constant 1440 : index
        %parallel_loop3A_440 = tpu.vector_load %arg5[%parallel_loop3A_438, %parallel_loop3A_439] {strides = array<i32>} : memref<32x2048xf32, #tpu.memory_space<vmem>>, vector<16xf32>,
        tpu.vector_store %arg5[%parallel_loop3A_438, %parallel_loop3A_439], %parallel_loop3A_431 {strides = array<i32>} : memref<32x2048xf32, #tpu.memory_space<vmem>>, vector<16xf32>,
        %parallel_loop3A_441 = arith.index_cast %parallel_loop3A_19 : i32 to index
        %parallel_loop3A_442 = arith.constant 1456 : index
        %parallel_loop3A_443 = tpu.vector_load %arg5[%parallel_loop3A_441, %parallel_loop3A_442] {strides = array<i32>} : memref<32x2048xf32, #tpu.memory_space<vmem>>, vector<16xf32>,
        tpu.vector_store %arg5[%parallel_loop3A_441, %parallel_loop3A_442], %parallel_loop3A_431 {strides = array<i32>} : memref<32x2048xf32, #tpu.memory_space<vmem>>, vector<16xf32>,
        %parallel_loop3A_444 = arith.index_cast %parallel_loop3A_19 : i32 to index
        %parallel_loop3A_445 = arith.constant 1472 : index
        %parallel_loop3A_446 = tpu.vector_load %arg5[%parallel_loop3A_444, %parallel_loop3A_445] {strides = array<i32>} : memref<32x2048xf32, #tpu.memory_space<vmem>>, vector<16xf32>,
        tpu.vector_store %arg5[%parallel_loop3A_444, %parallel_loop3A_445], %parallel_loop3A_431 {strides = array<i32>} : memref<32x2048xf32, #tpu.memory_space<vmem>>, vector<16xf32>,
        %parallel_loop3A_447 = arith.index_cast %parallel_loop3A_19 : i32 to index
        %parallel_loop3A_448 = arith.constant 1488 : index
        %parallel_loop3A_449 = tpu.vector_load %arg5[%parallel_loop3A_447, %parallel_loop3A_448] {strides = array<i32>} : memref<32x2048xf32, #tpu.memory_space<vmem>>, vector<16xf32>,
        tpu.vector_store %arg5[%parallel_loop3A_447, %parallel_loop3A_448], %parallel_loop3A_431 {strides = array<i32>} : memref<32x2048xf32, #tpu.memory_space<vmem>>, vector<16xf32>,
        %parallel_loop3A_450 = arith.index_cast %parallel_loop3A_19 : i32 to index
        %parallel_loop3A_451 = arith.constant 1504 : index
        %parallel_loop3A_452 = tpu.vector_load %arg5[%parallel_loop3A_450, %parallel_loop3A_451] {strides = array<i32>} : memref<32x2048xf32, #tpu.memory_space<vmem>>, vector<16xf32>,
        tpu.vector_store %arg5[%parallel_loop3A_450, %parallel_loop3A_451], %parallel_loop3A_431 {strides = array<i32>} : memref<32x2048xf32, #tpu.memory_space<vmem>>, vector<16xf32>,
        %parallel_loop3A_453 = arith.index_cast %parallel_loop3A_19 : i32 to index
        %parallel_loop3A_454 = arith.constant 1520 : index
        %parallel_loop3A_455 = tpu.vector_load %arg5[%parallel_loop3A_453, %parallel_loop3A_454] {strides = array<i32>} : memref<32x2048xf32, #tpu.memory_space<vmem>>, vector<16xf32>,
        tpu.vector_store %arg5[%parallel_loop3A_453, %parallel_loop3A_454], %parallel_loop3A_431 {strides = array<i32>} : memref<32x2048xf32, #tpu.memory_space<vmem>>, vector<16xf32>,
        %parallel_loop3A_456 = arith.constant 12 : i32
        %parallel_loop3A_457 = vector.broadcast %parallel_loop3A_456 : i32 to vector<16xi32>
        %parallel_loop3A_458 = arith.constant 0 : i32
        %parallel_loop3A_459 = tpu.memref_slice %arg6[%parallel_loop3A_19, %parallel_loop3A_458] : memref<32x16xf32, #tpu.memory_space<vmem>> -> memref<1x16xf32, #tpu.memory_space<vmem>>
        %parallel_loop3A_460 = tpu.memref_squeeze %parallel_loop3A_459 : memref<1x16xf32, #tpu.memory_space<vmem>> -> memref<16xf32, #tpu.memory_space<vmem>>
        %parallel_loop3A_461 = tpu.vector_load_idx %parallel_loop3A_460[%parallel_loop3A_457] : memref<16xf32, #tpu.memory_space<vmem>>[vector<16xi32>], vector<16xf32>,
        %parallel_loop3A_462 = arith.index_cast %parallel_loop3A_19 : i32 to index
        %parallel_loop3A_463 = arith.constant 1536 : index
        %parallel_loop3A_464 = tpu.vector_load %arg5[%parallel_loop3A_462, %parallel_loop3A_463] {strides = array<i32>} : memref<32x2048xf32, #tpu.memory_space<vmem>>, vector<16xf32>,
        tpu.vector_store %arg5[%parallel_loop3A_462, %parallel_loop3A_463], %parallel_loop3A_461 {strides = array<i32>} : memref<32x2048xf32, #tpu.memory_space<vmem>>, vector<16xf32>,
        %parallel_loop3A_465 = arith.index_cast %parallel_loop3A_19 : i32 to index
        %parallel_loop3A_466 = arith.constant 1552 : index
        %parallel_loop3A_467 = tpu.vector_load %arg5[%parallel_loop3A_465, %parallel_loop3A_466] {strides = array<i32>} : memref<32x2048xf32, #tpu.memory_space<vmem>>, vector<16xf32>,
        tpu.vector_store %arg5[%parallel_loop3A_465, %parallel_loop3A_466], %parallel_loop3A_461 {strides = array<i32>} : memref<32x2048xf32, #tpu.memory_space<vmem>>, vector<16xf32>,
        %parallel_loop3A_468 = arith.index_cast %parallel_loop3A_19 : i32 to index
        %parallel_loop3A_469 = arith.constant 1568 : index
        %parallel_loop3A_470 = tpu.vector_load %arg5[%parallel_loop3A_468, %parallel_loop3A_469] {strides = array<i32>} : memref<32x2048xf32, #tpu.memory_space<vmem>>, vector<16xf32>,
        tpu.vector_store %arg5[%parallel_loop3A_468, %parallel_loop3A_469], %parallel_loop3A_461 {strides = array<i32>} : memref<32x2048xf32, #tpu.memory_space<vmem>>, vector<16xf32>,
        %parallel_loop3A_471 = arith.index_cast %parallel_loop3A_19 : i32 to index
        %parallel_loop3A_472 = arith.constant 1584 : index
        %parallel_loop3A_473 = tpu.vector_load %arg5[%parallel_loop3A_471, %parallel_loop3A_472] {strides = array<i32>} : memref<32x2048xf32, #tpu.memory_space<vmem>>, vector<16xf32>,
        tpu.vector_store %arg5[%parallel_loop3A_471, %parallel_loop3A_472], %parallel_loop3A_461 {strides = array<i32>} : memref<32x2048xf32, #tpu.memory_space<vmem>>, vector<16xf32>,
        %parallel_loop3A_474 = arith.index_cast %parallel_loop3A_19 : i32 to index
        %parallel_loop3A_475 = arith.constant 1600 : index
        %parallel_loop3A_476 = tpu.vector_load %arg5[%parallel_loop3A_474, %parallel_loop3A_475] {strides = array<i32>} : memref<32x2048xf32, #tpu.memory_space<vmem>>, vector<16xf32>,
        tpu.vector_store %arg5[%parallel_loop3A_474, %parallel_loop3A_475], %parallel_loop3A_461 {strides = array<i32>} : memref<32x2048xf32, #tpu.memory_space<vmem>>, vector<16xf32>,
        %parallel_loop3A_477 = arith.index_cast %parallel_loop3A_19 : i32 to index
        %parallel_loop3A_478 = arith.constant 1616 : index
        %parallel_loop3A_479 = tpu.vector_load %arg5[%parallel_loop3A_477, %parallel_loop3A_478] {strides = array<i32>} : memref<32x2048xf32, #tpu.memory_space<vmem>>, vector<16xf32>,
        tpu.vector_store %arg5[%parallel_loop3A_477, %parallel_loop3A_478], %parallel_loop3A_461 {strides = array<i32>} : memref<32x2048xf32, #tpu.memory_space<vmem>>, vector<16xf32>,
        %parallel_loop3A_480 = arith.index_cast %parallel_loop3A_19 : i32 to index
        %parallel_loop3A_481 = arith.constant 1632 : index
        %parallel_loop3A_482 = tpu.vector_load %arg5[%parallel_loop3A_480, %parallel_loop3A_481] {strides = array<i32>} : memref<32x2048xf32, #tpu.memory_space<vmem>>, vector<16xf32>,
        tpu.vector_store %arg5[%parallel_loop3A_480, %parallel_loop3A_481], %parallel_loop3A_461 {strides = array<i32>} : memref<32x2048xf32, #tpu.memory_space<vmem>>, vector<16xf32>,
        %parallel_loop3A_483 = arith.index_cast %parallel_loop3A_19 : i32 to index
        %parallel_loop3A_484 = arith.constant 1648 : index
        %parallel_loop3A_485 = tpu.vector_load %arg5[%parallel_loop3A_483, %parallel_loop3A_484] {strides = array<i32>} : memref<32x2048xf32, #tpu.memory_space<vmem>>, vector<16xf32>,
        tpu.vector_store %arg5[%parallel_loop3A_483, %parallel_loop3A_484], %parallel_loop3A_461 {strides = array<i32>} : memref<32x2048xf32, #tpu.memory_space<vmem>>, vector<16xf32>,
        %parallel_loop3A_486 = arith.constant 13 : i32
        %parallel_loop3A_487 = vector.broadcast %parallel_loop3A_486 : i32 to vector<16xi32>
        %parallel_loop3A_488 = arith.constant 0 : i32
        %parallel_loop3A_489 = tpu.memref_slice %arg6[%parallel_loop3A_19, %parallel_loop3A_488] : memref<32x16xf32, #tpu.memory_space<vmem>> -> memref<1x16xf32, #tpu.memory_space<vmem>>
        %parallel_loop3A_490 = tpu.memref_squeeze %parallel_loop3A_489 : memref<1x16xf32, #tpu.memory_space<vmem>> -> memref<16xf32, #tpu.memory_space<vmem>>
        %parallel_loop3A_491 = tpu.vector_load_idx %parallel_loop3A_490[%parallel_loop3A_487] : memref<16xf32, #tpu.memory_space<vmem>>[vector<16xi32>], vector<16xf32>,
        %parallel_loop3A_492 = arith.index_cast %parallel_loop3A_19 : i32 to index
        %parallel_loop3A_493 = arith.constant 1664 : index
        %parallel_loop3A_494 = tpu.vector_load %arg5[%parallel_loop3A_492, %parallel_loop3A_493] {strides = array<i32>} : memref<32x2048xf32, #tpu.memory_space<vmem>>, vector<16xf32>,
        tpu.vector_store %arg5[%parallel_loop3A_492, %parallel_loop3A_493], %parallel_loop3A_491 {strides = array<i32>} : memref<32x2048xf32, #tpu.memory_space<vmem>>, vector<16xf32>,
        %parallel_loop3A_495 = arith.index_cast %parallel_loop3A_19 : i32 to index
        %parallel_loop3A_496 = arith.constant 1680 : index
        %parallel_loop3A_497 = tpu.vector_load %arg5[%parallel_loop3A_495, %parallel_loop3A_496] {strides = array<i32>} : memref<32x2048xf32, #tpu.memory_space<vmem>>, vector<16xf32>,
        tpu.vector_store %arg5[%parallel_loop3A_495, %parallel_loop3A_496], %parallel_loop3A_491 {strides = array<i32>} : memref<32x2048xf32, #tpu.memory_space<vmem>>, vector<16xf32>,
        %parallel_loop3A_498 = arith.index_cast %parallel_loop3A_19 : i32 to index
        %parallel_loop3A_499 = arith.constant 1696 : index
        %parallel_loop3A_500 = tpu.vector_load %arg5[%parallel_loop3A_498, %parallel_loop3A_499] {strides = array<i32>} : memref<32x2048xf32, #tpu.memory_space<vmem>>, vector<16xf32>,
        tpu.vector_store %arg5[%parallel_loop3A_498, %parallel_loop3A_499], %parallel_loop3A_491 {strides = array<i32>} : memref<32x2048xf32, #tpu.memory_space<vmem>>, vector<16xf32>,
        %parallel_loop3A_501 = arith.index_cast %parallel_loop3A_19 : i32 to index
        %parallel_loop3A_502 = arith.constant 1712 : index
        %parallel_loop3A_503 = tpu.vector_load %arg5[%parallel_loop3A_501, %parallel_loop3A_502] {strides = array<i32>} : memref<32x2048xf32, #tpu.memory_space<vmem>>, vector<16xf32>,
        tpu.vector_store %arg5[%parallel_loop3A_501, %parallel_loop3A_502], %parallel_loop3A_491 {strides = array<i32>} : memref<32x2048xf32, #tpu.memory_space<vmem>>, vector<16xf32>,
        %parallel_loop3A_504 = arith.index_cast %parallel_loop3A_19 : i32 to index
        %parallel_loop3A_505 = arith.constant 1728 : index
        %parallel_loop3A_506 = tpu.vector_load %arg5[%parallel_loop3A_504, %parallel_loop3A_505] {strides = array<i32>} : memref<32x2048xf32, #tpu.memory_space<vmem>>, vector<16xf32>,
        tpu.vector_store %arg5[%parallel_loop3A_504, %parallel_loop3A_505], %parallel_loop3A_491 {strides = array<i32>} : memref<32x2048xf32, #tpu.memory_space<vmem>>, vector<16xf32>,
        %parallel_loop3A_507 = arith.index_cast %parallel_loop3A_19 : i32 to index
        %parallel_loop3A_508 = arith.constant 1744 : index
        %parallel_loop3A_509 = tpu.vector_load %arg5[%parallel_loop3A_507, %parallel_loop3A_508] {strides = array<i32>} : memref<32x2048xf32, #tpu.memory_space<vmem>>, vector<16xf32>,
        tpu.vector_store %arg5[%parallel_loop3A_507, %parallel_loop3A_508], %parallel_loop3A_491 {strides = array<i32>} : memref<32x2048xf32, #tpu.memory_space<vmem>>, vector<16xf32>,
        %parallel_loop3A_510 = arith.index_cast %parallel_loop3A_19 : i32 to index
        %parallel_loop3A_511 = arith.constant 1760 : index
        %parallel_loop3A_512 = tpu.vector_load %arg5[%parallel_loop3A_510, %parallel_loop3A_511] {strides = array<i32>} : memref<32x2048xf32, #tpu.memory_space<vmem>>, vector<16xf32>,
        tpu.vector_store %arg5[%parallel_loop3A_510, %parallel_loop3A_511], %parallel_loop3A_491 {strides = array<i32>} : memref<32x2048xf32, #tpu.memory_space<vmem>>, vector<16xf32>,
        %parallel_loop3A_513 = arith.index_cast %parallel_loop3A_19 : i32 to index
        %parallel_loop3A_514 = arith.constant 1776 : index
        %parallel_loop3A_515 = tpu.vector_load %arg5[%parallel_loop3A_513, %parallel_loop3A_514] {strides = array<i32>} : memref<32x2048xf32, #tpu.memory_space<vmem>>, vector<16xf32>,
        tpu.vector_store %arg5[%parallel_loop3A_513, %parallel_loop3A_514], %parallel_loop3A_491 {strides = array<i32>} : memref<32x2048xf32, #tpu.memory_space<vmem>>, vector<16xf32>,
        %parallel_loop3A_516 = arith.constant 14 : i32
        %parallel_loop3A_517 = vector.broadcast %parallel_loop3A_516 : i32 to vector<16xi32>
        %parallel_loop3A_518 = arith.constant 0 : i32
        %parallel_loop3A_519 = tpu.memref_slice %arg6[%parallel_loop3A_19, %parallel_loop3A_518] : memref<32x16xf32, #tpu.memory_space<vmem>> -> memref<1x16xf32, #tpu.memory_space<vmem>>
        %parallel_loop3A_520 = tpu.memref_squeeze %parallel_loop3A_519 : memref<1x16xf32, #tpu.memory_space<vmem>> -> memref<16xf32, #tpu.memory_space<vmem>>
        %parallel_loop3A_521 = tpu.vector_load_idx %parallel_loop3A_520[%parallel_loop3A_517] : memref<16xf32, #tpu.memory_space<vmem>>[vector<16xi32>], vector<16xf32>,
        %parallel_loop3A_522 = arith.index_cast %parallel_loop3A_19 : i32 to index
        %parallel_loop3A_523 = arith.constant 1792 : index
        %parallel_loop3A_524 = tpu.vector_load %arg5[%parallel_loop3A_522, %parallel_loop3A_523] {strides = array<i32>} : memref<32x2048xf32, #tpu.memory_space<vmem>>, vector<16xf32>,
        tpu.vector_store %arg5[%parallel_loop3A_522, %parallel_loop3A_523], %parallel_loop3A_521 {strides = array<i32>} : memref<32x2048xf32, #tpu.memory_space<vmem>>, vector<16xf32>,
        %parallel_loop3A_525 = arith.index_cast %parallel_loop3A_19 : i32 to index
        %parallel_loop3A_526 = arith.constant 1808 : index
        %parallel_loop3A_527 = tpu.vector_load %arg5[%parallel_loop3A_525, %parallel_loop3A_526] {strides = array<i32>} : memref<32x2048xf32, #tpu.memory_space<vmem>>, vector<16xf32>,
        tpu.vector_store %arg5[%parallel_loop3A_525, %parallel_loop3A_526], %parallel_loop3A_521 {strides = array<i32>} : memref<32x2048xf32, #tpu.memory_space<vmem>>, vector<16xf32>,
        %parallel_loop3A_528 = arith.index_cast %parallel_loop3A_19 : i32 to index
        %parallel_loop3A_529 = arith.constant 1824 : index
        %parallel_loop3A_530 = tpu.vector_load %arg5[%parallel_loop3A_528, %parallel_loop3A_529] {strides = array<i32>} : memref<32x2048xf32, #tpu.memory_space<vmem>>, vector<16xf32>,
        tpu.vector_store %arg5[%parallel_loop3A_528, %parallel_loop3A_529], %parallel_loop3A_521 {strides = array<i32>} : memref<32x2048xf32, #tpu.memory_space<vmem>>, vector<16xf32>,
        %parallel_loop3A_531 = arith.index_cast %parallel_loop3A_19 : i32 to index
        %parallel_loop3A_532 = arith.constant 1840 : index
        %parallel_loop3A_533 = tpu.vector_load %arg5[%parallel_loop3A_531, %parallel_loop3A_532] {strides = array<i32>} : memref<32x2048xf32, #tpu.memory_space<vmem>>, vector<16xf32>,
        tpu.vector_store %arg5[%parallel_loop3A_531, %parallel_loop3A_532], %parallel_loop3A_521 {strides = array<i32>} : memref<32x2048xf32, #tpu.memory_space<vmem>>, vector<16xf32>,
        %parallel_loop3A_534 = arith.index_cast %parallel_loop3A_19 : i32 to index
        %parallel_loop3A_535 = arith.constant 1856 : index
        %parallel_loop3A_536 = tpu.vector_load %arg5[%parallel_loop3A_534, %parallel_loop3A_535] {strides = array<i32>} : memref<32x2048xf32, #tpu.memory_space<vmem>>, vector<16xf32>,
        tpu.vector_store %arg5[%parallel_loop3A_534, %parallel_loop3A_535], %parallel_loop3A_521 {strides = array<i32>} : memref<32x2048xf32, #tpu.memory_space<vmem>>, vector<16xf32>,
        %parallel_loop3A_537 = arith.index_cast %parallel_loop3A_19 : i32 to index
        %parallel_loop3A_538 = arith.constant 1872 : index
        %parallel_loop3A_539 = tpu.vector_load %arg5[%parallel_loop3A_537, %parallel_loop3A_538] {strides = array<i32>} : memref<32x2048xf32, #tpu.memory_space<vmem>>, vector<16xf32>,
        tpu.vector_store %arg5[%parallel_loop3A_537, %parallel_loop3A_538], %parallel_loop3A_521 {strides = array<i32>} : memref<32x2048xf32, #tpu.memory_space<vmem>>, vector<16xf32>,
        %parallel_loop3A_540 = arith.index_cast %parallel_loop3A_19 : i32 to index
        %parallel_loop3A_541 = arith.constant 1888 : index
        %parallel_loop3A_542 = tpu.vector_load %arg5[%parallel_loop3A_540, %parallel_loop3A_541] {strides = array<i32>} : memref<32x2048xf32, #tpu.memory_space<vmem>>, vector<16xf32>,
        tpu.vector_store %arg5[%parallel_loop3A_540, %parallel_loop3A_541], %parallel_loop3A_521 {strides = array<i32>} : memref<32x2048xf32, #tpu.memory_space<vmem>>, vector<16xf32>,
        %parallel_loop3A_543 = arith.index_cast %parallel_loop3A_19 : i32 to index
        %parallel_loop3A_544 = arith.constant 1904 : index
        %parallel_loop3A_545 = tpu.vector_load %arg5[%parallel_loop3A_543, %parallel_loop3A_544] {strides = array<i32>} : memref<32x2048xf32, #tpu.memory_space<vmem>>, vector<16xf32>,
        tpu.vector_store %arg5[%parallel_loop3A_543, %parallel_loop3A_544], %parallel_loop3A_521 {strides = array<i32>} : memref<32x2048xf32, #tpu.memory_space<vmem>>, vector<16xf32>,
        %parallel_loop3A_546 = arith.constant 15 : i32
        %parallel_loop3A_547 = vector.broadcast %parallel_loop3A_546 : i32 to vector<16xi32>
        %parallel_loop3A_548 = arith.constant 0 : i32
        %parallel_loop3A_549 = tpu.memref_slice %arg6[%parallel_loop3A_19, %parallel_loop3A_548] : memref<32x16xf32, #tpu.memory_space<vmem>> -> memref<1x16xf32, #tpu.memory_space<vmem>>
        %parallel_loop3A_550 = tpu.memref_squeeze %parallel_loop3A_549 : memref<1x16xf32, #tpu.memory_space<vmem>> -> memref<16xf32, #tpu.memory_space<vmem>>
        %parallel_loop3A_551 = tpu.vector_load_idx %parallel_loop3A_550[%parallel_loop3A_547] : memref<16xf32, #tpu.memory_space<vmem>>[vector<16xi32>], vector<16xf32>,
        %parallel_loop3A_552 = arith.index_cast %parallel_loop3A_19 : i32 to index
        %parallel_loop3A_553 = arith.constant 1920 : index
        %parallel_loop3A_554 = tpu.vector_load %arg5[%parallel_loop3A_552, %parallel_loop3A_553] {strides = array<i32>} : memref<32x2048xf32, #tpu.memory_space<vmem>>, vector<16xf32>,
        tpu.vector_store %arg5[%parallel_loop3A_552, %parallel_loop3A_553], %parallel_loop3A_551 {strides = array<i32>} : memref<32x2048xf32, #tpu.memory_space<vmem>>, vector<16xf32>,
        %parallel_loop3A_555 = arith.index_cast %parallel_loop3A_19 : i32 to index
        %parallel_loop3A_556 = arith.constant 1936 : index
        %parallel_loop3A_557 = tpu.vector_load %arg5[%parallel_loop3A_555, %parallel_loop3A_556] {strides = array<i32>} : memref<32x2048xf32, #tpu.memory_space<vmem>>, vector<16xf32>,
        tpu.vector_store %arg5[%parallel_loop3A_555, %parallel_loop3A_556], %parallel_loop3A_551 {strides = array<i32>} : memref<32x2048xf32, #tpu.memory_space<vmem>>, vector<16xf32>,
        %parallel_loop3A_558 = arith.index_cast %parallel_loop3A_19 : i32 to index
        %parallel_loop3A_559 = arith.constant 1952 : index
        %parallel_loop3A_560 = tpu.vector_load %arg5[%parallel_loop3A_558, %parallel_loop3A_559] {strides = array<i32>} : memref<32x2048xf32, #tpu.memory_space<vmem>>, vector<16xf32>,
        tpu.vector_store %arg5[%parallel_loop3A_558, %parallel_loop3A_559], %parallel_loop3A_551 {strides = array<i32>} : memref<32x2048xf32, #tpu.memory_space<vmem>>, vector<16xf32>,
        %parallel_loop3A_561 = arith.index_cast %parallel_loop3A_19 : i32 to index
        %parallel_loop3A_562 = arith.constant 1968 : index
        %parallel_loop3A_563 = tpu.vector_load %arg5[%parallel_loop3A_561, %parallel_loop3A_562] {strides = array<i32>} : memref<32x2048xf32, #tpu.memory_space<vmem>>, vector<16xf32>,
        tpu.vector_store %arg5[%parallel_loop3A_561, %parallel_loop3A_562], %parallel_loop3A_551 {strides = array<i32>} : memref<32x2048xf32, #tpu.memory_space<vmem>>, vector<16xf32>,
        %parallel_loop3A_564 = arith.index_cast %parallel_loop3A_19 : i32 to index
        %parallel_loop3A_565 = arith.constant 1984 : index
        %parallel_loop3A_566 = tpu.vector_load %arg5[%parallel_loop3A_564, %parallel_loop3A_565] {strides = array<i32>} : memref<32x2048xf32, #tpu.memory_space<vmem>>, vector<16xf32>,
        tpu.vector_store %arg5[%parallel_loop3A_564, %parallel_loop3A_565], %parallel_loop3A_551 {strides = array<i32>} : memref<32x2048xf32, #tpu.memory_space<vmem>>, vector<16xf32>,
        %parallel_loop3A_567 = arith.index_cast %parallel_loop3A_19 : i32 to index
        %parallel_loop3A_568 = arith.constant 2000 : index
        %parallel_loop3A_569 = tpu.vector_load %arg5[%parallel_loop3A_567, %parallel_loop3A_568] {strides = array<i32>} : memref<32x2048xf32, #tpu.memory_space<vmem>>, vector<16xf32>,
        tpu.vector_store %arg5[%parallel_loop3A_567, %parallel_loop3A_568], %parallel_loop3A_551 {strides = array<i32>} : memref<32x2048xf32, #tpu.memory_space<vmem>>, vector<16xf32>,
        %parallel_loop3A_570 = arith.index_cast %parallel_loop3A_19 : i32 to index
        %parallel_loop3A_571 = arith.constant 2016 : index
        %parallel_loop3A_572 = tpu.vector_load %arg5[%parallel_loop3A_570, %parallel_loop3A_571] {strides = array<i32>} : memref<32x2048xf32, #tpu.memory_space<vmem>>, vector<16xf32>,
        tpu.vector_store %arg5[%parallel_loop3A_570, %parallel_loop3A_571], %parallel_loop3A_551 {strides = array<i32>} : memref<32x2048xf32, #tpu.memory_space<vmem>>, vector<16xf32>,
        %parallel_loop3A_573 = arith.index_cast %parallel_loop3A_19 : i32 to index
        %parallel_loop3A_574 = arith.constant 2032 : index
        %parallel_loop3A_575 = tpu.vector_load %arg5[%parallel_loop3A_573, %parallel_loop3A_574] {strides = array<i32>} : memref<32x2048xf32, #tpu.memory_space<vmem>>, vector<16xf32>,
        tpu.vector_store %arg5[%parallel_loop3A_573, %parallel_loop3A_574], %parallel_loop3A_551 {strides = array<i32>} : memref<32x2048xf32, #tpu.memory_space<vmem>>, vector<16xf32>,
        %parallel_loop3A_576 = arith.constant 7 : i32
        %parallel_loop3A_577 = arith.shrui %parallel_loop3A_28, %parallel_loop3A_576 : i32
        %parallel_loop3A_578 = vector.broadcast %parallel_loop3A_577 : i32 to vector<16xi32>
        %parallel_loop3A_579 = arith.constant 0 : i32
        %parallel_loop3A_580 = tpu.memref_slice %arg6[%parallel_loop3A_19, %parallel_loop3A_579] : memref<32x16xf32, #tpu.memory_space<vmem>> -> memref<1x16xf32, #tpu.memory_space<vmem>>
        %parallel_loop3A_581 = tpu.memref_squeeze %parallel_loop3A_580 : memref<1x16xf32, #tpu.memory_space<vmem>> -> memref<16xf32, #tpu.memory_space<vmem>>
        %parallel_loop3A_582 = tpu.vector_load_idx %parallel_loop3A_581[%parallel_loop3A_578] : memref<16xf32, #tpu.memory_space<vmem>>[vector<16xi32>], vector<16xf32>,
        %parallel_loop3A_583 = arith.constant 128 : i32
        %parallel_loop3A_584 = arith.muli %parallel_loop3A_577, %parallel_loop3A_583 : i32
        %parallel_loop3A_585 = arith.constant 0 : i32
        %parallel_loop3A_586 = arith.addi %parallel_loop3A_584, %parallel_loop3A_585 : i32
        %parallel_loop3A_587 = vector.broadcast %parallel_loop3A_586 : i32 to vector<16xi32>
        %parallel_loop3A_588 = arith.addi %iota3A, %parallel_loop3A_587 : vector<16xi32>
        %parallel_loop3A_589 = vector.broadcast %parallel_loop3A_28 : i32 to vector<16xi32>
        %parallel_loop3A_590 = arith.cmpi sle, %parallel_loop3A_588, %parallel_loop3A_589 : vector<16xi32>
        %parallel_loop3A_591 = arith.select %parallel_loop3A_590, %parallel_loop3A_582, %broadcast_in_dim3A_3 : vector<16xi1>, vector<16xf32>
        %parallel_loop3A_592 = arith.constant 0 : i32
        %parallel_loop3A_593 = arith.addi %parallel_loop3A_584, %parallel_loop3A_592 : i32
        %parallel_loop3A_594 = arith.index_cast %parallel_loop3A_19 : i32 to index
        %parallel_loop3A_595 = arith.index_cast %parallel_loop3A_593 : i32 to index
        %parallel_loop3A_596 = tpu.vector_load %arg5[%parallel_loop3A_594, %parallel_loop3A_595] {strides = array<i32>} : memref<32x2048xf32, #tpu.memory_space<vmem>>, vector<16xf32>,
        tpu.vector_store %arg5[%parallel_loop3A_594, %parallel_loop3A_595], %parallel_loop3A_591 {strides = array<i32>} : memref<32x2048xf32, #tpu.memory_space<vmem>>, vector<16xf32>,
        %parallel_loop3A_597 = arith.constant 16 : i32
        %parallel_loop3A_598 = arith.addi %parallel_loop3A_584, %parallel_loop3A_597 : i32
        %parallel_loop3A_599 = vector.broadcast %parallel_loop3A_598 : i32 to vector<16xi32>
        %parallel_loop3A_600 = arith.addi %iota3A, %parallel_loop3A_599 : vector<16xi32>
        %parallel_loop3A_601 = vector.broadcast %parallel_loop3A_28 : i32 to vector<16xi32>
        %parallel_loop3A_602 = arith.cmpi sle, %parallel_loop3A_600, %parallel_loop3A_601 : vector<16xi32>
        %parallel_loop3A_603 = arith.select %parallel_loop3A_602, %parallel_loop3A_582, %broadcast_in_dim3A_3 : vector<16xi1>, vector<16xf32>
        %parallel_loop3A_604 = arith.constant 16 : i32
        %parallel_loop3A_605 = arith.addi %parallel_loop3A_584, %parallel_loop3A_604 : i32
        %parallel_loop3A_606 = arith.index_cast %parallel_loop3A_19 : i32 to index
        %parallel_loop3A_607 = arith.index_cast %parallel_loop3A_605 : i32 to index
        %parallel_loop3A_608 = tpu.vector_load %arg5[%parallel_loop3A_606, %parallel_loop3A_607] {strides = array<i32>} : memref<32x2048xf32, #tpu.memory_space<vmem>>, vector<16xf32>,
        tpu.vector_store %arg5[%parallel_loop3A_606, %parallel_loop3A_607], %parallel_loop3A_603 {strides = array<i32>} : memref<32x2048xf32, #tpu.memory_space<vmem>>, vector<16xf32>,
        %parallel_loop3A_609 = arith.constant 32 : i32
        %parallel_loop3A_610 = arith.addi %parallel_loop3A_584, %parallel_loop3A_609 : i32
        %parallel_loop3A_611 = vector.broadcast %parallel_loop3A_610 : i32 to vector<16xi32>
        %parallel_loop3A_612 = arith.addi %iota3A, %parallel_loop3A_611 : vector<16xi32>
        %parallel_loop3A_613 = vector.broadcast %parallel_loop3A_28 : i32 to vector<16xi32>
        %parallel_loop3A_614 = arith.cmpi sle, %parallel_loop3A_612, %parallel_loop3A_613 : vector<16xi32>
        %parallel_loop3A_615 = arith.select %parallel_loop3A_614, %parallel_loop3A_582, %broadcast_in_dim3A_3 : vector<16xi1>, vector<16xf32>
        %parallel_loop3A_616 = arith.constant 32 : i32
        %parallel_loop3A_617 = arith.addi %parallel_loop3A_584, %parallel_loop3A_616 : i32
        %parallel_loop3A_618 = arith.index_cast %parallel_loop3A_19 : i32 to index
        %parallel_loop3A_619 = arith.index_cast %parallel_loop3A_617 : i32 to index
        %parallel_loop3A_620 = tpu.vector_load %arg5[%parallel_loop3A_618, %parallel_loop3A_619] {strides = array<i32>} : memref<32x2048xf32, #tpu.memory_space<vmem>>, vector<16xf32>,
        tpu.vector_store %arg5[%parallel_loop3A_618, %parallel_loop3A_619], %parallel_loop3A_615 {strides = array<i32>} : memref<32x2048xf32, #tpu.memory_space<vmem>>, vector<16xf32>,
        %parallel_loop3A_621 = arith.constant 48 : i32
        %parallel_loop3A_622 = arith.addi %parallel_loop3A_584, %parallel_loop3A_621 : i32
        %parallel_loop3A_623 = vector.broadcast %parallel_loop3A_622 : i32 to vector<16xi32>
        %parallel_loop3A_624 = arith.addi %iota3A, %parallel_loop3A_623 : vector<16xi32>
        %parallel_loop3A_625 = vector.broadcast %parallel_loop3A_28 : i32 to vector<16xi32>
        %parallel_loop3A_626 = arith.cmpi sle, %parallel_loop3A_624, %parallel_loop3A_625 : vector<16xi32>
        %parallel_loop3A_627 = arith.select %parallel_loop3A_626, %parallel_loop3A_582, %broadcast_in_dim3A_3 : vector<16xi1>, vector<16xf32>
        %parallel_loop3A_628 = arith.constant 48 : i32
        %parallel_loop3A_629 = arith.addi %parallel_loop3A_584, %parallel_loop3A_628 : i32
        %parallel_loop3A_630 = arith.index_cast %parallel_loop3A_19 : i32 to index
        %parallel_loop3A_631 = arith.index_cast %parallel_loop3A_629 : i32 to index
        %parallel_loop3A_632 = tpu.vector_load %arg5[%parallel_loop3A_630, %parallel_loop3A_631] {strides = array<i32>} : memref<32x2048xf32, #tpu.memory_space<vmem>>, vector<16xf32>,
        tpu.vector_store %arg5[%parallel_loop3A_630, %parallel_loop3A_631], %parallel_loop3A_627 {strides = array<i32>} : memref<32x2048xf32, #tpu.memory_space<vmem>>, vector<16xf32>,
        %parallel_loop3A_633 = arith.constant 64 : i32
        %parallel_loop3A_634 = arith.addi %parallel_loop3A_584, %parallel_loop3A_633 : i32
        %parallel_loop3A_635 = vector.broadcast %parallel_loop3A_634 : i32 to vector<16xi32>
        %parallel_loop3A_636 = arith.addi %iota3A, %parallel_loop3A_635 : vector<16xi32>
        %parallel_loop3A_637 = vector.broadcast %parallel_loop3A_28 : i32 to vector<16xi32>
        %parallel_loop3A_638 = arith.cmpi sle, %parallel_loop3A_636, %parallel_loop3A_637 : vector<16xi32>
        %parallel_loop3A_639 = arith.select %parallel_loop3A_638, %parallel_loop3A_582, %broadcast_in_dim3A_3 : vector<16xi1>, vector<16xf32>
        %parallel_loop3A_640 = arith.constant 64 : i32
        %parallel_loop3A_641 = arith.addi %parallel_loop3A_584, %parallel_loop3A_640 : i32
        %parallel_loop3A_642 = arith.index_cast %parallel_loop3A_19 : i32 to index
        %parallel_loop3A_643 = arith.index_cast %parallel_loop3A_641 : i32 to index
        %parallel_loop3A_644 = tpu.vector_load %arg5[%parallel_loop3A_642, %parallel_loop3A_643] {strides = array<i32>} : memref<32x2048xf32, #tpu.memory_space<vmem>>, vector<16xf32>,
        tpu.vector_store %arg5[%parallel_loop3A_642, %parallel_loop3A_643], %parallel_loop3A_639 {strides = array<i32>} : memref<32x2048xf32, #tpu.memory_space<vmem>>, vector<16xf32>,
        %parallel_loop3A_645 = arith.constant 80 : i32
        %parallel_loop3A_646 = arith.addi %parallel_loop3A_584, %parallel_loop3A_645 : i32
        %parallel_loop3A_647 = vector.broadcast %parallel_loop3A_646 : i32 to vector<16xi32>
        %parallel_loop3A_648 = arith.addi %iota3A, %parallel_loop3A_647 : vector<16xi32>
        %parallel_loop3A_649 = vector.broadcast %parallel_loop3A_28 : i32 to vector<16xi32>
        %parallel_loop3A_650 = arith.cmpi sle, %parallel_loop3A_648, %parallel_loop3A_649 : vector<16xi32>
        %parallel_loop3A_651 = arith.select %parallel_loop3A_650, %parallel_loop3A_582, %broadcast_in_dim3A_3 : vector<16xi1>, vector<16xf32>
        %parallel_loop3A_652 = arith.constant 80 : i32
        %parallel_loop3A_653 = arith.addi %parallel_loop3A_584, %parallel_loop3A_652 : i32
        %parallel_loop3A_654 = arith.index_cast %parallel_loop3A_19 : i32 to index
        %parallel_loop3A_655 = arith.index_cast %parallel_loop3A_653 : i32 to index
        %parallel_loop3A_656 = tpu.vector_load %arg5[%parallel_loop3A_654, %parallel_loop3A_655] {strides = array<i32>} : memref<32x2048xf32, #tpu.memory_space<vmem>>, vector<16xf32>,
        tpu.vector_store %arg5[%parallel_loop3A_654, %parallel_loop3A_655], %parallel_loop3A_651 {strides = array<i32>} : memref<32x2048xf32, #tpu.memory_space<vmem>>, vector<16xf32>,
        %parallel_loop3A_657 = arith.constant 96 : i32
        %parallel_loop3A_658 = arith.addi %parallel_loop3A_584, %parallel_loop3A_657 : i32
        %parallel_loop3A_659 = vector.broadcast %parallel_loop3A_658 : i32 to vector<16xi32>
        %parallel_loop3A_660 = arith.addi %iota3A, %parallel_loop3A_659 : vector<16xi32>
        %parallel_loop3A_661 = vector.broadcast %parallel_loop3A_28 : i32 to vector<16xi32>
        %parallel_loop3A_662 = arith.cmpi sle, %parallel_loop3A_660, %parallel_loop3A_661 : vector<16xi32>
        %parallel_loop3A_663 = arith.select %parallel_loop3A_662, %parallel_loop3A_582, %broadcast_in_dim3A_3 : vector<16xi1>, vector<16xf32>
        %parallel_loop3A_664 = arith.constant 96 : i32
        %parallel_loop3A_665 = arith.addi %parallel_loop3A_584, %parallel_loop3A_664 : i32
        %parallel_loop3A_666 = arith.index_cast %parallel_loop3A_19 : i32 to index
        %parallel_loop3A_667 = arith.index_cast %parallel_loop3A_665 : i32 to index
        %parallel_loop3A_668 = tpu.vector_load %arg5[%parallel_loop3A_666, %parallel_loop3A_667] {strides = array<i32>} : memref<32x2048xf32, #tpu.memory_space<vmem>>, vector<16xf32>,
        tpu.vector_store %arg5[%parallel_loop3A_666, %parallel_loop3A_667], %parallel_loop3A_663 {strides = array<i32>} : memref<32x2048xf32, #tpu.memory_space<vmem>>, vector<16xf32>,
        %parallel_loop3A_669 = arith.constant 112 : i32
        %parallel_loop3A_670 = arith.addi %parallel_loop3A_584, %parallel_loop3A_669 : i32
        %parallel_loop3A_671 = vector.broadcast %parallel_loop3A_670 : i32 to vector<16xi32>
        %parallel_loop3A_672 = arith.addi %iota3A, %parallel_loop3A_671 : vector<16xi32>
        %parallel_loop3A_673 = vector.broadcast %parallel_loop3A_28 : i32 to vector<16xi32>
        %parallel_loop3A_674 = arith.cmpi sle, %parallel_loop3A_672, %parallel_loop3A_673 : vector<16xi32>
        %parallel_loop3A_675 = arith.select %parallel_loop3A_674, %parallel_loop3A_582, %broadcast_in_dim3A_3 : vector<16xi1>, vector<16xf32>
        %parallel_loop3A_676 = arith.constant 112 : i32
        %parallel_loop3A_677 = arith.addi %parallel_loop3A_584, %parallel_loop3A_676 : i32
        %parallel_loop3A_678 = arith.index_cast %parallel_loop3A_19 : i32 to index
        %parallel_loop3A_679 = arith.index_cast %parallel_loop3A_677 : i32 to index
        %parallel_loop3A_680 = tpu.vector_load %arg5[%parallel_loop3A_678, %parallel_loop3A_679] {strides = array<i32>} : memref<32x2048xf32, #tpu.memory_space<vmem>>, vector<16xf32>,
        tpu.vector_store %arg5[%parallel_loop3A_678, %parallel_loop3A_679], %parallel_loop3A_675 {strides = array<i32>} : memref<32x2048xf32, #tpu.memory_space<vmem>>, vector<16xf32>,
      } {sc.loop_unroll_factor = 2 : i64, sc.parallel_access}
      %mul3A_16 = arith.constant 32 : i32
      %mul3A_17 = arith.muli %scan3A_13, %mul3A_16 : i32
      %add3A_18 = arith.addi %mul3A_2, %mul3A_17 : i32
      "tpu.region"() ({
        %run_scoped3A = tpu.sem_alloc : memref<!tpu.dma_semaphore, #tpu.memory_space<semaphore_mem>>
        %dma_start3A = arith.constant 0 : i32
        %dma_start3A_19 = tpu.memref_slice %arg3[%add3A_18, %dma_start3A] : memref<4096x2048xf32, #tpu.memory_space<hbm>> -> memref<32x2048xf32, #tpu.memory_space<hbm>>
        %dma_start3A_20 = arith.constant 0 : i32
        %dma_start3A_21 = tpu.memref_slice %arg3[%add3A_18, %dma_start3A_20] : memref<4096x2048xf32, #tpu.memory_space<hbm>> -> memref<32x2048xf32, #tpu.memory_space<hbm>>
        tpu.enqueue_dma source(%arg5 : memref<32x2048xf32, #tpu.memory_space<vmem>>) target(%dma_start3A_21 : memref<32x2048xf32, #tpu.memory_space<hbm>>) target_semaphore(%run_scoped3A : memref<!tpu.dma_semaphore, #tpu.memory_space<semaphore_mem>>)
        %dma_wait3A = arith.constant 0 : i32
        %dma_wait3A_22 = tpu.memref_slice %arg3[%add3A_18, %dma_wait3A] : memref<4096x2048xf32, #tpu.memory_space<hbm>> -> memref<32x2048xf32, #tpu.memory_space<hbm>>
        %dma_wait3A_23 = arith.constant 0 : i32
        %dma_wait3A_24 = tpu.memref_slice %arg3[%add3A_18, %dma_wait3A_23] : memref<4096x2048xf32, #tpu.memory_space<hbm>> -> memref<32x2048xf32, #tpu.memory_space<hbm>>
        tpu.wait_dma2 semaphore(%run_scoped3A : memref<!tpu.dma_semaphore, #tpu.memory_space<semaphore_mem>>) src(%arg5 : memref<32x2048xf32, #tpu.memory_space<vmem>>) dst(%dma_wait3A_24 : memref<32x2048xf32, #tpu.memory_space<hbm>>)
        tpu.yield
      }) : () -> ()
    }
    %scan3A_12 = arith.constant 4 : i32
    return
  }
}

module attributes {stable_mosaic.version = 14 : i64} {
  func.func @_tc_body(%arg0: i32, %arg1: i32, %arg2: memref<1x512x1024xf32, #tpu.memory_space<vmem>>, %arg3: memref<1x16x1024xf32, #tpu.memory_space<vmem>>, %arg4: memref<1024x256xf32, #tpu.memory_space<vmem>>, %arg5: memref<1024x256xf32, #tpu.memory_space<vmem>>, %arg6: memref<1x768xf32, #tpu.memory_space<vmem>>, %arg7: memref<1x768xf32, #tpu.memory_space<vmem>>, %arg8: memref<768x256xf32, #tpu.memory_space<vmem>>, %arg9: memref<768x256xf32, #tpu.memory_space<vmem>>, %arg10: memref<1x256xf32, #tpu.memory_space<vmem>>, %arg11: memref<1x256xf32, #tpu.memory_space<vmem>>, %arg12: memref<1x256xf32, #tpu.memory_space<vmem>>, %arg13: memref<1x1xf32, #tpu.memory_space<vmem>>, %arg14: memref<1x512x16xf32, #tpu.memory_space<vmem>>) attributes {dimension_semantics = [#tpu.dimension_semantics<arbitrary>, #tpu.dimension_semantics<arbitrary>], iteration_bounds = array<i64: 2, 4>, scalar_prefetch = 0 : i64, scratch_operands = 0 : i64, tpu.core_type = #tpu.core_type<tc>, window_params = [{transform_indices = @transform_0, window_bounds = array<i64: 1, 512, 1024>}, {transform_indices = @transform_1, window_bounds = array<i64: 1, 16, 1024>}, {pipeline_mode = #tpu.pipeline_mode<synchronous>, transform_indices = @transform_2, window_bounds = array<i64: 1024, 256>}, {pipeline_mode = #tpu.pipeline_mode<synchronous>, transform_indices = @transform_3, window_bounds = array<i64: 1024, 256>}, {pipeline_mode = #tpu.pipeline_mode<synchronous>, transform_indices = @transform_4, window_bounds = array<i64: 1, 768>}, {pipeline_mode = #tpu.pipeline_mode<synchronous>, transform_indices = @transform_5, window_bounds = array<i64: 1, 768>}, {pipeline_mode = #tpu.pipeline_mode<synchronous>, transform_indices = @transform_6, window_bounds = array<i64: 768, 256>}, {pipeline_mode = #tpu.pipeline_mode<synchronous>, transform_indices = @transform_7, window_bounds = array<i64: 768, 256>}, {pipeline_mode = #tpu.pipeline_mode<synchronous>, transform_indices = @transform_8, window_bounds = array<i64: 1, 256>}, {pipeline_mode = #tpu.pipeline_mode<synchronous>, transform_indices = @transform_9, window_bounds = array<i64: 1, 256>}, {pipeline_mode = #tpu.pipeline_mode<synchronous>, transform_indices = @transform_10, window_bounds = array<i64: 1, 256>}, {pipeline_mode = #tpu.pipeline_mode<synchronous>, transform_indices = @transform_11, window_bounds = array<i64: 1, 1>}, {transform_indices = @transform_12, window_bounds = array<i64: 1, 512, 16>}]} {
    %get3A = arith.constant 0 : index
    %get3A_0 = arith.constant 0 : index
    %get3A_1 = arith.constant 0 : index
    %get3A_2 = vector.load %arg2[%get3A, %get3A_0, %get3A_1] : memref<1x512x1024xf32, #tpu.memory_space<vmem>>, vector<1x512x1024xf32>
    %get3A_3 = vector.shape_cast %get3A_2 : vector<1x512x1024xf32> to vector<512x1024xf32>
    %get3A_4 = arith.constant 0 : index
    %get3A_5 = arith.constant 0 : index
    %get3A_6 = arith.constant 0 : index
    %get3A_7 = vector.load %arg3[%get3A_4, %get3A_5, %get3A_6] : memref<1x16x1024xf32, #tpu.memory_space<vmem>>, vector<1x16x1024xf32>
    %get3A_8 = vector.shape_cast %get3A_7 : vector<1x16x1024xf32> to vector<16x1024xf32>
    %get3A_9 = arith.constant 0 : index
    %get3A_10 = arith.constant 0 : index
    %get3A_11 = vector.load %arg4[%get3A_9, %get3A_10] : memref<1024x256xf32, #tpu.memory_space<vmem>>, vector<1024x256xf32>
    %dot_general3A = arith.constant dense<0.000000e+00> : vector<512x256xf32>
    %dot_general3A_12 = tpu.matmul %get3A_3, %get3A_11, %dot_general3A {dimension_numbers = #tpu.dot_dimension_numbers<[1], [0], [0], [1], [0, 0, 1, 1], [], []>, transpose_lhs_hint = false} : vector<512x1024xf32>, vector<1024x256xf32>, vector<512x256xf32> -> vector<512x256xf32>
    %get3A_13 = arith.constant 0 : index
    %get3A_14 = arith.constant 0 : index
    %get3A_15 = vector.load %arg5[%get3A_13, %get3A_14] : memref<1024x256xf32, #tpu.memory_space<vmem>>, vector<1024x256xf32>
    %dot_general3A_16 = arith.constant dense<0.000000e+00> : vector<16x256xf32>
    %dot_general3A_17 = tpu.matmul %get3A_8, %get3A_15, %dot_general3A_16 {dimension_numbers = #tpu.dot_dimension_numbers<[1], [0], [0], [1], [0, 0, 1, 1], [], []>, transpose_lhs_hint = false} : vector<16x1024xf32>, vector<1024x256xf32>, vector<16x256xf32> -> vector<16x256xf32>
    %get3A_18 = arith.constant 0 : index
    %get3A_19 = arith.constant 0 : index
    %get3A_20 = vector.load %arg6[%get3A_18, %get3A_19] : memref<1x768xf32, #tpu.memory_space<vmem>>, vector<1x768xf32>
    %get3A_21 = arith.constant 0 : index
    %get3A_22 = arith.constant 0 : index
    %get3A_23 = vector.load %arg7[%get3A_21, %get3A_22] : memref<1x768xf32, #tpu.memory_space<vmem>>, vector<1x768xf32>
    %get3A_24 = arith.constant 0 : index
    %get3A_25 = arith.constant 0 : index
    %get3A_26 = vector.load %arg8[%get3A_24, %get3A_25] : memref<768x256xf32, #tpu.memory_space<vmem>>, vector<768x256xf32>
    %get3A_27 = arith.constant 0 : index
    %get3A_28 = arith.constant 0 : index
    %get3A_29 = vector.load %arg9[%get3A_27, %get3A_28] : memref<768x256xf32, #tpu.memory_space<vmem>>, vector<768x256xf32>
    %slice3A = vector.extract_strided_slice %get3A_20 {offsets = [0, 0], sizes = [1, 256], strides = [1, 1]} : vector<1x768xf32> to vector<1x256xf32>
    %slice3A_30 = vector.extract_strided_slice %get3A_20 {offsets = [0, 256], sizes = [1, 256], strides = [1, 1]} : vector<1x768xf32> to vector<1x256xf32>
    %slice3A_31 = vector.extract_strided_slice %get3A_20 {offsets = [0, 512], sizes = [1, 256], strides = [1, 1]} : vector<1x768xf32> to vector<1x256xf32>
    %dot_general3A_32 = arith.constant dense<0.000000e+00> : vector<1x256xf32>
    %dot_general3A_33 = tpu.matmul %get3A_20, %get3A_26, %dot_general3A_32 {dimension_numbers = #tpu.dot_dimension_numbers<[1], [0], [0], [1], [0, 0, 1, 1], [], []>, transpose_lhs_hint = false} : vector<1x768xf32>, vector<768x256xf32>, vector<1x256xf32> -> vector<1x256xf32>
    %dot_general3A_34 = arith.constant dense<0.000000e+00> : vector<1x256xf32>
    %dot_general3A_35 = tpu.matmul %get3A_20, %get3A_29, %dot_general3A_34 {dimension_numbers = #tpu.dot_dimension_numbers<[1], [0], [0], [1], [0, 0, 1, 1], [], []>, transpose_lhs_hint = false} : vector<1x768xf32>, vector<768x256xf32>, vector<1x256xf32> -> vector<1x256xf32>
    %dot_general3A_36 = arith.constant dense<0.000000e+00> : vector<1x256xf32>
    %dot_general3A_37 = tpu.matmul %get3A_23, %get3A_26, %dot_general3A_36 {dimension_numbers = #tpu.dot_dimension_numbers<[1], [0], [0], [1], [0, 0, 1, 1], [], []>, transpose_lhs_hint = false} : vector<1x768xf32>, vector<768x256xf32>, vector<1x256xf32> -> vector<1x256xf32>
    %get3A_38 = arith.constant 0 : index
    %get3A_39 = arith.constant 0 : index
    %get3A_40 = vector.load %arg10[%get3A_38, %get3A_39] : memref<1x256xf32, #tpu.memory_space<vmem>>, vector<1x256xf32>
    %add3A = arith.addf %dot_general3A_37, %get3A_40 : vector<1x256xf32>
    %dot_general3A_41 = arith.constant dense<0.000000e+00> : vector<1x256xf32>
    %dot_general3A_42 = tpu.matmul %get3A_23, %get3A_29, %dot_general3A_41 {dimension_numbers = #tpu.dot_dimension_numbers<[1], [0], [0], [1], [0, 0, 1, 1], [], []>, transpose_lhs_hint = false} : vector<1x768xf32>, vector<768x256xf32>, vector<1x256xf32> -> vector<1x256xf32>
    %get3A_43 = arith.constant 0 : index
    %get3A_44 = arith.constant 0 : index
    %get3A_45 = vector.load %arg11[%get3A_43, %get3A_44] : memref<1x256xf32, #tpu.memory_space<vmem>>, vector<1x256xf32>
    %add3A_46 = arith.addf %dot_general3A_42, %get3A_45 : vector<1x256xf32>
    %broadcast_in_dim3A = arith.constant 1.000000e+00 : f32
    %broadcast_in_dim3A_47 = vector.broadcast %broadcast_in_dim3A : f32 to vector<1x256xf32>
    %mul3A = arith.mulf %dot_general3A_12, %dot_general3A_12 : vector<512x256xf32>
    %mul3A_48 = arith.mulf %dot_general3A_17, %dot_general3A_17 : vector<16x256xf32>
    %reduce_sum3A = arith.constant dense<0.000000e+00> : vector<512xf32>
    %reduce_sum3A_49 = vector.multi_reduction <add>, %dot_general3A_12, %reduce_sum3A [1] : vector<512x256xf32> to vector<512xf32>
    %broadcast_in_dim3A_50 = vector.shape_cast %reduce_sum3A_49 : vector<512xf32> to vector<512x1xf32>
    %reduce_sum3A_51 = arith.constant dense<0.000000e+00> : vector<512xf32>
    %reduce_sum3A_52 = vector.multi_reduction <add>, %mul3A, %reduce_sum3A_51 [1] : vector<512x256xf32> to vector<512xf32>
    %broadcast_in_dim3A_53 = vector.shape_cast %reduce_sum3A_52 : vector<512xf32> to vector<512x1xf32>
    %dot_general3A_54 = arith.constant dense<0.000000e+00> : vector<1x16xf32>
    %dot_general3A_55 = tpu.matmul %broadcast_in_dim3A_47, %dot_general3A_17, %dot_general3A_54 {dimension_numbers = #tpu.dot_dimension_numbers<[1], [1], [0], [0], [0, 0, 1, 0], [], []>, transpose_lhs_hint = false} : vector<1x256xf32>, vector<16x256xf32>, vector<1x16xf32> -> vector<1x16xf32>
    %dot_general3A_56 = arith.constant dense<0.000000e+00> : vector<1x16xf32>
    %dot_general3A_57 = tpu.matmul %broadcast_in_dim3A_47, %mul3A_48, %dot_general3A_56 {dimension_numbers = #tpu.dot_dimension_numbers<[1], [1], [0], [0], [0, 0, 1, 0], [], []>, transpose_lhs_hint = false} : vector<1x256xf32>, vector<16x256xf32>, vector<1x16xf32> -> vector<1x16xf32>
    %dot_general3A_58 = arith.constant dense<0.000000e+00> : vector<512x16xf32>
    %dot_general3A_59 = tpu.matmul %dot_general3A_12, %dot_general3A_17, %dot_general3A_58 {dimension_numbers = #tpu.dot_dimension_numbers<[1], [1], [0], [0], [0, 0, 1, 0], [], []>, transpose_lhs_hint = false} : vector<512x256xf32>, vector<16x256xf32>, vector<512x16xf32> -> vector<512x16xf32>
    %dot_general3A_60 = arith.constant dense<0.000000e+00> : vector<512x16xf32>
    %dot_general3A_61 = tpu.matmul %mul3A, %mul3A_48, %dot_general3A_60 {dimension_numbers = #tpu.dot_dimension_numbers<[1], [1], [0], [0], [0, 0, 1, 0], [], []>, transpose_lhs_hint = false} : vector<512x256xf32>, vector<16x256xf32>, vector<512x16xf32> -> vector<512x16xf32>
    %add3A_62 = vector.broadcast %broadcast_in_dim3A_50 : vector<512x1xf32> to vector<512x16xf32>
    %add3A_63 = vector.broadcast %dot_general3A_55 : vector<1x16xf32> to vector<512x16xf32>
    %add3A_64 = arith.addf %add3A_62, %add3A_63 : vector<512x16xf32>
    %add3A_65 = arith.addf %add3A_64, %dot_general3A_59 : vector<512x16xf32>
    %mul3A_66 = arith.constant 0.00130208337 : f32
    %mul3A_67 = vector.broadcast %mul3A_66 : f32 to vector<512x16xf32>
    %mul3A_68 = arith.mulf %add3A_65, %mul3A_67 : vector<512x16xf32>
    %add3A_69 = vector.broadcast %broadcast_in_dim3A_53 : vector<512x1xf32> to vector<512x16xf32>
    %add3A_70 = vector.broadcast %dot_general3A_57 : vector<1x16xf32> to vector<512x16xf32>
    %add3A_71 = arith.addf %add3A_69, %add3A_70 : vector<512x16xf32>
    %add3A_72 = arith.addf %add3A_71, %dot_general3A_61 : vector<512x16xf32>
    %mul3A_73 = arith.constant 0.00130208337 : f32
    %mul3A_74 = vector.broadcast %mul3A_73 : f32 to vector<512x16xf32>
    %mul3A_75 = arith.mulf %add3A_72, %mul3A_74 : vector<512x16xf32>
    %mul3A_76 = arith.mulf %mul3A_68, %mul3A_68 : vector<512x16xf32>
    %sub3A = arith.subf %mul3A_75, %mul3A_76 : vector<512x16xf32>
    %add3A_77 = arith.constant 9.99999974E-6 : f32
    %add3A_78 = vector.broadcast %add3A_77 : f32 to vector<512x16xf32>
    %add3A_79 = arith.addf %sub3A, %add3A_78 : vector<512x16xf32>
    %rsqrt3A = math.rsqrt %add3A_79 : vector<512x16xf32>
    %mul3A_80 = vector.broadcast %slice3A : vector<1x256xf32> to vector<512x256xf32>
    %mul3A_81 = arith.mulf %dot_general3A_12, %mul3A_80 : vector<512x256xf32>
    %mul3A_82 = vector.broadcast %slice3A_30 : vector<1x256xf32> to vector<16x256xf32>
    %mul3A_83 = arith.mulf %dot_general3A_17, %mul3A_82 : vector<16x256xf32>
    %mul3A_84 = vector.broadcast %slice3A_31 : vector<1x256xf32> to vector<16x256xf32>
    %mul3A_85 = arith.mulf %dot_general3A_17, %mul3A_84 : vector<16x256xf32>
    %slice3A_86 = vector.extract_strided_slice %get3A_26 {offsets = [0, 0], sizes = [256, 256], strides = [1, 1]} : vector<768x256xf32> to vector<256x256xf32>
    %slice3A_87 = vector.extract_strided_slice %get3A_26 {offsets = [256, 0], sizes = [256, 256], strides = [1, 1]} : vector<768x256xf32> to vector<256x256xf32>
    %slice3A_88 = vector.extract_strided_slice %get3A_26 {offsets = [512, 0], sizes = [256, 256], strides = [1, 1]} : vector<768x256xf32> to vector<256x256xf32>
    %slice3A_89 = vector.extract_strided_slice %get3A_29 {offsets = [0, 0], sizes = [256, 256], strides = [1, 1]} : vector<768x256xf32> to vector<256x256xf32>
    %slice3A_90 = vector.extract_strided_slice %get3A_29 {offsets = [256, 0], sizes = [256, 256], strides = [1, 1]} : vector<768x256xf32> to vector<256x256xf32>
    %slice3A_91 = vector.extract_strided_slice %get3A_29 {offsets = [512, 0], sizes = [256, 256], strides = [1, 1]} : vector<768x256xf32> to vector<256x256xf32>
    %dot_general3A_92 = arith.constant dense<0.000000e+00> : vector<512x256xf32>
    %dot_general3A_93 = tpu.matmul %mul3A_81, %slice3A_86, %dot_general3A_92 {dimension_numbers = #tpu.dot_dimension_numbers<[1], [0], [0], [1], [0, 0, 1, 1], [], []>, transpose_lhs_hint = false} : vector<512x256xf32>, vector<256x256xf32>, vector<512x256xf32> -> vector<512x256xf32>
    %dot_general3A_94 = arith.constant dense<0.000000e+00> : vector<512x256xf32>
    %dot_general3A_95 = tpu.matmul %mul3A_81, %slice3A_89, %dot_general3A_94 {dimension_numbers = #tpu.dot_dimension_numbers<[1], [0], [0], [1], [0, 0, 1, 1], [], []>, transpose_lhs_hint = false} : vector<512x256xf32>, vector<256x256xf32>, vector<512x256xf32> -> vector<512x256xf32>
    %dot_general3A_96 = arith.constant dense<0.000000e+00> : vector<16x256xf32>
    %dot_general3A_97 = tpu.matmul %mul3A_83, %slice3A_87, %dot_general3A_96 {dimension_numbers = #tpu.dot_dimension_numbers<[1], [0], [0], [1], [0, 0, 1, 1], [], []>, transpose_lhs_hint = false} : vector<16x256xf32>, vector<256x256xf32>, vector<16x256xf32> -> vector<16x256xf32>
    %dot_general3A_98 = arith.constant dense<0.000000e+00> : vector<16x256xf32>
    %dot_general3A_99 = tpu.matmul %mul3A_83, %slice3A_90, %dot_general3A_98 {dimension_numbers = #tpu.dot_dimension_numbers<[1], [0], [0], [1], [0, 0, 1, 1], [], []>, transpose_lhs_hint = false} : vector<16x256xf32>, vector<256x256xf32>, vector<16x256xf32> -> vector<16x256xf32>
    %get3A_100 = arith.constant 0 : index
    %get3A_101 = arith.constant 0 : index
    %get3A_102 = vector.load %arg12[%get3A_100, %get3A_101] : memref<1x256xf32, #tpu.memory_space<vmem>>, vector<1x256xf32>
    %get3A_103 = arith.constant 0 : index
    %get3A_104 = arith.constant 0 : index
    %get3A_105 = vector.load %arg13[%get3A_103, %get3A_104] : memref<1x1xf32, #tpu.memory_space<vmem>>, vector<1x1xf32>
    %get3A_106 = vector.extract %get3A_105[0, 0] : f32 from vector<1x1xf32>
    %slice3A_107 = vector.extract_strided_slice %mul3A_85 {offsets = [0, 0], sizes = [1, 256], strides = [1, 1]} : vector<16x256xf32> to vector<1x256xf32>
    %mul3A_108 = vector.broadcast %slice3A_107 : vector<1x256xf32> to vector<512x256xf32>
    %mul3A_109 = arith.mulf %dot_general3A_12, %mul3A_108 : vector<512x256xf32>
    %dot_general3A_110 = arith.constant dense<0.000000e+00> : vector<512x256xf32>
    %dot_general3A_111 = tpu.matmul %mul3A_109, %slice3A_88, %dot_general3A_110 {dimension_numbers = #tpu.dot_dimension_numbers<[1], [0], [0], [1], [0, 0, 1, 1], [], []>, transpose_lhs_hint = false} : vector<512x256xf32>, vector<256x256xf32>, vector<512x256xf32> -> vector<512x256xf32>
    %dot_general3A_112 = arith.constant dense<0.000000e+00> : vector<512x256xf32>
    %dot_general3A_113 = tpu.matmul %mul3A_109, %slice3A_91, %dot_general3A_112 {dimension_numbers = #tpu.dot_dimension_numbers<[1], [0], [0], [1], [0, 0, 1, 1], [], []>, transpose_lhs_hint = false} : vector<512x256xf32>, vector<256x256xf32>, vector<512x256xf32> -> vector<512x256xf32>
    %slice3A_114 = vector.extract_strided_slice %rsqrt3A {offsets = [0, 0], sizes = [512, 1], strides = [1, 1]} : vector<512x16xf32> to vector<512x1xf32>
    %slice3A_115 = vector.extract_strided_slice %mul3A_68 {offsets = [0, 0], sizes = [512, 1], strides = [1, 1]} : vector<512x16xf32> to vector<512x1xf32>
    %slice3A_116 = vector.extract_strided_slice %dot_general3A_97 {offsets = [0, 0], sizes = [1, 256], strides = [1, 1]} : vector<16x256xf32> to vector<1x256xf32>
    %add3A_117 = vector.broadcast %slice3A_116 : vector<1x256xf32> to vector<512x256xf32>
    %add3A_118 = arith.addf %dot_general3A_93, %add3A_117 : vector<512x256xf32>
    %add3A_119 = arith.addf %add3A_118, %dot_general3A_111 : vector<512x256xf32>
    %mul3A_120 = vector.broadcast %slice3A_115 : vector<512x1xf32> to vector<512x256xf32>
    %mul3A_121 = vector.broadcast %dot_general3A_33 : vector<1x256xf32> to vector<512x256xf32>
    %mul3A_122 = arith.mulf %mul3A_120, %mul3A_121 : vector<512x256xf32>
    %sub3A_123 = arith.subf %add3A_119, %mul3A_122 : vector<512x256xf32>
    %mul3A_124 = vector.broadcast %slice3A_114 : vector<512x1xf32> to vector<512x256xf32>
    %mul3A_125 = arith.mulf %mul3A_124, %sub3A_123 : vector<512x256xf32>
    %add3A_126 = vector.broadcast %add3A : vector<1x256xf32> to vector<512x256xf32>
    %add3A_127 = arith.addf %mul3A_125, %add3A_126 : vector<512x256xf32>
    %slice3A_128 = vector.extract_strided_slice %dot_general3A_99 {offsets = [0, 0], sizes = [1, 256], strides = [1, 1]} : vector<16x256xf32> to vector<1x256xf32>
    %add3A_129 = vector.broadcast %slice3A_128 : vector<1x256xf32> to vector<512x256xf32>
    %add3A_130 = arith.addf %dot_general3A_95, %add3A_129 : vector<512x256xf32>
    %add3A_131 = arith.addf %add3A_130, %dot_general3A_113 : vector<512x256xf32>
    %mul3A_132 = vector.broadcast %slice3A_115 : vector<512x1xf32> to vector<512x256xf32>
    %mul3A_133 = vector.broadcast %dot_general3A_35 : vector<1x256xf32> to vector<512x256xf32>
    %mul3A_134 = arith.mulf %mul3A_132, %mul3A_133 : vector<512x256xf32>
    %sub3A_135 = arith.subf %add3A_131, %mul3A_134 : vector<512x256xf32>
    %mul3A_136 = vector.broadcast %slice3A_114 : vector<512x1xf32> to vector<512x256xf32>
    %mul3A_137 = arith.mulf %mul3A_136, %sub3A_135 : vector<512x256xf32>
    %add3A_138 = vector.broadcast %add3A_46 : vector<1x256xf32> to vector<512x256xf32>
    %add3A_139 = arith.addf %mul3A_137, %add3A_138 : vector<512x256xf32>
    %mul3A_140 = arith.constant 5.000000e-01 : f32
    %mul3A_141 = vector.broadcast %mul3A_140 : f32 to vector<512x256xf32>
    %mul3A_142 = arith.mulf %mul3A_141, %add3A_139 : vector<512x256xf32>
    %mul3A_143 = arith.constant 0.707106769 : f32
    %mul3A_144 = vector.broadcast %mul3A_143 : f32 to vector<512x256xf32>
    %mul3A_145 = arith.mulf %add3A_139, %mul3A_144 : vector<512x256xf32>
    %erf3A = math.erf %mul3A_145 : vector<512x256xf32>
    %add3A_146 = arith.constant 1.000000e+00 : f32
    %add3A_147 = vector.broadcast %add3A_146 : f32 to vector<512x256xf32>
    %add3A_148 = arith.addf %add3A_147, %erf3A : vector<512x256xf32>
    %mul3A_149 = arith.mulf %mul3A_142, %add3A_148 : vector<512x256xf32>
    %mul3A_150 = arith.mulf %add3A_127, %mul3A_149 : vector<512x256xf32>
    %dot_general3A_151 = arith.constant dense<0.000000e+00> : vector<512x1xf32>
    %dot_general3A_152 = tpu.matmul %mul3A_150, %get3A_102, %dot_general3A_151 {dimension_numbers = #tpu.dot_dimension_numbers<[1], [1], [0], [0], [0, 0, 1, 0], [], []>, transpose_lhs_hint = false} : vector<512x256xf32>, vector<1x256xf32>, vector<512x1xf32> -> vector<512x1xf32>
    %slice3A_153 = vector.extract_strided_slice %mul3A_85 {offsets = [1, 0], sizes = [1, 256], strides = [1, 1]} : vector<16x256xf32> to vector<1x256xf32>
    %mul3A_154 = vector.broadcast %slice3A_153 : vector<1x256xf32> to vector<512x256xf32>
    %mul3A_155 = arith.mulf %dot_general3A_12, %mul3A_154 : vector<512x256xf32>
    %dot_general3A_156 = arith.constant dense<0.000000e+00> : vector<512x256xf32>
    %dot_general3A_157 = tpu.matmul %mul3A_155, %slice3A_88, %dot_general3A_156 {dimension_numbers = #tpu.dot_dimension_numbers<[1], [0], [0], [1], [0, 0, 1, 1], [], []>, transpose_lhs_hint = false} : vector<512x256xf32>, vector<256x256xf32>, vector<512x256xf32> -> vector<512x256xf32>
    %dot_general3A_158 = arith.constant dense<0.000000e+00> : vector<512x256xf32>
    %dot_general3A_159 = tpu.matmul %mul3A_155, %slice3A_91, %dot_general3A_158 {dimension_numbers = #tpu.dot_dimension_numbers<[1], [0], [0], [1], [0, 0, 1, 1], [], []>, transpose_lhs_hint = false} : vector<512x256xf32>, vector<256x256xf32>, vector<512x256xf32> -> vector<512x256xf32>
    %slice3A_160 = vector.extract_strided_slice %rsqrt3A {offsets = [0, 1], sizes = [512, 1], strides = [1, 1]} : vector<512x16xf32> to vector<512x1xf32>
    %slice3A_161 = vector.extract_strided_slice %mul3A_68 {offsets = [0, 1], sizes = [512, 1], strides = [1, 1]} : vector<512x16xf32> to vector<512x1xf32>
    %slice3A_162 = vector.extract_strided_slice %dot_general3A_97 {offsets = [1, 0], sizes = [1, 256], strides = [1, 1]} : vector<16x256xf32> to vector<1x256xf32>
    %add3A_163 = vector.broadcast %slice3A_162 : vector<1x256xf32> to vector<512x256xf32>
    %add3A_164 = arith.addf %dot_general3A_93, %add3A_163 : vector<512x256xf32>
    %add3A_165 = arith.addf %add3A_164, %dot_general3A_157 : vector<512x256xf32>
    %mul3A_166 = vector.broadcast %slice3A_161 : vector<512x1xf32> to vector<512x256xf32>
    %mul3A_167 = vector.broadcast %dot_general3A_33 : vector<1x256xf32> to vector<512x256xf32>
    %mul3A_168 = arith.mulf %mul3A_166, %mul3A_167 : vector<512x256xf32>
    %sub3A_169 = arith.subf %add3A_165, %mul3A_168 : vector<512x256xf32>
    %mul3A_170 = vector.broadcast %slice3A_160 : vector<512x1xf32> to vector<512x256xf32>
    %mul3A_171 = arith.mulf %mul3A_170, %sub3A_169 : vector<512x256xf32>
    %add3A_172 = vector.broadcast %add3A : vector<1x256xf32> to vector<512x256xf32>
    %add3A_173 = arith.addf %mul3A_171, %add3A_172 : vector<512x256xf32>
    %slice3A_174 = vector.extract_strided_slice %dot_general3A_99 {offsets = [1, 0], sizes = [1, 256], strides = [1, 1]} : vector<16x256xf32> to vector<1x256xf32>
    %add3A_175 = vector.broadcast %slice3A_174 : vector<1x256xf32> to vector<512x256xf32>
    %add3A_176 = arith.addf %dot_general3A_95, %add3A_175 : vector<512x256xf32>
    %add3A_177 = arith.addf %add3A_176, %dot_general3A_159 : vector<512x256xf32>
    %mul3A_178 = vector.broadcast %slice3A_161 : vector<512x1xf32> to vector<512x256xf32>
    %mul3A_179 = vector.broadcast %dot_general3A_35 : vector<1x256xf32> to vector<512x256xf32>
    %mul3A_180 = arith.mulf %mul3A_178, %mul3A_179 : vector<512x256xf32>
    %sub3A_181 = arith.subf %add3A_177, %mul3A_180 : vector<512x256xf32>
    %mul3A_182 = vector.broadcast %slice3A_160 : vector<512x1xf32> to vector<512x256xf32>
    %mul3A_183 = arith.mulf %mul3A_182, %sub3A_181 : vector<512x256xf32>
    %add3A_184 = vector.broadcast %add3A_46 : vector<1x256xf32> to vector<512x256xf32>
    %add3A_185 = arith.addf %mul3A_183, %add3A_184 : vector<512x256xf32>
    %mul3A_186 = arith.constant 5.000000e-01 : f32
    %mul3A_187 = vector.broadcast %mul3A_186 : f32 to vector<512x256xf32>
    %mul3A_188 = arith.mulf %mul3A_187, %add3A_185 : vector<512x256xf32>
    %mul3A_189 = arith.constant 0.707106769 : f32
    %mul3A_190 = vector.broadcast %mul3A_189 : f32 to vector<512x256xf32>
    %mul3A_191 = arith.mulf %add3A_185, %mul3A_190 : vector<512x256xf32>
    %erf3A_192 = math.erf %mul3A_191 : vector<512x256xf32>
    %add3A_193 = arith.constant 1.000000e+00 : f32
    %add3A_194 = vector.broadcast %add3A_193 : f32 to vector<512x256xf32>
    %add3A_195 = arith.addf %add3A_194, %erf3A_192 : vector<512x256xf32>
    %mul3A_196 = arith.mulf %mul3A_188, %add3A_195 : vector<512x256xf32>
    %mul3A_197 = arith.mulf %add3A_173, %mul3A_196 : vector<512x256xf32>
    %dot_general3A_198 = arith.constant dense<0.000000e+00> : vector<512x1xf32>
    %dot_general3A_199 = tpu.matmul %mul3A_197, %get3A_102, %dot_general3A_198 {dimension_numbers = #tpu.dot_dimension_numbers<[1], [1], [0], [0], [0, 0, 1, 0], [], []>, transpose_lhs_hint = false} : vector<512x256xf32>, vector<1x256xf32>, vector<512x1xf32> -> vector<512x1xf32>
    %slice3A_200 = vector.extract_strided_slice %mul3A_85 {offsets = [2, 0], sizes = [1, 256], strides = [1, 1]} : vector<16x256xf32> to vector<1x256xf32>
    %mul3A_201 = vector.broadcast %slice3A_200 : vector<1x256xf32> to vector<512x256xf32>
    %mul3A_202 = arith.mulf %dot_general3A_12, %mul3A_201 : vector<512x256xf32>
    %dot_general3A_203 = arith.constant dense<0.000000e+00> : vector<512x256xf32>
    %dot_general3A_204 = tpu.matmul %mul3A_202, %slice3A_88, %dot_general3A_203 {dimension_numbers = #tpu.dot_dimension_numbers<[1], [0], [0], [1], [0, 0, 1, 1], [], []>, transpose_lhs_hint = false} : vector<512x256xf32>, vector<256x256xf32>, vector<512x256xf32> -> vector<512x256xf32>
    %dot_general3A_205 = arith.constant dense<0.000000e+00> : vector<512x256xf32>
    %dot_general3A_206 = tpu.matmul %mul3A_202, %slice3A_91, %dot_general3A_205 {dimension_numbers = #tpu.dot_dimension_numbers<[1], [0], [0], [1], [0, 0, 1, 1], [], []>, transpose_lhs_hint = false} : vector<512x256xf32>, vector<256x256xf32>, vector<512x256xf32> -> vector<512x256xf32>
    %slice3A_207 = vector.extract_strided_slice %rsqrt3A {offsets = [0, 2], sizes = [512, 1], strides = [1, 1]} : vector<512x16xf32> to vector<512x1xf32>
    %slice3A_208 = vector.extract_strided_slice %mul3A_68 {offsets = [0, 2], sizes = [512, 1], strides = [1, 1]} : vector<512x16xf32> to vector<512x1xf32>
    %slice3A_209 = vector.extract_strided_slice %dot_general3A_97 {offsets = [2, 0], sizes = [1, 256], strides = [1, 1]} : vector<16x256xf32> to vector<1x256xf32>
    %add3A_210 = vector.broadcast %slice3A_209 : vector<1x256xf32> to vector<512x256xf32>
    %add3A_211 = arith.addf %dot_general3A_93, %add3A_210 : vector<512x256xf32>
    %add3A_212 = arith.addf %add3A_211, %dot_general3A_204 : vector<512x256xf32>
    %mul3A_213 = vector.broadcast %slice3A_208 : vector<512x1xf32> to vector<512x256xf32>
    %mul3A_214 = vector.broadcast %dot_general3A_33 : vector<1x256xf32> to vector<512x256xf32>
    %mul3A_215 = arith.mulf %mul3A_213, %mul3A_214 : vector<512x256xf32>
    %sub3A_216 = arith.subf %add3A_212, %mul3A_215 : vector<512x256xf32>
    %mul3A_217 = vector.broadcast %slice3A_207 : vector<512x1xf32> to vector<512x256xf32>
    %mul3A_218 = arith.mulf %mul3A_217, %sub3A_216 : vector<512x256xf32>
    %add3A_219 = vector.broadcast %add3A : vector<1x256xf32> to vector<512x256xf32>
    %add3A_220 = arith.addf %mul3A_218, %add3A_219 : vector<512x256xf32>
    %slice3A_221 = vector.extract_strided_slice %dot_general3A_99 {offsets = [2, 0], sizes = [1, 256], strides = [1, 1]} : vector<16x256xf32> to vector<1x256xf32>
    %add3A_222 = vector.broadcast %slice3A_221 : vector<1x256xf32> to vector<512x256xf32>
    %add3A_223 = arith.addf %dot_general3A_95, %add3A_222 : vector<512x256xf32>
    %add3A_224 = arith.addf %add3A_223, %dot_general3A_206 : vector<512x256xf32>
    %mul3A_225 = vector.broadcast %slice3A_208 : vector<512x1xf32> to vector<512x256xf32>
    %mul3A_226 = vector.broadcast %dot_general3A_35 : vector<1x256xf32> to vector<512x256xf32>
    %mul3A_227 = arith.mulf %mul3A_225, %mul3A_226 : vector<512x256xf32>
    %sub3A_228 = arith.subf %add3A_224, %mul3A_227 : vector<512x256xf32>
    %mul3A_229 = vector.broadcast %slice3A_207 : vector<512x1xf32> to vector<512x256xf32>
    %mul3A_230 = arith.mulf %mul3A_229, %sub3A_228 : vector<512x256xf32>
    %add3A_231 = vector.broadcast %add3A_46 : vector<1x256xf32> to vector<512x256xf32>
    %add3A_232 = arith.addf %mul3A_230, %add3A_231 : vector<512x256xf32>
    %mul3A_233 = arith.constant 5.000000e-01 : f32
    %mul3A_234 = vector.broadcast %mul3A_233 : f32 to vector<512x256xf32>
    %mul3A_235 = arith.mulf %mul3A_234, %add3A_232 : vector<512x256xf32>
    %mul3A_236 = arith.constant 0.707106769 : f32
    %mul3A_237 = vector.broadcast %mul3A_236 : f32 to vector<512x256xf32>
    %mul3A_238 = arith.mulf %add3A_232, %mul3A_237 : vector<512x256xf32>
    %erf3A_239 = math.erf %mul3A_238 : vector<512x256xf32>
    %add3A_240 = arith.constant 1.000000e+00 : f32
    %add3A_241 = vector.broadcast %add3A_240 : f32 to vector<512x256xf32>
    %add3A_242 = arith.addf %add3A_241, %erf3A_239 : vector<512x256xf32>
    %mul3A_243 = arith.mulf %mul3A_235, %add3A_242 : vector<512x256xf32>
    %mul3A_244 = arith.mulf %add3A_220, %mul3A_243 : vector<512x256xf32>
    %dot_general3A_245 = arith.constant dense<0.000000e+00> : vector<512x1xf32>
    %dot_general3A_246 = tpu.matmul %mul3A_244, %get3A_102, %dot_general3A_245 {dimension_numbers = #tpu.dot_dimension_numbers<[1], [1], [0], [0], [0, 0, 1, 0], [], []>, transpose_lhs_hint = false} : vector<512x256xf32>, vector<1x256xf32>, vector<512x1xf32> -> vector<512x1xf32>
    %slice3A_247 = vector.extract_strided_slice %mul3A_85 {offsets = [3, 0], sizes = [1, 256], strides = [1, 1]} : vector<16x256xf32> to vector<1x256xf32>
    %mul3A_248 = vector.broadcast %slice3A_247 : vector<1x256xf32> to vector<512x256xf32>
    %mul3A_249 = arith.mulf %dot_general3A_12, %mul3A_248 : vector<512x256xf32>
    %dot_general3A_250 = arith.constant dense<0.000000e+00> : vector<512x256xf32>
    %dot_general3A_251 = tpu.matmul %mul3A_249, %slice3A_88, %dot_general3A_250 {dimension_numbers = #tpu.dot_dimension_numbers<[1], [0], [0], [1], [0, 0, 1, 1], [], []>, transpose_lhs_hint = false} : vector<512x256xf32>, vector<256x256xf32>, vector<512x256xf32> -> vector<512x256xf32>
    %dot_general3A_252 = arith.constant dense<0.000000e+00> : vector<512x256xf32>
    %dot_general3A_253 = tpu.matmul %mul3A_249, %slice3A_91, %dot_general3A_252 {dimension_numbers = #tpu.dot_dimension_numbers<[1], [0], [0], [1], [0, 0, 1, 1], [], []>, transpose_lhs_hint = false} : vector<512x256xf32>, vector<256x256xf32>, vector<512x256xf32> -> vector<512x256xf32>
    %slice3A_254 = vector.extract_strided_slice %rsqrt3A {offsets = [0, 3], sizes = [512, 1], strides = [1, 1]} : vector<512x16xf32> to vector<512x1xf32>
    %slice3A_255 = vector.extract_strided_slice %mul3A_68 {offsets = [0, 3], sizes = [512, 1], strides = [1, 1]} : vector<512x16xf32> to vector<512x1xf32>
    %slice3A_256 = vector.extract_strided_slice %dot_general3A_97 {offsets = [3, 0], sizes = [1, 256], strides = [1, 1]} : vector<16x256xf32> to vector<1x256xf32>
    %add3A_257 = vector.broadcast %slice3A_256 : vector<1x256xf32> to vector<512x256xf32>
    %add3A_258 = arith.addf %dot_general3A_93, %add3A_257 : vector<512x256xf32>
    %add3A_259 = arith.addf %add3A_258, %dot_general3A_251 : vector<512x256xf32>
    %mul3A_260 = vector.broadcast %slice3A_255 : vector<512x1xf32> to vector<512x256xf32>
    %mul3A_261 = vector.broadcast %dot_general3A_33 : vector<1x256xf32> to vector<512x256xf32>
    %mul3A_262 = arith.mulf %mul3A_260, %mul3A_261 : vector<512x256xf32>
    %sub3A_263 = arith.subf %add3A_259, %mul3A_262 : vector<512x256xf32>
    %mul3A_264 = vector.broadcast %slice3A_254 : vector<512x1xf32> to vector<512x256xf32>
    %mul3A_265 = arith.mulf %mul3A_264, %sub3A_263 : vector<512x256xf32>
    %add3A_266 = vector.broadcast %add3A : vector<1x256xf32> to vector<512x256xf32>
    %add3A_267 = arith.addf %mul3A_265, %add3A_266 : vector<512x256xf32>
    %slice3A_268 = vector.extract_strided_slice %dot_general3A_99 {offsets = [3, 0], sizes = [1, 256], strides = [1, 1]} : vector<16x256xf32> to vector<1x256xf32>
    %add3A_269 = vector.broadcast %slice3A_268 : vector<1x256xf32> to vector<512x256xf32>
    %add3A_270 = arith.addf %dot_general3A_95, %add3A_269 : vector<512x256xf32>
    %add3A_271 = arith.addf %add3A_270, %dot_general3A_253 : vector<512x256xf32>
    %mul3A_272 = vector.broadcast %slice3A_255 : vector<512x1xf32> to vector<512x256xf32>
    %mul3A_273 = vector.broadcast %dot_general3A_35 : vector<1x256xf32> to vector<512x256xf32>
    %mul3A_274 = arith.mulf %mul3A_272, %mul3A_273 : vector<512x256xf32>
    %sub3A_275 = arith.subf %add3A_271, %mul3A_274 : vector<512x256xf32>
    %mul3A_276 = vector.broadcast %slice3A_254 : vector<512x1xf32> to vector<512x256xf32>
    %mul3A_277 = arith.mulf %mul3A_276, %sub3A_275 : vector<512x256xf32>
    %add3A_278 = vector.broadcast %add3A_46 : vector<1x256xf32> to vector<512x256xf32>
    %add3A_279 = arith.addf %mul3A_277, %add3A_278 : vector<512x256xf32>
    %mul3A_280 = arith.constant 5.000000e-01 : f32
    %mul3A_281 = vector.broadcast %mul3A_280 : f32 to vector<512x256xf32>
    %mul3A_282 = arith.mulf %mul3A_281, %add3A_279 : vector<512x256xf32>
    %mul3A_283 = arith.constant 0.707106769 : f32
    %mul3A_284 = vector.broadcast %mul3A_283 : f32 to vector<512x256xf32>
    %mul3A_285 = arith.mulf %add3A_279, %mul3A_284 : vector<512x256xf32>
    %erf3A_286 = math.erf %mul3A_285 : vector<512x256xf32>
    %add3A_287 = arith.constant 1.000000e+00 : f32
    %add3A_288 = vector.broadcast %add3A_287 : f32 to vector<512x256xf32>
    %add3A_289 = arith.addf %add3A_288, %erf3A_286 : vector<512x256xf32>
    %mul3A_290 = arith.mulf %mul3A_282, %add3A_289 : vector<512x256xf32>
    %mul3A_291 = arith.mulf %add3A_267, %mul3A_290 : vector<512x256xf32>
    %dot_general3A_292 = arith.constant dense<0.000000e+00> : vector<512x1xf32>
    %dot_general3A_293 = tpu.matmul %mul3A_291, %get3A_102, %dot_general3A_292 {dimension_numbers = #tpu.dot_dimension_numbers<[1], [1], [0], [0], [0, 0, 1, 0], [], []>, transpose_lhs_hint = false} : vector<512x256xf32>, vector<1x256xf32>, vector<512x1xf32> -> vector<512x1xf32>
    %slice3A_294 = vector.extract_strided_slice %mul3A_85 {offsets = [4, 0], sizes = [1, 256], strides = [1, 1]} : vector<16x256xf32> to vector<1x256xf32>
    %mul3A_295 = vector.broadcast %slice3A_294 : vector<1x256xf32> to vector<512x256xf32>
    %mul3A_296 = arith.mulf %dot_general3A_12, %mul3A_295 : vector<512x256xf32>
    %dot_general3A_297 = arith.constant dense<0.000000e+00> : vector<512x256xf32>
    %dot_general3A_298 = tpu.matmul %mul3A_296, %slice3A_88, %dot_general3A_297 {dimension_numbers = #tpu.dot_dimension_numbers<[1], [0], [0], [1], [0, 0, 1, 1], [], []>, transpose_lhs_hint = false} : vector<512x256xf32>, vector<256x256xf32>, vector<512x256xf32> -> vector<512x256xf32>
    %dot_general3A_299 = arith.constant dense<0.000000e+00> : vector<512x256xf32>
    %dot_general3A_300 = tpu.matmul %mul3A_296, %slice3A_91, %dot_general3A_299 {dimension_numbers = #tpu.dot_dimension_numbers<[1], [0], [0], [1], [0, 0, 1, 1], [], []>, transpose_lhs_hint = false} : vector<512x256xf32>, vector<256x256xf32>, vector<512x256xf32> -> vector<512x256xf32>
    %slice3A_301 = vector.extract_strided_slice %rsqrt3A {offsets = [0, 4], sizes = [512, 1], strides = [1, 1]} : vector<512x16xf32> to vector<512x1xf32>
    %slice3A_302 = vector.extract_strided_slice %mul3A_68 {offsets = [0, 4], sizes = [512, 1], strides = [1, 1]} : vector<512x16xf32> to vector<512x1xf32>
    %slice3A_303 = vector.extract_strided_slice %dot_general3A_97 {offsets = [4, 0], sizes = [1, 256], strides = [1, 1]} : vector<16x256xf32> to vector<1x256xf32>
    %add3A_304 = vector.broadcast %slice3A_303 : vector<1x256xf32> to vector<512x256xf32>
    %add3A_305 = arith.addf %dot_general3A_93, %add3A_304 : vector<512x256xf32>
    %add3A_306 = arith.addf %add3A_305, %dot_general3A_298 : vector<512x256xf32>
    %mul3A_307 = vector.broadcast %slice3A_302 : vector<512x1xf32> to vector<512x256xf32>
    %mul3A_308 = vector.broadcast %dot_general3A_33 : vector<1x256xf32> to vector<512x256xf32>
    %mul3A_309 = arith.mulf %mul3A_307, %mul3A_308 : vector<512x256xf32>
    %sub3A_310 = arith.subf %add3A_306, %mul3A_309 : vector<512x256xf32>
    %mul3A_311 = vector.broadcast %slice3A_301 : vector<512x1xf32> to vector<512x256xf32>
    %mul3A_312 = arith.mulf %mul3A_311, %sub3A_310 : vector<512x256xf32>
    %add3A_313 = vector.broadcast %add3A : vector<1x256xf32> to vector<512x256xf32>
    %add3A_314 = arith.addf %mul3A_312, %add3A_313 : vector<512x256xf32>
    %slice3A_315 = vector.extract_strided_slice %dot_general3A_99 {offsets = [4, 0], sizes = [1, 256], strides = [1, 1]} : vector<16x256xf32> to vector<1x256xf32>
    %add3A_316 = vector.broadcast %slice3A_315 : vector<1x256xf32> to vector<512x256xf32>
    %add3A_317 = arith.addf %dot_general3A_95, %add3A_316 : vector<512x256xf32>
    %add3A_318 = arith.addf %add3A_317, %dot_general3A_300 : vector<512x256xf32>
    %mul3A_319 = vector.broadcast %slice3A_302 : vector<512x1xf32> to vector<512x256xf32>
    %mul3A_320 = vector.broadcast %dot_general3A_35 : vector<1x256xf32> to vector<512x256xf32>
    %mul3A_321 = arith.mulf %mul3A_319, %mul3A_320 : vector<512x256xf32>
    %sub3A_322 = arith.subf %add3A_318, %mul3A_321 : vector<512x256xf32>
    %mul3A_323 = vector.broadcast %slice3A_301 : vector<512x1xf32> to vector<512x256xf32>
    %mul3A_324 = arith.mulf %mul3A_323, %sub3A_322 : vector<512x256xf32>
    %add3A_325 = vector.broadcast %add3A_46 : vector<1x256xf32> to vector<512x256xf32>
    %add3A_326 = arith.addf %mul3A_324, %add3A_325 : vector<512x256xf32>
    %mul3A_327 = arith.constant 5.000000e-01 : f32
    %mul3A_328 = vector.broadcast %mul3A_327 : f32 to vector<512x256xf32>
    %mul3A_329 = arith.mulf %mul3A_328, %add3A_326 : vector<512x256xf32>
    %mul3A_330 = arith.constant 0.707106769 : f32
    %mul3A_331 = vector.broadcast %mul3A_330 : f32 to vector<512x256xf32>
    %mul3A_332 = arith.mulf %add3A_326, %mul3A_331 : vector<512x256xf32>
    %erf3A_333 = math.erf %mul3A_332 : vector<512x256xf32>
    %add3A_334 = arith.constant 1.000000e+00 : f32
    %add3A_335 = vector.broadcast %add3A_334 : f32 to vector<512x256xf32>
    %add3A_336 = arith.addf %add3A_335, %erf3A_333 : vector<512x256xf32>
    %mul3A_337 = arith.mulf %mul3A_329, %add3A_336 : vector<512x256xf32>
    %mul3A_338 = arith.mulf %add3A_314, %mul3A_337 : vector<512x256xf32>
    %dot_general3A_339 = arith.constant dense<0.000000e+00> : vector<512x1xf32>
    %dot_general3A_340 = tpu.matmul %mul3A_338, %get3A_102, %dot_general3A_339 {dimension_numbers = #tpu.dot_dimension_numbers<[1], [1], [0], [0], [0, 0, 1, 0], [], []>, transpose_lhs_hint = false} : vector<512x256xf32>, vector<1x256xf32>, vector<512x1xf32> -> vector<512x1xf32>
    %slice3A_341 = vector.extract_strided_slice %mul3A_85 {offsets = [5, 0], sizes = [1, 256], strides = [1, 1]} : vector<16x256xf32> to vector<1x256xf32>
    %mul3A_342 = vector.broadcast %slice3A_341 : vector<1x256xf32> to vector<512x256xf32>
    %mul3A_343 = arith.mulf %dot_general3A_12, %mul3A_342 : vector<512x256xf32>
    %dot_general3A_344 = arith.constant dense<0.000000e+00> : vector<512x256xf32>
    %dot_general3A_345 = tpu.matmul %mul3A_343, %slice3A_88, %dot_general3A_344 {dimension_numbers = #tpu.dot_dimension_numbers<[1], [0], [0], [1], [0, 0, 1, 1], [], []>, transpose_lhs_hint = false} : vector<512x256xf32>, vector<256x256xf32>, vector<512x256xf32> -> vector<512x256xf32>
    %dot_general3A_346 = arith.constant dense<0.000000e+00> : vector<512x256xf32>
    %dot_general3A_347 = tpu.matmul %mul3A_343, %slice3A_91, %dot_general3A_346 {dimension_numbers = #tpu.dot_dimension_numbers<[1], [0], [0], [1], [0, 0, 1, 1], [], []>, transpose_lhs_hint = false} : vector<512x256xf32>, vector<256x256xf32>, vector<512x256xf32> -> vector<512x256xf32>
    %slice3A_348 = vector.extract_strided_slice %rsqrt3A {offsets = [0, 5], sizes = [512, 1], strides = [1, 1]} : vector<512x16xf32> to vector<512x1xf32>
    %slice3A_349 = vector.extract_strided_slice %mul3A_68 {offsets = [0, 5], sizes = [512, 1], strides = [1, 1]} : vector<512x16xf32> to vector<512x1xf32>
    %slice3A_350 = vector.extract_strided_slice %dot_general3A_97 {offsets = [5, 0], sizes = [1, 256], strides = [1, 1]} : vector<16x256xf32> to vector<1x256xf32>
    %add3A_351 = vector.broadcast %slice3A_350 : vector<1x256xf32> to vector<512x256xf32>
    %add3A_352 = arith.addf %dot_general3A_93, %add3A_351 : vector<512x256xf32>
    %add3A_353 = arith.addf %add3A_352, %dot_general3A_345 : vector<512x256xf32>
    %mul3A_354 = vector.broadcast %slice3A_349 : vector<512x1xf32> to vector<512x256xf32>
    %mul3A_355 = vector.broadcast %dot_general3A_33 : vector<1x256xf32> to vector<512x256xf32>
    %mul3A_356 = arith.mulf %mul3A_354, %mul3A_355 : vector<512x256xf32>
    %sub3A_357 = arith.subf %add3A_353, %mul3A_356 : vector<512x256xf32>
    %mul3A_358 = vector.broadcast %slice3A_348 : vector<512x1xf32> to vector<512x256xf32>
    %mul3A_359 = arith.mulf %mul3A_358, %sub3A_357 : vector<512x256xf32>
    %add3A_360 = vector.broadcast %add3A : vector<1x256xf32> to vector<512x256xf32>
    %add3A_361 = arith.addf %mul3A_359, %add3A_360 : vector<512x256xf32>
    %slice3A_362 = vector.extract_strided_slice %dot_general3A_99 {offsets = [5, 0], sizes = [1, 256], strides = [1, 1]} : vector<16x256xf32> to vector<1x256xf32>
    %add3A_363 = vector.broadcast %slice3A_362 : vector<1x256xf32> to vector<512x256xf32>
    %add3A_364 = arith.addf %dot_general3A_95, %add3A_363 : vector<512x256xf32>
    %add3A_365 = arith.addf %add3A_364, %dot_general3A_347 : vector<512x256xf32>
    %mul3A_366 = vector.broadcast %slice3A_349 : vector<512x1xf32> to vector<512x256xf32>
    %mul3A_367 = vector.broadcast %dot_general3A_35 : vector<1x256xf32> to vector<512x256xf32>
    %mul3A_368 = arith.mulf %mul3A_366, %mul3A_367 : vector<512x256xf32>
    %sub3A_369 = arith.subf %add3A_365, %mul3A_368 : vector<512x256xf32>
    %mul3A_370 = vector.broadcast %slice3A_348 : vector<512x1xf32> to vector<512x256xf32>
    %mul3A_371 = arith.mulf %mul3A_370, %sub3A_369 : vector<512x256xf32>
    %add3A_372 = vector.broadcast %add3A_46 : vector<1x256xf32> to vector<512x256xf32>
    %add3A_373 = arith.addf %mul3A_371, %add3A_372 : vector<512x256xf32>
    %mul3A_374 = arith.constant 5.000000e-01 : f32
    %mul3A_375 = vector.broadcast %mul3A_374 : f32 to vector<512x256xf32>
    %mul3A_376 = arith.mulf %mul3A_375, %add3A_373 : vector<512x256xf32>
    %mul3A_377 = arith.constant 0.707106769 : f32
    %mul3A_378 = vector.broadcast %mul3A_377 : f32 to vector<512x256xf32>
    %mul3A_379 = arith.mulf %add3A_373, %mul3A_378 : vector<512x256xf32>
    %erf3A_380 = math.erf %mul3A_379 : vector<512x256xf32>
    %add3A_381 = arith.constant 1.000000e+00 : f32
    %add3A_382 = vector.broadcast %add3A_381 : f32 to vector<512x256xf32>
    %add3A_383 = arith.addf %add3A_382, %erf3A_380 : vector<512x256xf32>
    %mul3A_384 = arith.mulf %mul3A_376, %add3A_383 : vector<512x256xf32>
    %mul3A_385 = arith.mulf %add3A_361, %mul3A_384 : vector<512x256xf32>
    %dot_general3A_386 = arith.constant dense<0.000000e+00> : vector<512x1xf32>
    %dot_general3A_387 = tpu.matmul %mul3A_385, %get3A_102, %dot_general3A_386 {dimension_numbers = #tpu.dot_dimension_numbers<[1], [1], [0], [0], [0, 0, 1, 0], [], []>, transpose_lhs_hint = false} : vector<512x256xf32>, vector<1x256xf32>, vector<512x1xf32> -> vector<512x1xf32>
    %slice3A_388 = vector.extract_strided_slice %mul3A_85 {offsets = [6, 0], sizes = [1, 256], strides = [1, 1]} : vector<16x256xf32> to vector<1x256xf32>
    %mul3A_389 = vector.broadcast %slice3A_388 : vector<1x256xf32> to vector<512x256xf32>
    %mul3A_390 = arith.mulf %dot_general3A_12, %mul3A_389 : vector<512x256xf32>
    %dot_general3A_391 = arith.constant dense<0.000000e+00> : vector<512x256xf32>
    %dot_general3A_392 = tpu.matmul %mul3A_390, %slice3A_88, %dot_general3A_391 {dimension_numbers = #tpu.dot_dimension_numbers<[1], [0], [0], [1], [0, 0, 1, 1], [], []>, transpose_lhs_hint = false} : vector<512x256xf32>, vector<256x256xf32>, vector<512x256xf32> -> vector<512x256xf32>
    %dot_general3A_393 = arith.constant dense<0.000000e+00> : vector<512x256xf32>
    %dot_general3A_394 = tpu.matmul %mul3A_390, %slice3A_91, %dot_general3A_393 {dimension_numbers = #tpu.dot_dimension_numbers<[1], [0], [0], [1], [0, 0, 1, 1], [], []>, transpose_lhs_hint = false} : vector<512x256xf32>, vector<256x256xf32>, vector<512x256xf32> -> vector<512x256xf32>
    %slice3A_395 = vector.extract_strided_slice %rsqrt3A {offsets = [0, 6], sizes = [512, 1], strides = [1, 1]} : vector<512x16xf32> to vector<512x1xf32>
    %slice3A_396 = vector.extract_strided_slice %mul3A_68 {offsets = [0, 6], sizes = [512, 1], strides = [1, 1]} : vector<512x16xf32> to vector<512x1xf32>
    %slice3A_397 = vector.extract_strided_slice %dot_general3A_97 {offsets = [6, 0], sizes = [1, 256], strides = [1, 1]} : vector<16x256xf32> to vector<1x256xf32>
    %add3A_398 = vector.broadcast %slice3A_397 : vector<1x256xf32> to vector<512x256xf32>
    %add3A_399 = arith.addf %dot_general3A_93, %add3A_398 : vector<512x256xf32>
    %add3A_400 = arith.addf %add3A_399, %dot_general3A_392 : vector<512x256xf32>
    %mul3A_401 = vector.broadcast %slice3A_396 : vector<512x1xf32> to vector<512x256xf32>
    %mul3A_402 = vector.broadcast %dot_general3A_33 : vector<1x256xf32> to vector<512x256xf32>
    %mul3A_403 = arith.mulf %mul3A_401, %mul3A_402 : vector<512x256xf32>
    %sub3A_404 = arith.subf %add3A_400, %mul3A_403 : vector<512x256xf32>
    %mul3A_405 = vector.broadcast %slice3A_395 : vector<512x1xf32> to vector<512x256xf32>
    %mul3A_406 = arith.mulf %mul3A_405, %sub3A_404 : vector<512x256xf32>
    %add3A_407 = vector.broadcast %add3A : vector<1x256xf32> to vector<512x256xf32>
    %add3A_408 = arith.addf %mul3A_406, %add3A_407 : vector<512x256xf32>
    %slice3A_409 = vector.extract_strided_slice %dot_general3A_99 {offsets = [6, 0], sizes = [1, 256], strides = [1, 1]} : vector<16x256xf32> to vector<1x256xf32>
    %add3A_410 = vector.broadcast %slice3A_409 : vector<1x256xf32> to vector<512x256xf32>
    %add3A_411 = arith.addf %dot_general3A_95, %add3A_410 : vector<512x256xf32>
    %add3A_412 = arith.addf %add3A_411, %dot_general3A_394 : vector<512x256xf32>
    %mul3A_413 = vector.broadcast %slice3A_396 : vector<512x1xf32> to vector<512x256xf32>
    %mul3A_414 = vector.broadcast %dot_general3A_35 : vector<1x256xf32> to vector<512x256xf32>
    %mul3A_415 = arith.mulf %mul3A_413, %mul3A_414 : vector<512x256xf32>
    %sub3A_416 = arith.subf %add3A_412, %mul3A_415 : vector<512x256xf32>
    %mul3A_417 = vector.broadcast %slice3A_395 : vector<512x1xf32> to vector<512x256xf32>
    %mul3A_418 = arith.mulf %mul3A_417, %sub3A_416 : vector<512x256xf32>
    %add3A_419 = vector.broadcast %add3A_46 : vector<1x256xf32> to vector<512x256xf32>
    %add3A_420 = arith.addf %mul3A_418, %add3A_419 : vector<512x256xf32>
    %mul3A_421 = arith.constant 5.000000e-01 : f32
    %mul3A_422 = vector.broadcast %mul3A_421 : f32 to vector<512x256xf32>
    %mul3A_423 = arith.mulf %mul3A_422, %add3A_420 : vector<512x256xf32>
    %mul3A_424 = arith.constant 0.707106769 : f32
    %mul3A_425 = vector.broadcast %mul3A_424 : f32 to vector<512x256xf32>
    %mul3A_426 = arith.mulf %add3A_420, %mul3A_425 : vector<512x256xf32>
    %erf3A_427 = math.erf %mul3A_426 : vector<512x256xf32>
    %add3A_428 = arith.constant 1.000000e+00 : f32
    %add3A_429 = vector.broadcast %add3A_428 : f32 to vector<512x256xf32>
    %add3A_430 = arith.addf %add3A_429, %erf3A_427 : vector<512x256xf32>
    %mul3A_431 = arith.mulf %mul3A_423, %add3A_430 : vector<512x256xf32>
    %mul3A_432 = arith.mulf %add3A_408, %mul3A_431 : vector<512x256xf32>
    %dot_general3A_433 = arith.constant dense<0.000000e+00> : vector<512x1xf32>
    %dot_general3A_434 = tpu.matmul %mul3A_432, %get3A_102, %dot_general3A_433 {dimension_numbers = #tpu.dot_dimension_numbers<[1], [1], [0], [0], [0, 0, 1, 0], [], []>, transpose_lhs_hint = false} : vector<512x256xf32>, vector<1x256xf32>, vector<512x1xf32> -> vector<512x1xf32>
    %slice3A_435 = vector.extract_strided_slice %mul3A_85 {offsets = [7, 0], sizes = [1, 256], strides = [1, 1]} : vector<16x256xf32> to vector<1x256xf32>
    %mul3A_436 = vector.broadcast %slice3A_435 : vector<1x256xf32> to vector<512x256xf32>
    %mul3A_437 = arith.mulf %dot_general3A_12, %mul3A_436 : vector<512x256xf32>
    %dot_general3A_438 = arith.constant dense<0.000000e+00> : vector<512x256xf32>
    %dot_general3A_439 = tpu.matmul %mul3A_437, %slice3A_88, %dot_general3A_438 {dimension_numbers = #tpu.dot_dimension_numbers<[1], [0], [0], [1], [0, 0, 1, 1], [], []>, transpose_lhs_hint = false} : vector<512x256xf32>, vector<256x256xf32>, vector<512x256xf32> -> vector<512x256xf32>
    %dot_general3A_440 = arith.constant dense<0.000000e+00> : vector<512x256xf32>
    %dot_general3A_441 = tpu.matmul %mul3A_437, %slice3A_91, %dot_general3A_440 {dimension_numbers = #tpu.dot_dimension_numbers<[1], [0], [0], [1], [0, 0, 1, 1], [], []>, transpose_lhs_hint = false} : vector<512x256xf32>, vector<256x256xf32>, vector<512x256xf32> -> vector<512x256xf32>
    %slice3A_442 = vector.extract_strided_slice %rsqrt3A {offsets = [0, 7], sizes = [512, 1], strides = [1, 1]} : vector<512x16xf32> to vector<512x1xf32>
    %slice3A_443 = vector.extract_strided_slice %mul3A_68 {offsets = [0, 7], sizes = [512, 1], strides = [1, 1]} : vector<512x16xf32> to vector<512x1xf32>
    %slice3A_444 = vector.extract_strided_slice %dot_general3A_97 {offsets = [7, 0], sizes = [1, 256], strides = [1, 1]} : vector<16x256xf32> to vector<1x256xf32>
    %add3A_445 = vector.broadcast %slice3A_444 : vector<1x256xf32> to vector<512x256xf32>
    %add3A_446 = arith.addf %dot_general3A_93, %add3A_445 : vector<512x256xf32>
    %add3A_447 = arith.addf %add3A_446, %dot_general3A_439 : vector<512x256xf32>
    %mul3A_448 = vector.broadcast %slice3A_443 : vector<512x1xf32> to vector<512x256xf32>
    %mul3A_449 = vector.broadcast %dot_general3A_33 : vector<1x256xf32> to vector<512x256xf32>
    %mul3A_450 = arith.mulf %mul3A_448, %mul3A_449 : vector<512x256xf32>
    %sub3A_451 = arith.subf %add3A_447, %mul3A_450 : vector<512x256xf32>
    %mul3A_452 = vector.broadcast %slice3A_442 : vector<512x1xf32> to vector<512x256xf32>
    %mul3A_453 = arith.mulf %mul3A_452, %sub3A_451 : vector<512x256xf32>
    %add3A_454 = vector.broadcast %add3A : vector<1x256xf32> to vector<512x256xf32>
    %add3A_455 = arith.addf %mul3A_453, %add3A_454 : vector<512x256xf32>
    %slice3A_456 = vector.extract_strided_slice %dot_general3A_99 {offsets = [7, 0], sizes = [1, 256], strides = [1, 1]} : vector<16x256xf32> to vector<1x256xf32>
    %add3A_457 = vector.broadcast %slice3A_456 : vector<1x256xf32> to vector<512x256xf32>
    %add3A_458 = arith.addf %dot_general3A_95, %add3A_457 : vector<512x256xf32>
    %add3A_459 = arith.addf %add3A_458, %dot_general3A_441 : vector<512x256xf32>
    %mul3A_460 = vector.broadcast %slice3A_443 : vector<512x1xf32> to vector<512x256xf32>
    %mul3A_461 = vector.broadcast %dot_general3A_35 : vector<1x256xf32> to vector<512x256xf32>
    %mul3A_462 = arith.mulf %mul3A_460, %mul3A_461 : vector<512x256xf32>
    %sub3A_463 = arith.subf %add3A_459, %mul3A_462 : vector<512x256xf32>
    %mul3A_464 = vector.broadcast %slice3A_442 : vector<512x1xf32> to vector<512x256xf32>
    %mul3A_465 = arith.mulf %mul3A_464, %sub3A_463 : vector<512x256xf32>
    %add3A_466 = vector.broadcast %add3A_46 : vector<1x256xf32> to vector<512x256xf32>
    %add3A_467 = arith.addf %mul3A_465, %add3A_466 : vector<512x256xf32>
    %mul3A_468 = arith.constant 5.000000e-01 : f32
    %mul3A_469 = vector.broadcast %mul3A_468 : f32 to vector<512x256xf32>
    %mul3A_470 = arith.mulf %mul3A_469, %add3A_467 : vector<512x256xf32>
    %mul3A_471 = arith.constant 0.707106769 : f32
    %mul3A_472 = vector.broadcast %mul3A_471 : f32 to vector<512x256xf32>
    %mul3A_473 = arith.mulf %add3A_467, %mul3A_472 : vector<512x256xf32>
    %erf3A_474 = math.erf %mul3A_473 : vector<512x256xf32>
    %add3A_475 = arith.constant 1.000000e+00 : f32
    %add3A_476 = vector.broadcast %add3A_475 : f32 to vector<512x256xf32>
    %add3A_477 = arith.addf %add3A_476, %erf3A_474 : vector<512x256xf32>
    %mul3A_478 = arith.mulf %mul3A_470, %add3A_477 : vector<512x256xf32>
    %mul3A_479 = arith.mulf %add3A_455, %mul3A_478 : vector<512x256xf32>
    %dot_general3A_480 = arith.constant dense<0.000000e+00> : vector<512x1xf32>
    %dot_general3A_481 = tpu.matmul %mul3A_479, %get3A_102, %dot_general3A_480 {dimension_numbers = #tpu.dot_dimension_numbers<[1], [1], [0], [0], [0, 0, 1, 0], [], []>, transpose_lhs_hint = false} : vector<512x256xf32>, vector<1x256xf32>, vector<512x1xf32> -> vector<512x1xf32>
    %slice3A_482 = vector.extract_strided_slice %mul3A_85 {offsets = [8, 0], sizes = [1, 256], strides = [1, 1]} : vector<16x256xf32> to vector<1x256xf32>
    %mul3A_483 = vector.broadcast %slice3A_482 : vector<1x256xf32> to vector<512x256xf32>
    %mul3A_484 = arith.mulf %dot_general3A_12, %mul3A_483 : vector<512x256xf32>
    %dot_general3A_485 = arith.constant dense<0.000000e+00> : vector<512x256xf32>
    %dot_general3A_486 = tpu.matmul %mul3A_484, %slice3A_88, %dot_general3A_485 {dimension_numbers = #tpu.dot_dimension_numbers<[1], [0], [0], [1], [0, 0, 1, 1], [], []>, transpose_lhs_hint = false} : vector<512x256xf32>, vector<256x256xf32>, vector<512x256xf32> -> vector<512x256xf32>
    %dot_general3A_487 = arith.constant dense<0.000000e+00> : vector<512x256xf32>
    %dot_general3A_488 = tpu.matmul %mul3A_484, %slice3A_91, %dot_general3A_487 {dimension_numbers = #tpu.dot_dimension_numbers<[1], [0], [0], [1], [0, 0, 1, 1], [], []>, transpose_lhs_hint = false} : vector<512x256xf32>, vector<256x256xf32>, vector<512x256xf32> -> vector<512x256xf32>
    %slice3A_489 = vector.extract_strided_slice %rsqrt3A {offsets = [0, 8], sizes = [512, 1], strides = [1, 1]} : vector<512x16xf32> to vector<512x1xf32>
    %slice3A_490 = vector.extract_strided_slice %mul3A_68 {offsets = [0, 8], sizes = [512, 1], strides = [1, 1]} : vector<512x16xf32> to vector<512x1xf32>
    %slice3A_491 = vector.extract_strided_slice %dot_general3A_97 {offsets = [8, 0], sizes = [1, 256], strides = [1, 1]} : vector<16x256xf32> to vector<1x256xf32>
    %add3A_492 = vector.broadcast %slice3A_491 : vector<1x256xf32> to vector<512x256xf32>
    %add3A_493 = arith.addf %dot_general3A_93, %add3A_492 : vector<512x256xf32>
    %add3A_494 = arith.addf %add3A_493, %dot_general3A_486 : vector<512x256xf32>
    %mul3A_495 = vector.broadcast %slice3A_490 : vector<512x1xf32> to vector<512x256xf32>
    %mul3A_496 = vector.broadcast %dot_general3A_33 : vector<1x256xf32> to vector<512x256xf32>
    %mul3A_497 = arith.mulf %mul3A_495, %mul3A_496 : vector<512x256xf32>
    %sub3A_498 = arith.subf %add3A_494, %mul3A_497 : vector<512x256xf32>
    %mul3A_499 = vector.broadcast %slice3A_489 : vector<512x1xf32> to vector<512x256xf32>
    %mul3A_500 = arith.mulf %mul3A_499, %sub3A_498 : vector<512x256xf32>
    %add3A_501 = vector.broadcast %add3A : vector<1x256xf32> to vector<512x256xf32>
    %add3A_502 = arith.addf %mul3A_500, %add3A_501 : vector<512x256xf32>
    %slice3A_503 = vector.extract_strided_slice %dot_general3A_99 {offsets = [8, 0], sizes = [1, 256], strides = [1, 1]} : vector<16x256xf32> to vector<1x256xf32>
    %add3A_504 = vector.broadcast %slice3A_503 : vector<1x256xf32> to vector<512x256xf32>
    %add3A_505 = arith.addf %dot_general3A_95, %add3A_504 : vector<512x256xf32>
    %add3A_506 = arith.addf %add3A_505, %dot_general3A_488 : vector<512x256xf32>
    %mul3A_507 = vector.broadcast %slice3A_490 : vector<512x1xf32> to vector<512x256xf32>
    %mul3A_508 = vector.broadcast %dot_general3A_35 : vector<1x256xf32> to vector<512x256xf32>
    %mul3A_509 = arith.mulf %mul3A_507, %mul3A_508 : vector<512x256xf32>
    %sub3A_510 = arith.subf %add3A_506, %mul3A_509 : vector<512x256xf32>
    %mul3A_511 = vector.broadcast %slice3A_489 : vector<512x1xf32> to vector<512x256xf32>
    %mul3A_512 = arith.mulf %mul3A_511, %sub3A_510 : vector<512x256xf32>
    %add3A_513 = vector.broadcast %add3A_46 : vector<1x256xf32> to vector<512x256xf32>
    %add3A_514 = arith.addf %mul3A_512, %add3A_513 : vector<512x256xf32>
    %mul3A_515 = arith.constant 5.000000e-01 : f32
    %mul3A_516 = vector.broadcast %mul3A_515 : f32 to vector<512x256xf32>
    %mul3A_517 = arith.mulf %mul3A_516, %add3A_514 : vector<512x256xf32>
    %mul3A_518 = arith.constant 0.707106769 : f32
    %mul3A_519 = vector.broadcast %mul3A_518 : f32 to vector<512x256xf32>
    %mul3A_520 = arith.mulf %add3A_514, %mul3A_519 : vector<512x256xf32>
    %erf3A_521 = math.erf %mul3A_520 : vector<512x256xf32>
    %add3A_522 = arith.constant 1.000000e+00 : f32
    %add3A_523 = vector.broadcast %add3A_522 : f32 to vector<512x256xf32>
    %add3A_524 = arith.addf %add3A_523, %erf3A_521 : vector<512x256xf32>
    %mul3A_525 = arith.mulf %mul3A_517, %add3A_524 : vector<512x256xf32>
    %mul3A_526 = arith.mulf %add3A_502, %mul3A_525 : vector<512x256xf32>
    %dot_general3A_527 = arith.constant dense<0.000000e+00> : vector<512x1xf32>
    %dot_general3A_528 = tpu.matmul %mul3A_526, %get3A_102, %dot_general3A_527 {dimension_numbers = #tpu.dot_dimension_numbers<[1], [1], [0], [0], [0, 0, 1, 0], [], []>, transpose_lhs_hint = false} : vector<512x256xf32>, vector<1x256xf32>, vector<512x1xf32> -> vector<512x1xf32>
    %slice3A_529 = vector.extract_strided_slice %mul3A_85 {offsets = [9, 0], sizes = [1, 256], strides = [1, 1]} : vector<16x256xf32> to vector<1x256xf32>
    %mul3A_530 = vector.broadcast %slice3A_529 : vector<1x256xf32> to vector<512x256xf32>
    %mul3A_531 = arith.mulf %dot_general3A_12, %mul3A_530 : vector<512x256xf32>
    %dot_general3A_532 = arith.constant dense<0.000000e+00> : vector<512x256xf32>
    %dot_general3A_533 = tpu.matmul %mul3A_531, %slice3A_88, %dot_general3A_532 {dimension_numbers = #tpu.dot_dimension_numbers<[1], [0], [0], [1], [0, 0, 1, 1], [], []>, transpose_lhs_hint = false} : vector<512x256xf32>, vector<256x256xf32>, vector<512x256xf32> -> vector<512x256xf32>
    %dot_general3A_534 = arith.constant dense<0.000000e+00> : vector<512x256xf32>
    %dot_general3A_535 = tpu.matmul %mul3A_531, %slice3A_91, %dot_general3A_534 {dimension_numbers = #tpu.dot_dimension_numbers<[1], [0], [0], [1], [0, 0, 1, 1], [], []>, transpose_lhs_hint = false} : vector<512x256xf32>, vector<256x256xf32>, vector<512x256xf32> -> vector<512x256xf32>
    %slice3A_536 = vector.extract_strided_slice %rsqrt3A {offsets = [0, 9], sizes = [512, 1], strides = [1, 1]} : vector<512x16xf32> to vector<512x1xf32>
    %slice3A_537 = vector.extract_strided_slice %mul3A_68 {offsets = [0, 9], sizes = [512, 1], strides = [1, 1]} : vector<512x16xf32> to vector<512x1xf32>
    %slice3A_538 = vector.extract_strided_slice %dot_general3A_97 {offsets = [9, 0], sizes = [1, 256], strides = [1, 1]} : vector<16x256xf32> to vector<1x256xf32>
    %add3A_539 = vector.broadcast %slice3A_538 : vector<1x256xf32> to vector<512x256xf32>
    %add3A_540 = arith.addf %dot_general3A_93, %add3A_539 : vector<512x256xf32>
    %add3A_541 = arith.addf %add3A_540, %dot_general3A_533 : vector<512x256xf32>
    %mul3A_542 = vector.broadcast %slice3A_537 : vector<512x1xf32> to vector<512x256xf32>
    %mul3A_543 = vector.broadcast %dot_general3A_33 : vector<1x256xf32> to vector<512x256xf32>
    %mul3A_544 = arith.mulf %mul3A_542, %mul3A_543 : vector<512x256xf32>
    %sub3A_545 = arith.subf %add3A_541, %mul3A_544 : vector<512x256xf32>
    %mul3A_546 = vector.broadcast %slice3A_536 : vector<512x1xf32> to vector<512x256xf32>
    %mul3A_547 = arith.mulf %mul3A_546, %sub3A_545 : vector<512x256xf32>
    %add3A_548 = vector.broadcast %add3A : vector<1x256xf32> to vector<512x256xf32>
    %add3A_549 = arith.addf %mul3A_547, %add3A_548 : vector<512x256xf32>
    %slice3A_550 = vector.extract_strided_slice %dot_general3A_99 {offsets = [9, 0], sizes = [1, 256], strides = [1, 1]} : vector<16x256xf32> to vector<1x256xf32>
    %add3A_551 = vector.broadcast %slice3A_550 : vector<1x256xf32> to vector<512x256xf32>
    %add3A_552 = arith.addf %dot_general3A_95, %add3A_551 : vector<512x256xf32>
    %add3A_553 = arith.addf %add3A_552, %dot_general3A_535 : vector<512x256xf32>
    %mul3A_554 = vector.broadcast %slice3A_537 : vector<512x1xf32> to vector<512x256xf32>
    %mul3A_555 = vector.broadcast %dot_general3A_35 : vector<1x256xf32> to vector<512x256xf32>
    %mul3A_556 = arith.mulf %mul3A_554, %mul3A_555 : vector<512x256xf32>
    %sub3A_557 = arith.subf %add3A_553, %mul3A_556 : vector<512x256xf32>
    %mul3A_558 = vector.broadcast %slice3A_536 : vector<512x1xf32> to vector<512x256xf32>
    %mul3A_559 = arith.mulf %mul3A_558, %sub3A_557 : vector<512x256xf32>
    %add3A_560 = vector.broadcast %add3A_46 : vector<1x256xf32> to vector<512x256xf32>
    %add3A_561 = arith.addf %mul3A_559, %add3A_560 : vector<512x256xf32>
    %mul3A_562 = arith.constant 5.000000e-01 : f32
    %mul3A_563 = vector.broadcast %mul3A_562 : f32 to vector<512x256xf32>
    %mul3A_564 = arith.mulf %mul3A_563, %add3A_561 : vector<512x256xf32>
    %mul3A_565 = arith.constant 0.707106769 : f32
    %mul3A_566 = vector.broadcast %mul3A_565 : f32 to vector<512x256xf32>
    %mul3A_567 = arith.mulf %add3A_561, %mul3A_566 : vector<512x256xf32>
    %erf3A_568 = math.erf %mul3A_567 : vector<512x256xf32>
    %add3A_569 = arith.constant 1.000000e+00 : f32
    %add3A_570 = vector.broadcast %add3A_569 : f32 to vector<512x256xf32>
    %add3A_571 = arith.addf %add3A_570, %erf3A_568 : vector<512x256xf32>
    %mul3A_572 = arith.mulf %mul3A_564, %add3A_571 : vector<512x256xf32>
    %mul3A_573 = arith.mulf %add3A_549, %mul3A_572 : vector<512x256xf32>
    %dot_general3A_574 = arith.constant dense<0.000000e+00> : vector<512x1xf32>
    %dot_general3A_575 = tpu.matmul %mul3A_573, %get3A_102, %dot_general3A_574 {dimension_numbers = #tpu.dot_dimension_numbers<[1], [1], [0], [0], [0, 0, 1, 0], [], []>, transpose_lhs_hint = false} : vector<512x256xf32>, vector<1x256xf32>, vector<512x1xf32> -> vector<512x1xf32>
    %slice3A_576 = vector.extract_strided_slice %mul3A_85 {offsets = [10, 0], sizes = [1, 256], strides = [1, 1]} : vector<16x256xf32> to vector<1x256xf32>
    %mul3A_577 = vector.broadcast %slice3A_576 : vector<1x256xf32> to vector<512x256xf32>
    %mul3A_578 = arith.mulf %dot_general3A_12, %mul3A_577 : vector<512x256xf32>
    %dot_general3A_579 = arith.constant dense<0.000000e+00> : vector<512x256xf32>
    %dot_general3A_580 = tpu.matmul %mul3A_578, %slice3A_88, %dot_general3A_579 {dimension_numbers = #tpu.dot_dimension_numbers<[1], [0], [0], [1], [0, 0, 1, 1], [], []>, transpose_lhs_hint = false} : vector<512x256xf32>, vector<256x256xf32>, vector<512x256xf32> -> vector<512x256xf32>
    %dot_general3A_581 = arith.constant dense<0.000000e+00> : vector<512x256xf32>
    %dot_general3A_582 = tpu.matmul %mul3A_578, %slice3A_91, %dot_general3A_581 {dimension_numbers = #tpu.dot_dimension_numbers<[1], [0], [0], [1], [0, 0, 1, 1], [], []>, transpose_lhs_hint = false} : vector<512x256xf32>, vector<256x256xf32>, vector<512x256xf32> -> vector<512x256xf32>
    %slice3A_583 = vector.extract_strided_slice %rsqrt3A {offsets = [0, 10], sizes = [512, 1], strides = [1, 1]} : vector<512x16xf32> to vector<512x1xf32>
    %slice3A_584 = vector.extract_strided_slice %mul3A_68 {offsets = [0, 10], sizes = [512, 1], strides = [1, 1]} : vector<512x16xf32> to vector<512x1xf32>
    %slice3A_585 = vector.extract_strided_slice %dot_general3A_97 {offsets = [10, 0], sizes = [1, 256], strides = [1, 1]} : vector<16x256xf32> to vector<1x256xf32>
    %add3A_586 = vector.broadcast %slice3A_585 : vector<1x256xf32> to vector<512x256xf32>
    %add3A_587 = arith.addf %dot_general3A_93, %add3A_586 : vector<512x256xf32>
    %add3A_588 = arith.addf %add3A_587, %dot_general3A_580 : vector<512x256xf32>
    %mul3A_589 = vector.broadcast %slice3A_584 : vector<512x1xf32> to vector<512x256xf32>
    %mul3A_590 = vector.broadcast %dot_general3A_33 : vector<1x256xf32> to vector<512x256xf32>
    %mul3A_591 = arith.mulf %mul3A_589, %mul3A_590 : vector<512x256xf32>
    %sub3A_592 = arith.subf %add3A_588, %mul3A_591 : vector<512x256xf32>
    %mul3A_593 = vector.broadcast %slice3A_583 : vector<512x1xf32> to vector<512x256xf32>
    %mul3A_594 = arith.mulf %mul3A_593, %sub3A_592 : vector<512x256xf32>
    %add3A_595 = vector.broadcast %add3A : vector<1x256xf32> to vector<512x256xf32>
    %add3A_596 = arith.addf %mul3A_594, %add3A_595 : vector<512x256xf32>
    %slice3A_597 = vector.extract_strided_slice %dot_general3A_99 {offsets = [10, 0], sizes = [1, 256], strides = [1, 1]} : vector<16x256xf32> to vector<1x256xf32>
    %add3A_598 = vector.broadcast %slice3A_597 : vector<1x256xf32> to vector<512x256xf32>
    %add3A_599 = arith.addf %dot_general3A_95, %add3A_598 : vector<512x256xf32>
    %add3A_600 = arith.addf %add3A_599, %dot_general3A_582 : vector<512x256xf32>
    %mul3A_601 = vector.broadcast %slice3A_584 : vector<512x1xf32> to vector<512x256xf32>
    %mul3A_602 = vector.broadcast %dot_general3A_35 : vector<1x256xf32> to vector<512x256xf32>
    %mul3A_603 = arith.mulf %mul3A_601, %mul3A_602 : vector<512x256xf32>
    %sub3A_604 = arith.subf %add3A_600, %mul3A_603 : vector<512x256xf32>
    %mul3A_605 = vector.broadcast %slice3A_583 : vector<512x1xf32> to vector<512x256xf32>
    %mul3A_606 = arith.mulf %mul3A_605, %sub3A_604 : vector<512x256xf32>
    %add3A_607 = vector.broadcast %add3A_46 : vector<1x256xf32> to vector<512x256xf32>
    %add3A_608 = arith.addf %mul3A_606, %add3A_607 : vector<512x256xf32>
    %mul3A_609 = arith.constant 5.000000e-01 : f32
    %mul3A_610 = vector.broadcast %mul3A_609 : f32 to vector<512x256xf32>
    %mul3A_611 = arith.mulf %mul3A_610, %add3A_608 : vector<512x256xf32>
    %mul3A_612 = arith.constant 0.707106769 : f32
    %mul3A_613 = vector.broadcast %mul3A_612 : f32 to vector<512x256xf32>
    %mul3A_614 = arith.mulf %add3A_608, %mul3A_613 : vector<512x256xf32>
    %erf3A_615 = math.erf %mul3A_614 : vector<512x256xf32>
    %add3A_616 = arith.constant 1.000000e+00 : f32
    %add3A_617 = vector.broadcast %add3A_616 : f32 to vector<512x256xf32>
    %add3A_618 = arith.addf %add3A_617, %erf3A_615 : vector<512x256xf32>
    %mul3A_619 = arith.mulf %mul3A_611, %add3A_618 : vector<512x256xf32>
    %mul3A_620 = arith.mulf %add3A_596, %mul3A_619 : vector<512x256xf32>
    %dot_general3A_621 = arith.constant dense<0.000000e+00> : vector<512x1xf32>
    %dot_general3A_622 = tpu.matmul %mul3A_620, %get3A_102, %dot_general3A_621 {dimension_numbers = #tpu.dot_dimension_numbers<[1], [1], [0], [0], [0, 0, 1, 0], [], []>, transpose_lhs_hint = false} : vector<512x256xf32>, vector<1x256xf32>, vector<512x1xf32> -> vector<512x1xf32>
    %slice3A_623 = vector.extract_strided_slice %mul3A_85 {offsets = [11, 0], sizes = [1, 256], strides = [1, 1]} : vector<16x256xf32> to vector<1x256xf32>
    %mul3A_624 = vector.broadcast %slice3A_623 : vector<1x256xf32> to vector<512x256xf32>
    %mul3A_625 = arith.mulf %dot_general3A_12, %mul3A_624 : vector<512x256xf32>
    %dot_general3A_626 = arith.constant dense<0.000000e+00> : vector<512x256xf32>
    %dot_general3A_627 = tpu.matmul %mul3A_625, %slice3A_88, %dot_general3A_626 {dimension_numbers = #tpu.dot_dimension_numbers<[1], [0], [0], [1], [0, 0, 1, 1], [], []>, transpose_lhs_hint = false} : vector<512x256xf32>, vector<256x256xf32>, vector<512x256xf32> -> vector<512x256xf32>
    %dot_general3A_628 = arith.constant dense<0.000000e+00> : vector<512x256xf32>
    %dot_general3A_629 = tpu.matmul %mul3A_625, %slice3A_91, %dot_general3A_628 {dimension_numbers = #tpu.dot_dimension_numbers<[1], [0], [0], [1], [0, 0, 1, 1], [], []>, transpose_lhs_hint = false} : vector<512x256xf32>, vector<256x256xf32>, vector<512x256xf32> -> vector<512x256xf32>
    %slice3A_630 = vector.extract_strided_slice %rsqrt3A {offsets = [0, 11], sizes = [512, 1], strides = [1, 1]} : vector<512x16xf32> to vector<512x1xf32>
    %slice3A_631 = vector.extract_strided_slice %mul3A_68 {offsets = [0, 11], sizes = [512, 1], strides = [1, 1]} : vector<512x16xf32> to vector<512x1xf32>
    %slice3A_632 = vector.extract_strided_slice %dot_general3A_97 {offsets = [11, 0], sizes = [1, 256], strides = [1, 1]} : vector<16x256xf32> to vector<1x256xf32>
    %add3A_633 = vector.broadcast %slice3A_632 : vector<1x256xf32> to vector<512x256xf32>
    %add3A_634 = arith.addf %dot_general3A_93, %add3A_633 : vector<512x256xf32>
    %add3A_635 = arith.addf %add3A_634, %dot_general3A_627 : vector<512x256xf32>
    %mul3A_636 = vector.broadcast %slice3A_631 : vector<512x1xf32> to vector<512x256xf32>
    %mul3A_637 = vector.broadcast %dot_general3A_33 : vector<1x256xf32> to vector<512x256xf32>
    %mul3A_638 = arith.mulf %mul3A_636, %mul3A_637 : vector<512x256xf32>
    %sub3A_639 = arith.subf %add3A_635, %mul3A_638 : vector<512x256xf32>
    %mul3A_640 = vector.broadcast %slice3A_630 : vector<512x1xf32> to vector<512x256xf32>
    %mul3A_641 = arith.mulf %mul3A_640, %sub3A_639 : vector<512x256xf32>
    %add3A_642 = vector.broadcast %add3A : vector<1x256xf32> to vector<512x256xf32>
    %add3A_643 = arith.addf %mul3A_641, %add3A_642 : vector<512x256xf32>
    %slice3A_644 = vector.extract_strided_slice %dot_general3A_99 {offsets = [11, 0], sizes = [1, 256], strides = [1, 1]} : vector<16x256xf32> to vector<1x256xf32>
    %add3A_645 = vector.broadcast %slice3A_644 : vector<1x256xf32> to vector<512x256xf32>
    %add3A_646 = arith.addf %dot_general3A_95, %add3A_645 : vector<512x256xf32>
    %add3A_647 = arith.addf %add3A_646, %dot_general3A_629 : vector<512x256xf32>
    %mul3A_648 = vector.broadcast %slice3A_631 : vector<512x1xf32> to vector<512x256xf32>
    %mul3A_649 = vector.broadcast %dot_general3A_35 : vector<1x256xf32> to vector<512x256xf32>
    %mul3A_650 = arith.mulf %mul3A_648, %mul3A_649 : vector<512x256xf32>
    %sub3A_651 = arith.subf %add3A_647, %mul3A_650 : vector<512x256xf32>
    %mul3A_652 = vector.broadcast %slice3A_630 : vector<512x1xf32> to vector<512x256xf32>
    %mul3A_653 = arith.mulf %mul3A_652, %sub3A_651 : vector<512x256xf32>
    %add3A_654 = vector.broadcast %add3A_46 : vector<1x256xf32> to vector<512x256xf32>
    %add3A_655 = arith.addf %mul3A_653, %add3A_654 : vector<512x256xf32>
    %mul3A_656 = arith.constant 5.000000e-01 : f32
    %mul3A_657 = vector.broadcast %mul3A_656 : f32 to vector<512x256xf32>
    %mul3A_658 = arith.mulf %mul3A_657, %add3A_655 : vector<512x256xf32>
    %mul3A_659 = arith.constant 0.707106769 : f32
    %mul3A_660 = vector.broadcast %mul3A_659 : f32 to vector<512x256xf32>
    %mul3A_661 = arith.mulf %add3A_655, %mul3A_660 : vector<512x256xf32>
    %erf3A_662 = math.erf %mul3A_661 : vector<512x256xf32>
    %add3A_663 = arith.constant 1.000000e+00 : f32
    %add3A_664 = vector.broadcast %add3A_663 : f32 to vector<512x256xf32>
    %add3A_665 = arith.addf %add3A_664, %erf3A_662 : vector<512x256xf32>
    %mul3A_666 = arith.mulf %mul3A_658, %add3A_665 : vector<512x256xf32>
    %mul3A_667 = arith.mulf %add3A_643, %mul3A_666 : vector<512x256xf32>
    %dot_general3A_668 = arith.constant dense<0.000000e+00> : vector<512x1xf32>
    %dot_general3A_669 = tpu.matmul %mul3A_667, %get3A_102, %dot_general3A_668 {dimension_numbers = #tpu.dot_dimension_numbers<[1], [1], [0], [0], [0, 0, 1, 0], [], []>, transpose_lhs_hint = false} : vector<512x256xf32>, vector<1x256xf32>, vector<512x1xf32> -> vector<512x1xf32>
    %slice3A_670 = vector.extract_strided_slice %mul3A_85 {offsets = [12, 0], sizes = [1, 256], strides = [1, 1]} : vector<16x256xf32> to vector<1x256xf32>
    %mul3A_671 = vector.broadcast %slice3A_670 : vector<1x256xf32> to vector<512x256xf32>
    %mul3A_672 = arith.mulf %dot_general3A_12, %mul3A_671 : vector<512x256xf32>
    %dot_general3A_673 = arith.constant dense<0.000000e+00> : vector<512x256xf32>
    %dot_general3A_674 = tpu.matmul %mul3A_672, %slice3A_88, %dot_general3A_673 {dimension_numbers = #tpu.dot_dimension_numbers<[1], [0], [0], [1], [0, 0, 1, 1], [], []>, transpose_lhs_hint = false} : vector<512x256xf32>, vector<256x256xf32>, vector<512x256xf32> -> vector<512x256xf32>
    %dot_general3A_675 = arith.constant dense<0.000000e+00> : vector<512x256xf32>
    %dot_general3A_676 = tpu.matmul %mul3A_672, %slice3A_91, %dot_general3A_675 {dimension_numbers = #tpu.dot_dimension_numbers<[1], [0], [0], [1], [0, 0, 1, 1], [], []>, transpose_lhs_hint = false} : vector<512x256xf32>, vector<256x256xf32>, vector<512x256xf32> -> vector<512x256xf32>
    %slice3A_677 = vector.extract_strided_slice %rsqrt3A {offsets = [0, 12], sizes = [512, 1], strides = [1, 1]} : vector<512x16xf32> to vector<512x1xf32>
    %slice3A_678 = vector.extract_strided_slice %mul3A_68 {offsets = [0, 12], sizes = [512, 1], strides = [1, 1]} : vector<512x16xf32> to vector<512x1xf32>
    %slice3A_679 = vector.extract_strided_slice %dot_general3A_97 {offsets = [12, 0], sizes = [1, 256], strides = [1, 1]} : vector<16x256xf32> to vector<1x256xf32>
    %add3A_680 = vector.broadcast %slice3A_679 : vector<1x256xf32> to vector<512x256xf32>
    %add3A_681 = arith.addf %dot_general3A_93, %add3A_680 : vector<512x256xf32>
    %add3A_682 = arith.addf %add3A_681, %dot_general3A_674 : vector<512x256xf32>
    %mul3A_683 = vector.broadcast %slice3A_678 : vector<512x1xf32> to vector<512x256xf32>
    %mul3A_684 = vector.broadcast %dot_general3A_33 : vector<1x256xf32> to vector<512x256xf32>
    %mul3A_685 = arith.mulf %mul3A_683, %mul3A_684 : vector<512x256xf32>
    %sub3A_686 = arith.subf %add3A_682, %mul3A_685 : vector<512x256xf32>
    %mul3A_687 = vector.broadcast %slice3A_677 : vector<512x1xf32> to vector<512x256xf32>
    %mul3A_688 = arith.mulf %mul3A_687, %sub3A_686 : vector<512x256xf32>
    %add3A_689 = vector.broadcast %add3A : vector<1x256xf32> to vector<512x256xf32>
    %add3A_690 = arith.addf %mul3A_688, %add3A_689 : vector<512x256xf32>
    %slice3A_691 = vector.extract_strided_slice %dot_general3A_99 {offsets = [12, 0], sizes = [1, 256], strides = [1, 1]} : vector<16x256xf32> to vector<1x256xf32>
    %add3A_692 = vector.broadcast %slice3A_691 : vector<1x256xf32> to vector<512x256xf32>
    %add3A_693 = arith.addf %dot_general3A_95, %add3A_692 : vector<512x256xf32>
    %add3A_694 = arith.addf %add3A_693, %dot_general3A_676 : vector<512x256xf32>
    %mul3A_695 = vector.broadcast %slice3A_678 : vector<512x1xf32> to vector<512x256xf32>
    %mul3A_696 = vector.broadcast %dot_general3A_35 : vector<1x256xf32> to vector<512x256xf32>
    %mul3A_697 = arith.mulf %mul3A_695, %mul3A_696 : vector<512x256xf32>
    %sub3A_698 = arith.subf %add3A_694, %mul3A_697 : vector<512x256xf32>
    %mul3A_699 = vector.broadcast %slice3A_677 : vector<512x1xf32> to vector<512x256xf32>
    %mul3A_700 = arith.mulf %mul3A_699, %sub3A_698 : vector<512x256xf32>
    %add3A_701 = vector.broadcast %add3A_46 : vector<1x256xf32> to vector<512x256xf32>
    %add3A_702 = arith.addf %mul3A_700, %add3A_701 : vector<512x256xf32>
    %mul3A_703 = arith.constant 5.000000e-01 : f32
    %mul3A_704 = vector.broadcast %mul3A_703 : f32 to vector<512x256xf32>
    %mul3A_705 = arith.mulf %mul3A_704, %add3A_702 : vector<512x256xf32>
    %mul3A_706 = arith.constant 0.707106769 : f32
    %mul3A_707 = vector.broadcast %mul3A_706 : f32 to vector<512x256xf32>
    %mul3A_708 = arith.mulf %add3A_702, %mul3A_707 : vector<512x256xf32>
    %erf3A_709 = math.erf %mul3A_708 : vector<512x256xf32>
    %add3A_710 = arith.constant 1.000000e+00 : f32
    %add3A_711 = vector.broadcast %add3A_710 : f32 to vector<512x256xf32>
    %add3A_712 = arith.addf %add3A_711, %erf3A_709 : vector<512x256xf32>
    %mul3A_713 = arith.mulf %mul3A_705, %add3A_712 : vector<512x256xf32>
    %mul3A_714 = arith.mulf %add3A_690, %mul3A_713 : vector<512x256xf32>
    %dot_general3A_715 = arith.constant dense<0.000000e+00> : vector<512x1xf32>
    %dot_general3A_716 = tpu.matmul %mul3A_714, %get3A_102, %dot_general3A_715 {dimension_numbers = #tpu.dot_dimension_numbers<[1], [1], [0], [0], [0, 0, 1, 0], [], []>, transpose_lhs_hint = false} : vector<512x256xf32>, vector<1x256xf32>, vector<512x1xf32> -> vector<512x1xf32>
    %slice3A_717 = vector.extract_strided_slice %mul3A_85 {offsets = [13, 0], sizes = [1, 256], strides = [1, 1]} : vector<16x256xf32> to vector<1x256xf32>
    %mul3A_718 = vector.broadcast %slice3A_717 : vector<1x256xf32> to vector<512x256xf32>
    %mul3A_719 = arith.mulf %dot_general3A_12, %mul3A_718 : vector<512x256xf32>
    %dot_general3A_720 = arith.constant dense<0.000000e+00> : vector<512x256xf32>
    %dot_general3A_721 = tpu.matmul %mul3A_719, %slice3A_88, %dot_general3A_720 {dimension_numbers = #tpu.dot_dimension_numbers<[1], [0], [0], [1], [0, 0, 1, 1], [], []>, transpose_lhs_hint = false} : vector<512x256xf32>, vector<256x256xf32>, vector<512x256xf32> -> vector<512x256xf32>
    %dot_general3A_722 = arith.constant dense<0.000000e+00> : vector<512x256xf32>
    %dot_general3A_723 = tpu.matmul %mul3A_719, %slice3A_91, %dot_general3A_722 {dimension_numbers = #tpu.dot_dimension_numbers<[1], [0], [0], [1], [0, 0, 1, 1], [], []>, transpose_lhs_hint = false} : vector<512x256xf32>, vector<256x256xf32>, vector<512x256xf32> -> vector<512x256xf32>
    %slice3A_724 = vector.extract_strided_slice %rsqrt3A {offsets = [0, 13], sizes = [512, 1], strides = [1, 1]} : vector<512x16xf32> to vector<512x1xf32>
    %slice3A_725 = vector.extract_strided_slice %mul3A_68 {offsets = [0, 13], sizes = [512, 1], strides = [1, 1]} : vector<512x16xf32> to vector<512x1xf32>
    %slice3A_726 = vector.extract_strided_slice %dot_general3A_97 {offsets = [13, 0], sizes = [1, 256], strides = [1, 1]} : vector<16x256xf32> to vector<1x256xf32>
    %add3A_727 = vector.broadcast %slice3A_726 : vector<1x256xf32> to vector<512x256xf32>
    %add3A_728 = arith.addf %dot_general3A_93, %add3A_727 : vector<512x256xf32>
    %add3A_729 = arith.addf %add3A_728, %dot_general3A_721 : vector<512x256xf32>
    %mul3A_730 = vector.broadcast %slice3A_725 : vector<512x1xf32> to vector<512x256xf32>
    %mul3A_731 = vector.broadcast %dot_general3A_33 : vector<1x256xf32> to vector<512x256xf32>
    %mul3A_732 = arith.mulf %mul3A_730, %mul3A_731 : vector<512x256xf32>
    %sub3A_733 = arith.subf %add3A_729, %mul3A_732 : vector<512x256xf32>
    %mul3A_734 = vector.broadcast %slice3A_724 : vector<512x1xf32> to vector<512x256xf32>
    %mul3A_735 = arith.mulf %mul3A_734, %sub3A_733 : vector<512x256xf32>
    %add3A_736 = vector.broadcast %add3A : vector<1x256xf32> to vector<512x256xf32>
    %add3A_737 = arith.addf %mul3A_735, %add3A_736 : vector<512x256xf32>
    %slice3A_738 = vector.extract_strided_slice %dot_general3A_99 {offsets = [13, 0], sizes = [1, 256], strides = [1, 1]} : vector<16x256xf32> to vector<1x256xf32>
    %add3A_739 = vector.broadcast %slice3A_738 : vector<1x256xf32> to vector<512x256xf32>
    %add3A_740 = arith.addf %dot_general3A_95, %add3A_739 : vector<512x256xf32>
    %add3A_741 = arith.addf %add3A_740, %dot_general3A_723 : vector<512x256xf32>
    %mul3A_742 = vector.broadcast %slice3A_725 : vector<512x1xf32> to vector<512x256xf32>
    %mul3A_743 = vector.broadcast %dot_general3A_35 : vector<1x256xf32> to vector<512x256xf32>
    %mul3A_744 = arith.mulf %mul3A_742, %mul3A_743 : vector<512x256xf32>
    %sub3A_745 = arith.subf %add3A_741, %mul3A_744 : vector<512x256xf32>
    %mul3A_746 = vector.broadcast %slice3A_724 : vector<512x1xf32> to vector<512x256xf32>
    %mul3A_747 = arith.mulf %mul3A_746, %sub3A_745 : vector<512x256xf32>
    %add3A_748 = vector.broadcast %add3A_46 : vector<1x256xf32> to vector<512x256xf32>
    %add3A_749 = arith.addf %mul3A_747, %add3A_748 : vector<512x256xf32>
    %mul3A_750 = arith.constant 5.000000e-01 : f32
    %mul3A_751 = vector.broadcast %mul3A_750 : f32 to vector<512x256xf32>
    %mul3A_752 = arith.mulf %mul3A_751, %add3A_749 : vector<512x256xf32>
    %mul3A_753 = arith.constant 0.707106769 : f32
    %mul3A_754 = vector.broadcast %mul3A_753 : f32 to vector<512x256xf32>
    %mul3A_755 = arith.mulf %add3A_749, %mul3A_754 : vector<512x256xf32>
    %erf3A_756 = math.erf %mul3A_755 : vector<512x256xf32>
    %add3A_757 = arith.constant 1.000000e+00 : f32
    %add3A_758 = vector.broadcast %add3A_757 : f32 to vector<512x256xf32>
    %add3A_759 = arith.addf %add3A_758, %erf3A_756 : vector<512x256xf32>
    %mul3A_760 = arith.mulf %mul3A_752, %add3A_759 : vector<512x256xf32>
    %mul3A_761 = arith.mulf %add3A_737, %mul3A_760 : vector<512x256xf32>
    %dot_general3A_762 = arith.constant dense<0.000000e+00> : vector<512x1xf32>
    %dot_general3A_763 = tpu.matmul %mul3A_761, %get3A_102, %dot_general3A_762 {dimension_numbers = #tpu.dot_dimension_numbers<[1], [1], [0], [0], [0, 0, 1, 0], [], []>, transpose_lhs_hint = false} : vector<512x256xf32>, vector<1x256xf32>, vector<512x1xf32> -> vector<512x1xf32>
    %slice3A_764 = vector.extract_strided_slice %mul3A_85 {offsets = [14, 0], sizes = [1, 256], strides = [1, 1]} : vector<16x256xf32> to vector<1x256xf32>
    %mul3A_765 = vector.broadcast %slice3A_764 : vector<1x256xf32> to vector<512x256xf32>
    %mul3A_766 = arith.mulf %dot_general3A_12, %mul3A_765 : vector<512x256xf32>
    %dot_general3A_767 = arith.constant dense<0.000000e+00> : vector<512x256xf32>
    %dot_general3A_768 = tpu.matmul %mul3A_766, %slice3A_88, %dot_general3A_767 {dimension_numbers = #tpu.dot_dimension_numbers<[1], [0], [0], [1], [0, 0, 1, 1], [], []>, transpose_lhs_hint = false} : vector<512x256xf32>, vector<256x256xf32>, vector<512x256xf32> -> vector<512x256xf32>
    %dot_general3A_769 = arith.constant dense<0.000000e+00> : vector<512x256xf32>
    %dot_general3A_770 = tpu.matmul %mul3A_766, %slice3A_91, %dot_general3A_769 {dimension_numbers = #tpu.dot_dimension_numbers<[1], [0], [0], [1], [0, 0, 1, 1], [], []>, transpose_lhs_hint = false} : vector<512x256xf32>, vector<256x256xf32>, vector<512x256xf32> -> vector<512x256xf32>
    %slice3A_771 = vector.extract_strided_slice %rsqrt3A {offsets = [0, 14], sizes = [512, 1], strides = [1, 1]} : vector<512x16xf32> to vector<512x1xf32>
    %slice3A_772 = vector.extract_strided_slice %mul3A_68 {offsets = [0, 14], sizes = [512, 1], strides = [1, 1]} : vector<512x16xf32> to vector<512x1xf32>
    %slice3A_773 = vector.extract_strided_slice %dot_general3A_97 {offsets = [14, 0], sizes = [1, 256], strides = [1, 1]} : vector<16x256xf32> to vector<1x256xf32>
    %add3A_774 = vector.broadcast %slice3A_773 : vector<1x256xf32> to vector<512x256xf32>
    %add3A_775 = arith.addf %dot_general3A_93, %add3A_774 : vector<512x256xf32>
    %add3A_776 = arith.addf %add3A_775, %dot_general3A_768 : vector<512x256xf32>
    %mul3A_777 = vector.broadcast %slice3A_772 : vector<512x1xf32> to vector<512x256xf32>
    %mul3A_778 = vector.broadcast %dot_general3A_33 : vector<1x256xf32> to vector<512x256xf32>
    %mul3A_779 = arith.mulf %mul3A_777, %mul3A_778 : vector<512x256xf32>
    %sub3A_780 = arith.subf %add3A_776, %mul3A_779 : vector<512x256xf32>
    %mul3A_781 = vector.broadcast %slice3A_771 : vector<512x1xf32> to vector<512x256xf32>
    %mul3A_782 = arith.mulf %mul3A_781, %sub3A_780 : vector<512x256xf32>
    %add3A_783 = vector.broadcast %add3A : vector<1x256xf32> to vector<512x256xf32>
    %add3A_784 = arith.addf %mul3A_782, %add3A_783 : vector<512x256xf32>
    %slice3A_785 = vector.extract_strided_slice %dot_general3A_99 {offsets = [14, 0], sizes = [1, 256], strides = [1, 1]} : vector<16x256xf32> to vector<1x256xf32>
    %add3A_786 = vector.broadcast %slice3A_785 : vector<1x256xf32> to vector<512x256xf32>
    %add3A_787 = arith.addf %dot_general3A_95, %add3A_786 : vector<512x256xf32>
    %add3A_788 = arith.addf %add3A_787, %dot_general3A_770 : vector<512x256xf32>
    %mul3A_789 = vector.broadcast %slice3A_772 : vector<512x1xf32> to vector<512x256xf32>
    %mul3A_790 = vector.broadcast %dot_general3A_35 : vector<1x256xf32> to vector<512x256xf32>
    %mul3A_791 = arith.mulf %mul3A_789, %mul3A_790 : vector<512x256xf32>
    %sub3A_792 = arith.subf %add3A_788, %mul3A_791 : vector<512x256xf32>
    %mul3A_793 = vector.broadcast %slice3A_771 : vector<512x1xf32> to vector<512x256xf32>
    %mul3A_794 = arith.mulf %mul3A_793, %sub3A_792 : vector<512x256xf32>
    %add3A_795 = vector.broadcast %add3A_46 : vector<1x256xf32> to vector<512x256xf32>
    %add3A_796 = arith.addf %mul3A_794, %add3A_795 : vector<512x256xf32>
    %mul3A_797 = arith.constant 5.000000e-01 : f32
    %mul3A_798 = vector.broadcast %mul3A_797 : f32 to vector<512x256xf32>
    %mul3A_799 = arith.mulf %mul3A_798, %add3A_796 : vector<512x256xf32>
    %mul3A_800 = arith.constant 0.707106769 : f32
    %mul3A_801 = vector.broadcast %mul3A_800 : f32 to vector<512x256xf32>
    %mul3A_802 = arith.mulf %add3A_796, %mul3A_801 : vector<512x256xf32>
    %erf3A_803 = math.erf %mul3A_802 : vector<512x256xf32>
    %add3A_804 = arith.constant 1.000000e+00 : f32
    %add3A_805 = vector.broadcast %add3A_804 : f32 to vector<512x256xf32>
    %add3A_806 = arith.addf %add3A_805, %erf3A_803 : vector<512x256xf32>
    %mul3A_807 = arith.mulf %mul3A_799, %add3A_806 : vector<512x256xf32>
    %mul3A_808 = arith.mulf %add3A_784, %mul3A_807 : vector<512x256xf32>
    %dot_general3A_809 = arith.constant dense<0.000000e+00> : vector<512x1xf32>
    %dot_general3A_810 = tpu.matmul %mul3A_808, %get3A_102, %dot_general3A_809 {dimension_numbers = #tpu.dot_dimension_numbers<[1], [1], [0], [0], [0, 0, 1, 0], [], []>, transpose_lhs_hint = false} : vector<512x256xf32>, vector<1x256xf32>, vector<512x1xf32> -> vector<512x1xf32>
    %slice3A_811 = vector.extract_strided_slice %mul3A_85 {offsets = [15, 0], sizes = [1, 256], strides = [1, 1]} : vector<16x256xf32> to vector<1x256xf32>
    %mul3A_812 = vector.broadcast %slice3A_811 : vector<1x256xf32> to vector<512x256xf32>
    %mul3A_813 = arith.mulf %dot_general3A_12, %mul3A_812 : vector<512x256xf32>
    %dot_general3A_814 = arith.constant dense<0.000000e+00> : vector<512x256xf32>
    %dot_general3A_815 = tpu.matmul %mul3A_813, %slice3A_88, %dot_general3A_814 {dimension_numbers = #tpu.dot_dimension_numbers<[1], [0], [0], [1], [0, 0, 1, 1], [], []>, transpose_lhs_hint = false} : vector<512x256xf32>, vector<256x256xf32>, vector<512x256xf32> -> vector<512x256xf32>
    %dot_general3A_816 = arith.constant dense<0.000000e+00> : vector<512x256xf32>
    %dot_general3A_817 = tpu.matmul %mul3A_813, %slice3A_91, %dot_general3A_816 {dimension_numbers = #tpu.dot_dimension_numbers<[1], [0], [0], [1], [0, 0, 1, 1], [], []>, transpose_lhs_hint = false} : vector<512x256xf32>, vector<256x256xf32>, vector<512x256xf32> -> vector<512x256xf32>
    %slice3A_818 = vector.extract_strided_slice %rsqrt3A {offsets = [0, 15], sizes = [512, 1], strides = [1, 1]} : vector<512x16xf32> to vector<512x1xf32>
    %slice3A_819 = vector.extract_strided_slice %mul3A_68 {offsets = [0, 15], sizes = [512, 1], strides = [1, 1]} : vector<512x16xf32> to vector<512x1xf32>
    %slice3A_820 = vector.extract_strided_slice %dot_general3A_97 {offsets = [15, 0], sizes = [1, 256], strides = [1, 1]} : vector<16x256xf32> to vector<1x256xf32>
    %add3A_821 = vector.broadcast %slice3A_820 : vector<1x256xf32> to vector<512x256xf32>
    %add3A_822 = arith.addf %dot_general3A_93, %add3A_821 : vector<512x256xf32>
    %add3A_823 = arith.addf %add3A_822, %dot_general3A_815 : vector<512x256xf32>
    %mul3A_824 = vector.broadcast %slice3A_819 : vector<512x1xf32> to vector<512x256xf32>
    %mul3A_825 = vector.broadcast %dot_general3A_33 : vector<1x256xf32> to vector<512x256xf32>
    %mul3A_826 = arith.mulf %mul3A_824, %mul3A_825 : vector<512x256xf32>
    %sub3A_827 = arith.subf %add3A_823, %mul3A_826 : vector<512x256xf32>
    %mul3A_828 = vector.broadcast %slice3A_818 : vector<512x1xf32> to vector<512x256xf32>
    %mul3A_829 = arith.mulf %mul3A_828, %sub3A_827 : vector<512x256xf32>
    %add3A_830 = vector.broadcast %add3A : vector<1x256xf32> to vector<512x256xf32>
    %add3A_831 = arith.addf %mul3A_829, %add3A_830 : vector<512x256xf32>
    %slice3A_832 = vector.extract_strided_slice %dot_general3A_99 {offsets = [15, 0], sizes = [1, 256], strides = [1, 1]} : vector<16x256xf32> to vector<1x256xf32>
    %add3A_833 = vector.broadcast %slice3A_832 : vector<1x256xf32> to vector<512x256xf32>
    %add3A_834 = arith.addf %dot_general3A_95, %add3A_833 : vector<512x256xf32>
    %add3A_835 = arith.addf %add3A_834, %dot_general3A_817 : vector<512x256xf32>
    %mul3A_836 = vector.broadcast %slice3A_819 : vector<512x1xf32> to vector<512x256xf32>
    %mul3A_837 = vector.broadcast %dot_general3A_35 : vector<1x256xf32> to vector<512x256xf32>
    %mul3A_838 = arith.mulf %mul3A_836, %mul3A_837 : vector<512x256xf32>
    %sub3A_839 = arith.subf %add3A_835, %mul3A_838 : vector<512x256xf32>
    %mul3A_840 = vector.broadcast %slice3A_818 : vector<512x1xf32> to vector<512x256xf32>
    %mul3A_841 = arith.mulf %mul3A_840, %sub3A_839 : vector<512x256xf32>
    %add3A_842 = vector.broadcast %add3A_46 : vector<1x256xf32> to vector<512x256xf32>
    %add3A_843 = arith.addf %mul3A_841, %add3A_842 : vector<512x256xf32>
    %mul3A_844 = arith.constant 5.000000e-01 : f32
    %mul3A_845 = vector.broadcast %mul3A_844 : f32 to vector<512x256xf32>
    %mul3A_846 = arith.mulf %mul3A_845, %add3A_843 : vector<512x256xf32>
    %mul3A_847 = arith.constant 0.707106769 : f32
    %mul3A_848 = vector.broadcast %mul3A_847 : f32 to vector<512x256xf32>
    %mul3A_849 = arith.mulf %add3A_843, %mul3A_848 : vector<512x256xf32>
    %erf3A_850 = math.erf %mul3A_849 : vector<512x256xf32>
    %add3A_851 = arith.constant 1.000000e+00 : f32
    %add3A_852 = vector.broadcast %add3A_851 : f32 to vector<512x256xf32>
    %add3A_853 = arith.addf %add3A_852, %erf3A_850 : vector<512x256xf32>
    %mul3A_854 = arith.mulf %mul3A_846, %add3A_853 : vector<512x256xf32>
    %mul3A_855 = arith.mulf %add3A_831, %mul3A_854 : vector<512x256xf32>
    %dot_general3A_856 = arith.constant dense<0.000000e+00> : vector<512x1xf32>
    %dot_general3A_857 = tpu.matmul %mul3A_855, %get3A_102, %dot_general3A_856 {dimension_numbers = #tpu.dot_dimension_numbers<[1], [1], [0], [0], [0, 0, 1, 0], [], []>, transpose_lhs_hint = false} : vector<512x256xf32>, vector<1x256xf32>, vector<512x1xf32> -> vector<512x1xf32>
    %concatenate3A = tpu.concatenate %dot_general3A_152, %dot_general3A_199, %dot_general3A_246, %dot_general3A_293, %dot_general3A_340, %dot_general3A_387, %dot_general3A_434, %dot_general3A_481, %dot_general3A_528, %dot_general3A_575, %dot_general3A_622, %dot_general3A_669, %dot_general3A_716, %dot_general3A_763, %dot_general3A_810, %dot_general3A_857 in 1 : vector<512x1xf32>, vector<512x1xf32>, vector<512x1xf32>, vector<512x1xf32>, vector<512x1xf32>, vector<512x1xf32>, vector<512x1xf32>, vector<512x1xf32>, vector<512x1xf32>, vector<512x1xf32>, vector<512x1xf32>, vector<512x1xf32>, vector<512x1xf32>, vector<512x1xf32>, vector<512x1xf32>, vector<512x1xf32> -> vector<512x16xf32>
    %add3A_858 = vector.broadcast %get3A_106 : f32 to vector<512x16xf32>
    %add3A_859 = arith.addf %concatenate3A, %add3A_858 : vector<512x16xf32>
    %swap3A = arith.constant 0 : index
    %swap3A_860 = arith.constant 0 : index
    %swap3A_861 = arith.constant 0 : index
    %swap3A_862 = vector.load %arg14[%swap3A, %swap3A_860, %swap3A_861] : memref<1x512x16xf32, #tpu.memory_space<vmem>>, vector<1x512x16xf32>
    %swap3A_863 = vector.shape_cast %swap3A_862 : vector<1x512x16xf32> to vector<512x16xf32>
    %swap3A_864 = vector.shape_cast %add3A_859 : vector<512x16xf32> to vector<1x512x16xf32>
    tpu.vector_store %arg14[%swap3A, %swap3A_860, %swap3A_861], %swap3A_864 {strides = array<i32>} : memref<1x512x16xf32, #tpu.memory_space<vmem>>, vector<1x512x16xf32>,
    return
  }
  func.func @transform_0(%arg0: i32, %arg1: i32) -> (i32, i32, i32) {
    %c0_i32 = arith.constant 0 : i32
    %c0_i32_0 = arith.constant 0 : i32
    return %arg0, %arg1, %c0_i32 : i32, i32, i32
  }
  func.func @transform_1(%arg0: i32, %arg1: i32) -> (i32, i32, i32) {
    %c0_i32 = arith.constant 0 : i32
    %c0_i32_0 = arith.constant 0 : i32
    %c0_i32_1 = arith.constant 0 : i32
    return %arg0, %c0_i32, %c0_i32_0 : i32, i32, i32
  }
  func.func @transform_2(%arg0: i32, %arg1: i32) -> (i32, i32) {
    %c0_i32 = arith.constant 0 : i32
    %c0_i32_0 = arith.constant 0 : i32
    %c0_i32_1 = arith.constant 0 : i32
    return %c0_i32, %c0_i32_0 : i32, i32
  }
  func.func @transform_3(%arg0: i32, %arg1: i32) -> (i32, i32) {
    %c0_i32 = arith.constant 0 : i32
    %c0_i32_0 = arith.constant 0 : i32
    %c0_i32_1 = arith.constant 0 : i32
    return %c0_i32, %c0_i32_0 : i32, i32
  }
  func.func @transform_4(%arg0: i32, %arg1: i32) -> (i32, i32) {
    %c0_i32 = arith.constant 0 : i32
    %c0_i32_0 = arith.constant 0 : i32
    %c0_i32_1 = arith.constant 0 : i32
    return %c0_i32, %c0_i32_0 : i32, i32
  }
  func.func @transform_5(%arg0: i32, %arg1: i32) -> (i32, i32) {
    %c0_i32 = arith.constant 0 : i32
    %c0_i32_0 = arith.constant 0 : i32
    %c0_i32_1 = arith.constant 0 : i32
    return %c0_i32, %c0_i32_0 : i32, i32
  }
  func.func @transform_6(%arg0: i32, %arg1: i32) -> (i32, i32) {
    %c0_i32 = arith.constant 0 : i32
    %c0_i32_0 = arith.constant 0 : i32
    %c0_i32_1 = arith.constant 0 : i32
    return %c0_i32, %c0_i32_0 : i32, i32
  }
  func.func @transform_7(%arg0: i32, %arg1: i32) -> (i32, i32) {
    %c0_i32 = arith.constant 0 : i32
    %c0_i32_0 = arith.constant 0 : i32
    %c0_i32_1 = arith.constant 0 : i32
    return %c0_i32, %c0_i32_0 : i32, i32
  }
  func.func @transform_8(%arg0: i32, %arg1: i32) -> (i32, i32) {
    %c0_i32 = arith.constant 0 : i32
    %c0_i32_0 = arith.constant 0 : i32
    %c0_i32_1 = arith.constant 0 : i32
    return %c0_i32, %c0_i32_0 : i32, i32
  }
  func.func @transform_9(%arg0: i32, %arg1: i32) -> (i32, i32) {
    %c0_i32 = arith.constant 0 : i32
    %c0_i32_0 = arith.constant 0 : i32
    %c0_i32_1 = arith.constant 0 : i32
    return %c0_i32, %c0_i32_0 : i32, i32
  }
  func.func @transform_10(%arg0: i32, %arg1: i32) -> (i32, i32) {
    %c0_i32 = arith.constant 0 : i32
    %c0_i32_0 = arith.constant 0 : i32
    %c0_i32_1 = arith.constant 0 : i32
    return %c0_i32, %c0_i32_0 : i32, i32
  }
  func.func @transform_11(%arg0: i32, %arg1: i32) -> (i32, i32) {
    %c0_i32 = arith.constant 0 : i32
    %c0_i32_0 = arith.constant 0 : i32
    %c0_i32_1 = arith.constant 0 : i32
    return %c0_i32, %c0_i32_0 : i32, i32
  }
  func.func @transform_12(%arg0: i32, %arg1: i32) -> (i32, i32, i32) {
    %c0_i32 = arith.constant 0 : i32
    %c0_i32_0 = arith.constant 0 : i32
    return %arg0, %arg1, %c0_i32 : i32, i32, i32
  }
}

</mosaic_0001>

<sc_bundles>
// kernel: kernel.4.cloned.1.call-start
scs
__scs_entry_jumppad:
0x0: {  	(pc) =	sbr.rel $0x88, $3  }
0x1: {  	(tag) =	ssettag $0x0;
	lr =	simm.s32 $0x1  }
0x2: {  	[smem:$0x3F95] =	sst lr;
	_ =	strace $0xD0000000  }
0x3: {  	_ = 	snop  }
0x4: {  	_ = 	snop  }
0x5: {  	_ = 	snop  }
0x6: {  	_ = 	snop  }
0x7: {  	_ = 	snop  }
__scs_overlays_trampoline_lowered:
0x8: {  	[smem:$0x3FA4] =	sst s0  }
0x9: {  	[smem:$0x3FA5] =	sst s1  }
0xa: {  	[smem:$0x3FA6] =	sst s2  }
0xb: {  	[smem:$0x3FA7] =	sst s3  }
0xc: {  	[smem:$0x3FA8] =	sst s4  }
0xd: {  	[smem:$0x3FA9] =	sst s5  }
0xe: {  	[smem:$0x3FAA] =	sst s6  }
0xf: {  	[smem:$0x3FAB] =	sst s7  }
0x10: {  	[smem:$0x3FAC] =	sst s8  }
0x11: {  	[smem:$0x3FAD] =	sst s9;
	s0 =	simm.s32 @!p0 $0x0  }
0x12: {  	s1 =	sld [smem:$0x3F93];
	s0 =	simm.s32 @p0 $0x1  }
0x13: {  	[smem:$0x3FAE] =	sst s0;
	s0 =	simm.s32 @!p1 $0x0  }
0x14: {  	s2 =	sld [smem:$0x3F92];
	s0 =	simm.s32 @p1 $0x1  }
0x15: {  	[smem:$0x3FAF] =	sst s0;
	s0 =	simm.s32 @!p2 $0x0  }
0x16: {  	s3 =	sld [smem:$0x3FDB];
	s0 =	simm.s32 @p2 $0x1  }
0x17: {  	s4 =	simm.s32 $0x1BF5;
	[smem:$0x3FB1] =	sst s0  }
0x18: {  	s0 =	sld [smem:$0x3F94];
	_ =	swait.ge [sflag:s4], $0x0  }
0x19: {  	s7 =	sld [smem:$0x3F95]  }
0x1a: {  	s8 =	sadd.s32 $0xFFFFE003, lr  }
0x1b: {  	s9 =	sadd.s32 $0xFFFFFEF7, lr;
	s5 =	simm.s32 $0xFFFFFFFF;
	p2 =	slt.u32 s8, $0xFFFFF086  }
0x1c: {  	p1 =	slt.u32 s9, $0xF7A;
	s5 =	simm.s32 @!p2 $0x0  }
0x1d: {  	s5 =	simm.s32 @p1 $0x1;
	p0 =	seq.s32 s7, s2  }
0x1e: {  	s7 =	smul.u32 @!p0 $0xF7A, s2;
	p2 =	seq.s32 @!p0 s5, $0x0  }
0x1f: {  	s9 =	smul.u32 $0xF7A, s1;
	s8 =	simm.s32 @!p0 $0x1BF5;
	p2 =	por !p2, p0  }
0x20: {  	[sflag:s8] =	ssyncset.s32 @!p0 $0xFFFFF086;
	s6 =	sadd.s32 @!p0 s3, s7;
	s7 =	simm.s32 @!p0 $0x108  }
0x21: {  	s3 =	sadd.s32 s3, s9;
	s6 =	sadd.s32 @!p0 $0x88, s6;
	s7 =	simm.s32 @p2 $0x1082  }
0x22: {  	[simem:s7], [sflag:s8] =	dma.local @!p0 [hbm:s6], $0xF7A  }
0x23: {  	s9 =	sor.u32 $0xD0000000, s2;
	s6 =	simm.s32 $0x108;
	_ =	swait.ge @!p0 [sflag:s8], $0x0  }
0x24: {  	s3 =	sadd.s32 $0x88, s3;
	s6 =	simm.s32 @!p1 $0x1082;
	[sflag:s4] =	ssyncset.s32 $0xFFFFF086  }
0x25: {  	[simem:s6], [sflag:s4] =	dma.local [hbm:s3], $0xF7A  }
0x26: {  	[smem:$0x3F95] =	sst s1;
	(tag) =	ssettag s2;
	_ =	strace s9  }
0x27: {  	s1 =	sld [smem:$0x3FA5]  }
0x28: {  	s2 =	sld [smem:$0x3FA6]  }
0x29: {  	s4 =	sld [smem:$0x3FA8]  }
0x2a: {  	p0 =	seq.s32 s5, $0x0;
	s5 =	sld [smem:$0x3FA9]  }
0x2b: {  	s6 =	sld [smem:$0x3FAA]  }
0x2c: {  	s7 =	sld [smem:$0x3FAB]  }
0x2d: {  	s3 =	simm.s32 $0x108;
	s8 =	sld [smem:$0x3FAC]  }
0x2e: {  	s3 =	simm.s32 @!p0 $0x1082;
	s9 =	sld [smem:$0x3FAD]  }
0x2f: {  	lr =	sadd.s32 s0, s3;
	s0 =	sld [smem:$0x3FA4]  }
0x30: {  	s3 =	sld [smem:$0x3FA7]  }
0x31: {  	[smem:$0x3FB0] =	sst s10  }
0x32: {  	s10 =	sld [smem:$0x3FAE];
	_ =	sdelay $0x3  }
0x33: {  	p0 =	seq.s32 s10, $0x1;
	s10 =	sld [smem:$0x3FB0];
	_ =	sdelay $0x3  }
0x34: {  	[smem:$0x3FB0] =	sst s10  }
0x35: {  	s10 =	sld [smem:$0x3FAF];
	_ =	sdelay $0x3  }
0x36: {  	p1 =	seq.s32 s10, $0x1;
	s10 =	sld [smem:$0x3FB0];
	_ =	sdelay $0x3  }
0x37: {  	[smem:$0x3FB0] =	sst s10  }
0x38: {  	s10 =	sld [smem:$0x3FB1]  }
0x39: {  	_ = 	snop;
	(pc) =	sbr.ind lr, $3  }
0x3a: {  	_ = 	snop  }
0x3b: {  	_ = 	snop  }
0x3c: {  	p2 =	seq.s32 s10, $0x1;
	s10 =	sld [smem:$0x3FB0]  }
0x3d: {  	_ =	shalt  }
0x3e: {  	_ =	shalt  }
0x3f: {  	_ =	shalt  }
0x40: {  	_ =	shalt  }
0x41: {  	_ =	shalt  }
0x42: {  	_ =	shalt  }
0x43: {  	_ =	shalt  }
0x44: {  	_ =	shalt  }
0x45: {  	_ =	shalt  }
0x46: {  	_ =	shalt  }
0x47: {  	_ =	shalt  }
0x48: {  	_ =	shalt  }
0x49: {  	_ =	shalt  }
0x4a: {  	_ =	shalt  }
0x4b: {  	_ =	shalt  }
0x4c: {  	_ =	shalt  }
0x4d: {  	_ =	shalt  }
0x4e: {  	_ =	shalt  }
0x4f: {  	_ =	shalt  }
0x50: {  	_ =	shalt  }
0x51: {  	_ =	shalt  }
0x52: {  	_ =	shalt  }
0x53: {  	_ =	shalt  }
0x54: {  	_ =	shalt  }
0x55: {  	_ =	shalt  }
0x56: {  	_ =	shalt  }
0x57: {  	_ =	shalt  }
0x58: {  	_ =	shalt  }
0x59: {  	_ =	shalt  }
0x5a: {  	_ =	shalt  }
0x5b: {  	_ =	shalt  }
0x5c: {  	_ =	shalt  }
0x5d: {  	_ =	shalt  }
0x5e: {  	_ =	shalt  }
0x5f: {  	_ =	shalt  }
0x60: {  	_ =	shalt  }
0x61: {  	_ =	shalt  }
0x62: {  	_ =	shalt  }
0x63: {  	_ =	shalt  }
0x64: {  	_ =	shalt  }
0x65: {  	_ =	shalt  }
0x66: {  	_ =	shalt  }
0x67: {  	_ =	shalt  }
0x68: {  	_ =	shalt  }
0x69: {  	_ =	shalt  }
0x6a: {  	_ =	shalt  }
0x6b: {  	_ =	shalt  }
0x6c: {  	_ =	shalt  }
0x6d: {  	_ =	shalt  }
0x6e: {  	_ =	shalt  }
0x6f: {  	_ =	shalt  }
0x70: {  	_ =	shalt  }
0x71: {  	_ =	shalt  }
0x72: {  	_ =	shalt  }
0x73: {  	_ =	shalt  }
0x74: {  	_ =	shalt  }
0x75: {  	_ =	shalt  }
0x76: {  	_ =	shalt  }
0x77: {  	_ =	shalt  }
0x78: {  	_ =	shalt  }
0x79: {  	_ =	shalt  }
0x7a: {  	_ =	shalt  }
0x7b: {  	_ =	shalt  }
0x7c: {  	_ =	shalt  }
0x7d: {  	_ =	shalt  }
0x7e: {  	_ =	shalt  }
0x7f: {  	_ =	shalt  }
0x80: {  	_ =	shalt  }
0x81: {  	_ =	shalt  }
0x82: {  	_ =	shalt  }
0x83: {  	_ =	shalt  }
0x84: {  	_ =	shalt  }
0x85: {  	_ =	shalt  }
0x86: {  	_ =	shalt  }
0x87: {  	_ =	shalt  }
.Lfunc_end0:
.L_simem_size_0:
called_computation_lowered:
.L_overlay_start_0:
0x88: {  	s2 =	sld [smem:$0x3FD9]  }
0x89: {  	s3 =	sld [smem:$0x3FFE];
	_ =	sdelay $0x1  }
0x8a: {  	s1 =	srdreg.scid  }
0x8b: {  	s0 =	sand.u32 $0x1, s1  }
0x8c: {  	s14 =	sshll.u32 s0, $0xA;
	s2 =	sadd.s32 s3, s2  }
0x8d: {  	s2 =	sadd.s32 s2, s14  }
0x8e: {  	[smem:$0x3FBC] =	sst s2  }
0x8f: {  	_ = 	snop  }
0x90: {  	s2 =	sld [smem:$0x3FD0];
	_ =	sdelay $0x2  }
0x91: {  	s15 =	simm.s32 $0xA;
	s4 =	simm.s32 $0x10  }
0x92: {  	[smem:s4], [sflag:s15] =	dma.local [hbm:s2], $0x1  }
0x93: {  	_ =	swait.eq [sflag:s15], $0x1  }
0x94: {  	[sflag:s15] =	ssyncset.done $0x0  }
0x95: {  	[sflag:s15] =	ssyncadd.s32 $0xFFFFFFFF  }
0x96: {  	s16 =	sld [smem:$0x11];
	(tm) =	ssettm $0x1  }
0x97: {  	s17 =	sld [smem:$0x3FFB];
	_ =	sdelay $0x3  }
0x98: {  	_ =	strace s17  }
0x99: {  	s3 =	sld [smem:$0x3FFC];
	_ =	sdelay $0x3  }
0x9a: {  	_ =	strace s3  }
0x9b: {  	s3 =	sld [smem:$0x3FFD];
	_ =	sdelay $0x3  }
0x9c: {  	_ =	strace s3  }
0x9d: {  	_ =	strace $0x8FFFFFFF  }
0x9e: {  	s18 =	sld [smem:$0x3FDB];
	_ =	sdelay $0x1  }
0x9f: {  	s19 =	simm.s32 $_scs_section_size  }
0xa0: {  	s5 =	simm.s32 $_size__tile_overlayer_lowered;
	s6 =	simm.s32 $_tile_overlayer_lowered  }
0xa1: {  	s22 =	simm.s32 $0x1BFF;
	s21 =	sshll.u32 s6, $0x1;
	s3 =	sadd.s32 s19, s18  }
0xa2: {  	s7 =	simm.s32 $0x0;
	s20 =	sshll.u32 s5, $0x1;
	s5 =	sadd.s32 s21, s3  }
0xa3: {  	[timem:s7], [sflag:s22] =	dma.local [hbm:s5], s20  }
0xa4: {  	_ =	swait.ge [sflag:s22], s20  }
0xa5: {  	s4 =	ssub.s32 $0x0, s20;
	[sflag:s22] =	ssyncset.done $0x0  }
0xa6: {  	[sflag:s22] =	ssyncadd.s32 s4;
	_ =	sdelay $0x1  }
0xa7: {  	s23 =	simm.s32 $0x1B8B  }
0xa8: {  	_ =	swait.ge [sflag:s23], $0x1  }
0xa9: {  	[sflag:s23] =	ssyncset.done $0x0  }
0xaa: {  	s25 =	simm.s32 $0x1B8E;
	s24 =	sld [smem:$0x3FFE];
	[sflag:s23] =	ssyncadd.s32 $0xFFFFFFFF  }
0xab: {  	s26 =	simm.s32 $execute0_lowered;
	[smem:$0x3FD2] =	sst s25  }
0xac: {  	s5 =	sshll.u32 s26, $0x1;
	_ =	strace $0x80000046;
	[dreg:$0x1] =	wrdreg $0xFFFFFFFF  }
0xad: {  	s28 =	simm.s32 $_size_execute0_lowered;
	s3 =	sadd.s32 s3, s5;
	[dreg:$0x0] =	wrdreg $0x0  }
0xae: {  	s5 =	sshll.u32 s28, $0x1;
	[dreg:$0x2] =	wrdreg s3  }
0xaf: {  	[dreg:$0x3] =	wrdreg s5  }
0xb0: {  	[dreg:$0x4] =	wrdreg $0xC0  }
0xb1: {  	_ =	task [dreg:s7], $0x5FFFF  }
0xb2: {  	[dreg:$0x1] =	wrdreg $0xFFFFFFFF  }
0xb3: {  	[dreg:$0x0] =	wrdreg $0x60  }
0xb4: {  	[dreg:$0x2] =	wrdreg s24  }
0xb5: {  	[dreg:$0x3] =	wrdreg s16  }
0xb6: {  	[dreg:$0x4] =	wrdreg $0x9  }
0xb7: {  	_ =	task.clear_ibuf [dreg:s7], $0x5FFFF;
	_ =	strace $0x90000046  }
0xb8: {  	s29 =	simm.s32 $0x9;
	_ =	strace $0x80000048  }
0xb9: {  	_ =	swait.ge [sflag:s29], $0x1  }
0xba: {  	[sflag:s29] =	ssyncadd.s32 $0xFFFFFFFF  }
0xbb: {  	_ =	strace $0x90000048  }
0xbc: {  	_ =	sfence  }
0xbd: {  	s30 =	sld [smem:$0x0];
	_ =	sdelay $0x2  }
0xbe: {  	s31 =	sshll.u32 s1, $0xD;
	s1 =	sshrl.u32 s1, $0x2  }
0xbf: {  	s3 =	sand.u32 $0x4000, s31;
	s1 =	sadd.s32 s1, s30  }
0xc0: {  	s0 =	sor.u32 s3, s0;
	s1 =	sshll.u32 s1, $0x11  }
0xc1: {  	s0 =	sor.u32 s1, s0  }
0xc2: {  	s0 =	sadd.s32 $0x8F2B, s0  }
0xc3: {  	[sflag:s0] =	ssyncadd.remote.s32 $0x1  }
0xc4: {  	_ =	sfence.sel $0xFFFF  }
0xc5: {  	[dreg:$0x0] =	wrdreg $0xFFFFFFFF;
	(pc) =	sbr.abs _section_cstart, $3  }
0xc6: {  	[dreg:$0x1] =	wrdreg $0xFFFFFFFF  }
0xc7: {  	_ =	task.clear_ibuf [dreg:s7], $0x2FFFF;
	_ =	strace $0x9FFFFFFF  }
0xc8: {  	(tm) =	ssettm $0x7FFFFFFF  }
0xc9: {  	_ =	shalt  }
tec
execute0_lowered:
.L_overlay_start_1:
0x0: {  	(tag) =	ssettag $0x1  }
0x1: {  	s0 =	srdreg.scid;
	s3 =	rddreg [dreg:$0x0]  }
0x2: {  	s1 =	stileid.u32;
	s6 =	rddreg [dreg:$0x1];
	s0 =	sand.u32 $0x1, s0  }
0x3: {  	v0 =	vlaneseq.u32;
	s26 =	simm.s32 $0x0;
	v10 =	vimm.s32 $0xF;
	vm2 =	vcmask $0x3F14;
	s1 =	sshll.u32 s1, $0x8;
	s2 =	sshll.u32 s0, $0x7  }
0x4: {  	v12 =	vimm.s32 $0x2;
	vm3 =	vmmov $0x1f;
	v14 =	vimm.s32 $0x1;
	[smem:$0x7FF] =	sst s26;
	s0 =	ssub.s32 $0x2, s0;
	s1 =	sor.u32 s2, s1  }
0x5: {  	v15 =	vimm.s32 $0x3;
	v16 =	vimm.s32 $0x4;
	v17 =	vimm.s32 $0x5;
	s29 =	sshrl.u32 s0, $0x1;
	s7 =	sand.u32 $0x780, s1;
	s28 =	sshll.u32 s1, $0x4  }
0x6: {  	v18 =	vimm.s32 $0x6;
	v19 =	vimm.s32 $0x7;
	v20 =	vimm.s32 $0x8;
	s0 =	ssub.s32 s0, s29;
	s30 =	sshll.u32 s1, $0x3;
	s1 =	sshll.u32 s1, $0x8  }
0x7: {  	v21 =	vimm.s32 $0x9;
	v22 =	vimm.s32 $0xA;
	v23 =	vimm.s32 $0xB;
	s20 =	sshrl.u32 s7, $0x7;
	s21 =	sor.u32 $0x10, s7;
	s4 =	sor.u32 $0x20, s7  }
0x8: {  	v24 =	vimm.s32 $0xC;
	v25 =	vimm.s32 $0xD;
	v13 =	vmul.u32 $0x80, v0;
	s5 =	sor.u32 $0x30, s7;
	s22 =	sor.u32 $0x40, s7;
	s23 =	sor.u32 $0x50, s7  }
0x9: {  	v26 =	vimm.s32 $0xE;
	v27 =	vimm.s32 $0x0;
	v11 =	vadd.s32 $0xFFFFFFFA, v0;
	s24 =	sor.u32 $0x60, s7;
	[smem:$0x7FA] =	sst s7;
	s31 =	sor.u32 $0x4000, s30  }
0xa: {  	v27 =	vsel vm3, $0xFFFFFFFF, v27;
	v13 =	vadd.s32 $0xFFFFFFFF, v13;
	v2 =	vor.u32 s7, v0;
	s1 =	sadd.s32 s6, s1;
	_ =	strace $0x80000047;
	[dreg:$0x3] =	wrdreg s31  }
0xb: {  	s2 =	sadd.s32 s28, s3;
	s0 =	smax.u32 s0, $0x1;
	v1 =	vmov s20;
	v3 =	vor.u32 s21, v0;
	v4 =	vor.u32 s4, v0;
	[smem:$0x7FC] =	sst s1  }
0xc: {  	s25 =	sor.u32 $0x70, s7;
	v5 =	vor.u32 s5, v0;
	v6 =	vor.u32 s22, v0;
	v7 =	vor.u32 s23, v0;
	s2 =	sadd.s32 $0x1A00, s2;
	[smem:$0x7FD] =	sst s0  }
0xd: {  	v8 =	vor.u32 s24, v0;
	v9 =	vor.u32 s25, v0;
	s1 =	simm.s32 $0x0;
	[tilespmem:$0x1FFF0] =	vst v27;
	v1 =	vbroadcast v1, $0x0;
	[smem:$0x7FB] =	sst s2  }
.LBB2_1:
0xe: {  	s29 =	sld [smem:$0x7FB];
	_ =	sdelay $0x1  }
0xf: {  	[smem:$0x7F9] =	sst s1;
	s0 =	simm.s32 $0x0;
	s30 =	simm.s32 $0x1  }
0x10: {  	[tilespmem:s0], [sflag:$0x1] =	stream.linear.gather [hbm4b:s29+s0], $0x4000, $0x38;
	[tilespmem:$0x15000] =	vst v63  }
0x11: {  	_ =	swait.ge [sflag:s30], $0x4000  }
0x12: {  	s31 =	sld [smem:$0x7FA];
	_ =	sdelay $0x1  }
0x13: {  	s3 =	simm.s32 $0x0;
	[sflag:s30] =	ssyncset.done $0x0  }
0x14: {  	s0 =	simm.s32 $0x0;
	[sflag:s30] =	ssyncadd.s32 $0xFFFFC000;
	[dreg:$0x4] =	wrdreg s31  }
.LBB2_2:
0x15: {  	v27 =	vmov s0;
	_ =	sdelay $0x2  }
0x16: {  	[smem:$0x7F5] =	sst s3  }
0x17: {  	[smem:$0x7F6] =	sst s0;
	s11 =	simm.s32 $0x0  }
0x18: {  	v28 =	vld.idx.msk [tilespmem:v27+s11+$0x80 ss:$0x1], $0xffff;
	_ =	sdelay $0x4  }
0x19: {  	v29 =	vld.idx.msk [tilespmem:v27+s11+$0x0 ss:$0x1], $0xffff;
	(xrf0) =	vmax.scan.msk.f32 $0xffff, v28;
	_ =	sdelay $0x4  }
0x1a: {  	(xrf0) =	vmax.scan.msk.f32 $0xffff, v29  }
0x1b: {  	v30, _, _ =	vpop (xrf0)  }
0x1c: {  	[tilespmem:s11+$0x14080] =	vst v30  }
0x1d: {  	v30 =	vld.idx.msk [tilespmem:v10+s11+$0x14080], $0xffff;
	_ =	sdelay $0x2  }
0x1e: {  	v31, _, _ =	vpop (xrf0)  }
0x1f: {  	[tilespmem:s11+$0x14000] =	vst v31  }
0x20: {  	v31 =	vld.idx.msk [tilespmem:v10+s11+$0x14000], $0xffff;
	v30 =	vsub.f32 v28, v30;
	_ =	sdelay $0x1  }
0x21: {  	v30 =	vmul.f32 $1.442695020e+00, v30;
	_ =	sdelay $0x1  }
0x22: {  	(erf) = vpow2.f32 v30  }
0x23: {  	v30 =	vsub.f32 v29, v31;
	_ =	sdelay $0x1  }
0x24: {  	v30 =	vmul.f32 $1.442695020e+00, v30;
	_ =	sdelay $0x1  }
0x25: {  	(erf) = vpow2.f32 v30;
	_ =	sdelay $0x3  }
0x26: {  	v30 =	vpop (erf)  }
0x27: {  	(xrf2) =	vadd.scan.msk.f32 $0xffff, v30;
	_ =	sdelay $0x2  }
0x28: {  	s8 =	rddreg [dreg:$0x4]  }
0x29: {  	s1 =	sadd.s32 $0xFFFFFFFE, s8;
	v31 =	vpop (erf)  }
0x2a: {  	s0 =	sadd.s32 $0x3, s1;
	(xrf2) =	vadd.scan.msk.f32 $0xffff, v31  }
0x2b: {  	v32 =	vmov s0  }
0x2c: {  	vm0 =	vgt.s32 v32, v11  }
0x2d: {  	vm0 =	vmand vm0, vm2  }
0x2e: {  	v28 =	vnsel vm0, $0xFF800000, v28  }
0x2f: {  	s1 =	sadd.s32 $0x2, s1;
	(xrf1) =	vsort.dscd.msk.f32 $0xffff, v28, v0;
	v33, _, _ =	vpop (xrf2)  }
0x30: {  	v34 =	vmov s1;
	[tilespmem:s11+$0x14080] =	vst v33  }
0x31: {  	vm0 =	vgt.s32 v34, v11;
	v33 =	vld.idx.msk [tilespmem:v10+s11+$0x14080], $0xffff  }
0x32: {  	vm0 =	vmand vm0, vm2  }
0x33: {  	v29 =	vnsel vm0, $0xFF800000, v29  }
0x34: {  	(xrf1) =	vsort.dscd.msk.f32 $0xffff, v29, v0;
	v35, _, _ =	vpop (xrf2)  }
0x35: {  	[tilespmem:s11+$0x14000] =	vst v35  }
0x36: {  	v35 =	vld.idx.msk [tilespmem:v10+s11+$0x14000], $0xffff;
	(erf) = vrcp.f32 v33;
	_ =	sdelay $0x4  }
0x37: {  	(erf) = vrcp.f32 v35;
	_ =	sdelay $0x1  }
0x38: {  	v45, _, _ =	vpop (xrf1)  }
0x39: {  	[tilespmem:s11+$0x14080] =	vst v45  }
0x3a: {  	v33 =	vld.idx.msk [tilespmem:v12+s11+$0x14080], $0xffff;
	v46 =	vpop (erf)  }
0x3b: {  	v30 =	vmul.f32 v46, v30;
	_ =	sdelay $0x1  }
0x3c: {  	v47, _, _ =	vpop (xrf1);
	v30 =	vsub.f32 $1.000000000e+00, v30  }
0x3d: {  	[tilespmem:s11+$0x14000] =	vst v47  }
0x3e: {  	v35 =	vld.idx.msk [tilespmem:v12+s11+$0x14000], $0xffff;
	vm0 =	vge.f32 v28, v33;
	v36 =	vpop (erf);
	v30 =	vmul.f32 $-8.000000000e+00, v30  }
0x3f: {  	vm0 =	vmor vm0, vm3;
	v28 =	vmul.f32 v36, v31  }
0x40: {  	v30 =	vsel vm0, $0x0, v30;
	vm0 =	vgt.s32 v32, v13  }
0x41: {  	v28 =	vsub.f32 $1.000000000e+00, v28;
	v30 =	vnsel vm0, $0xFF800000, v30  }
0x42: {  	[tilespmem:s11+$0x14080] =	vst v30  }
0x43: {  	vm0 =	vge.f32 v29, v35;
	v28 =	vmul.f32 $-8.000000000e+00, v28;
	v29 =	vld.msk [tilespmem:s11+$0x14080], $0xffff  }
0x44: {  	s3 =	simm.s32 $0x0;
	vm0 =	vmor vm0, vm3  }
0x45: {  	s2 =	simm.s32 $0x80;
	s6 =	sand.u32 $0xC000, s3;
	vm1 =	vgt.s32 v34, v13;
	v28 =	vsel vm0, $0x0, v28  }
0x46: {  	s2 =	sand.u32 $0x380, s2;
	s4 =	sadd.s32 $0x4000, s6;
	v28 =	vnsel vm1, $0xFF800000, v28  }
0x47: {  	s5 =	sor.u32 s2, s4;
	[tilespmem:s11+$0x14000] =	vst v28  }
0x48: {  	[tilespmem:s5+$0x0] =	vst v29  }
0x49: {  	[tilespmem:s5+$0x10] =	vst v29  }
0x4a: {  	[tilespmem:s5+$0x20] =	vst v29  }
0x4b: {  	[tilespmem:s5+$0x30] =	vst v29  }
0x4c: {  	[tilespmem:s5+$0x40] =	vst v29  }
0x4d: {  	v28 =	vld.msk [tilespmem:s11+$0x14000], $0xffff;
	[tilespmem:s5+$0x50] =	vst v29  }
0x4e: {  	[tilespmem:s5+$0x60] =	vst v29  }
0x4f: {  	s7 =	simm.s32 $0x0;
	[tilespmem:s5+$0x70] =	vst v29  }
0x50: {  	s9 =	sand.u32 $0x300, s7;
	v29 =	vld.idx.msk [tilespmem:v14+s11+$0x14080], $0xffff  }
0x51: {  	s4 =	sor.u32 s9, s4  }
0x52: {  	[tilespmem:s4+$0x0] =	vst v28  }
0x53: {  	[tilespmem:s4+$0x10] =	vst v28  }
0x54: {  	[tilespmem:s4+$0x20] =	vst v28  }
0x55: {  	[tilespmem:s5+$0x400] =	vst v29  }
0x56: {  	[tilespmem:s5+$0x410] =	vst v29  }
0x57: {  	[tilespmem:s5+$0x420] =	vst v29  }
0x58: {  	[tilespmem:s5+$0x430] =	vst v29  }
0x59: {  	[tilespmem:s5+$0x440] =	vst v29  }
0x5a: {  	[tilespmem:s5+$0x450] =	vst v29  }
0x5b: {  	[tilespmem:s5+$0x460] =	vst v29  }
0x5c: {  	[tilespmem:s5+$0x470] =	vst v29  }
0x5d: {  	[tilespmem:s4+$0x30] =	vst v28;
	v29 =	vld.idx.msk [tilespmem:v12+s11+$0x14080], $0xffff  }
0x5e: {  	[tilespmem:s4+$0x40] =	vst v28  }
0x5f: {  	[tilespmem:s4+$0x50] =	vst v28  }
0x60: {  	[tilespmem:s4+$0x60] =	vst v28  }
0x61: {  	[tilespmem:s4+$0x70] =	vst v28  }
0x62: {  	[tilespmem:s5+$0x800] =	vst v29  }
0x63: {  	[tilespmem:s5+$0x810] =	vst v29  }
0x64: {  	[tilespmem:s5+$0x820] =	vst v29  }
0x65: {  	[tilespmem:s5+$0x830] =	vst v29  }
0x66: {  	[tilespmem:s5+$0x840] =	vst v29  }
0x67: {  	v28 =	vld.idx.msk [tilespmem:v14+s11+$0x14000], $0xffff;
	[tilespmem:s5+$0x850] =	vst v29  }
0x68: {  	[tilespmem:s5+$0x860] =	vst v29  }
0x69: {  	[tilespmem:s5+$0x870] =	vst v29  }
0x6a: {  	v29 =	vld.idx.msk [tilespmem:v15+s11+$0x14080], $0xffff;
	_ =	sdelay $0x1  }
0x6b: {  	[tilespmem:s4+$0x400] =	vst v28  }
0x6c: {  	[tilespmem:s4+$0x410] =	vst v28  }
0x6d: {  	[tilespmem:s4+$0x420] =	vst v28  }
0x6e: {  	[tilespmem:s5+$0xC00] =	vst v29  }
0x6f: {  	[tilespmem:s5+$0xC10] =	vst v29  }
0x70: {  	[tilespmem:s5+$0xC20] =	vst v29  }
0x71: {  	[tilespmem:s5+$0xC30] =	vst v29  }
0x72: {  	[tilespmem:s5+$0xC40] =	vst v29  }
0x73: {  	[tilespmem:s5+$0xC50] =	vst v29  }
0x74: {  	[tilespmem:s5+$0xC60] =	vst v29  }
0x75: {  	[tilespmem:s5+$0xC70] =	vst v29  }
0x76: {  	[tilespmem:s4+$0x430] =	vst v28;
	v29 =	vld.idx.msk [tilespmem:v16+s11+$0x14080], $0xffff  }
0x77: {  	[tilespmem:s4+$0x440] =	vst v28  }
0x78: {  	[tilespmem:s4+$0x450] =	vst v28  }
0x79: {  	[tilespmem:s4+$0x460] =	vst v28  }
0x7a: {  	[tilespmem:s4+$0x470] =	vst v28  }
0x7b: {  	[tilespmem:s5+$0x1000] =	vst v29  }
0x7c: {  	[tilespmem:s5+$0x1010] =	vst v29  }
0x7d: {  	[tilespmem:s5+$0x1020] =	vst v29  }
0x7e: {  	[tilespmem:s5+$0x1030] =	vst v29  }
0x7f: {  	[tilespmem:s5+$0x1040] =	vst v29  }
0x80: {  	[tilespmem:s5+$0x1050] =	vst v29;
	v28 =	vld.idx.msk [tilespmem:v12+s11+$0x14000], $0xffff  }
0x81: {  	[tilespmem:s5+$0x1060] =	vst v29  }
0x82: {  	[tilespmem:s5+$0x1070] =	vst v29  }
0x83: {  	v29 =	vld.idx.msk [tilespmem:v17+s11+$0x14080], $0xffff;
	_ =	sdelay $0x1  }
0x84: {  	[tilespmem:s4+$0x800] =	vst v28  }
0x85: {  	[tilespmem:s4+$0x810] =	vst v28  }
0x86: {  	[tilespmem:s4+$0x820] =	vst v28  }
0x87: {  	[tilespmem:s5+$0x1400] =	vst v29  }
0x88: {  	[tilespmem:s5+$0x1410] =	vst v29  }
0x89: {  	[tilespmem:s5+$0x1420] =	vst v29  }
0x8a: {  	[tilespmem:s5+$0x1430] =	vst v29  }
0x8b: {  	[tilespmem:s5+$0x1440] =	vst v29  }
0x8c: {  	[tilespmem:s5+$0x1450] =	vst v29  }
0x8d: {  	[tilespmem:s5+$0x1460] =	vst v29  }
0x8e: {  	[tilespmem:s5+$0x1470] =	vst v29  }
0x8f: {  	[tilespmem:s4+$0x830] =	vst v28;
	v29 =	vld.idx.msk [tilespmem:v18+s11+$0x14080], $0xffff  }
0x90: {  	[tilespmem:s4+$0x840] =	vst v28  }
0x91: {  	[tilespmem:s4+$0x850] =	vst v28  }
0x92: {  	[tilespmem:s4+$0x860] =	vst v28  }
0x93: {  	[tilespmem:s4+$0x870] =	vst v28  }
0x94: {  	[tilespmem:s5+$0x1800] =	vst v29  }
0x95: {  	[tilespmem:s5+$0x1810] =	vst v29  }
0x96: {  	[tilespmem:s5+$0x1820] =	vst v29  }
0x97: {  	v28 =	vld.idx.msk [tilespmem:v15+s11+$0x14000], $0xffff;
	[tilespmem:s5+$0x1830] =	vst v29  }
0x98: {  	[tilespmem:s5+$0x1840] =	vst v29  }
0x99: {  	[tilespmem:s5+$0x1850] =	vst v29  }
0x9a: {  	[tilespmem:s5+$0x1860] =	vst v29  }
0x9b: {  	[tilespmem:s5+$0x1870] =	vst v29  }
0x9c: {  	[tilespmem:s4+$0xC00] =	vst v28  }
0x9d: {  	[tilespmem:s4+$0xC10] =	vst v28  }
0x9e: {  	[tilespmem:s4+$0xC20] =	vst v28  }
0x9f: {  	[tilespmem:s4+$0xC30] =	vst v28;
	v29 =	vld.idx.msk [tilespmem:v19+s11+$0x14080], $0xffff  }
0xa0: {  	[tilespmem:s4+$0xC40] =	vst v28  }
0xa1: {  	[tilespmem:s4+$0xC50] =	vst v28  }
0xa2: {  	[tilespmem:s4+$0xC60] =	vst v28  }
0xa3: {  	[tilespmem:s4+$0xC70] =	vst v28  }
0xa4: {  	[tilespmem:s5+$0x1C00] =	vst v29  }
0xa5: {  	[tilespmem:s5+$0x1C10] =	vst v29  }
0xa6: {  	[tilespmem:s5+$0x1C20] =	vst v29  }
0xa7: {  	[tilespmem:s5+$0x1C30] =	vst v29  }
0xa8: {  	[tilespmem:s5+$0x1C40] =	vst v29  }
0xa9: {  	v28 =	vld.idx.msk [tilespmem:v16+s11+$0x14000], $0xffff;
	[tilespmem:s5+$0x1C50] =	vst v29  }
0xaa: {  	[tilespmem:s5+$0x1C60] =	vst v29  }
0xab: {  	[tilespmem:s5+$0x1C70] =	vst v29  }
0xac: {  	v29 =	vld.idx.msk [tilespmem:v20+s11+$0x14080], $0xffff;
	_ =	sdelay $0x1  }
0xad: {  	[tilespmem:s4+$0x1000] =	vst v28  }
0xae: {  	[tilespmem:s4+$0x1010] =	vst v28  }
0xaf: {  	[tilespmem:s4+$0x1020] =	vst v28  }
0xb0: {  	[tilespmem:s5+$0x2000] =	vst v29  }
0xb1: {  	[tilespmem:s5+$0x2010] =	vst v29  }
0xb2: {  	[tilespmem:s5+$0x2020] =	vst v29  }
0xb3: {  	[tilespmem:s5+$0x2030] =	vst v29  }
0xb4: {  	[tilespmem:s5+$0x2040] =	vst v29  }
0xb5: {  	[tilespmem:s5+$0x2050] =	vst v29  }
0xb6: {  	[tilespmem:s5+$0x2060] =	vst v29  }
0xb7: {  	[tilespmem:s5+$0x2070] =	vst v29  }
0xb8: {  	[tilespmem:s4+$0x1030] =	vst v28;
	v29 =	vld.idx.msk [tilespmem:v21+s11+$0x14080], $0xffff  }
0xb9: {  	[tilespmem:s4+$0x1040] =	vst v28  }
0xba: {  	[tilespmem:s4+$0x1050] =	vst v28  }
0xbb: {  	[tilespmem:s4+$0x1060] =	vst v28  }
0xbc: {  	[tilespmem:s4+$0x1070] =	vst v28  }
0xbd: {  	[tilespmem:s5+$0x2400] =	vst v29  }
0xbe: {  	[tilespmem:s5+$0x2410] =	vst v29  }
0xbf: {  	[tilespmem:s5+$0x2420] =	vst v29  }
0xc0: {  	[tilespmem:s5+$0x2430] =	vst v29  }
0xc1: {  	[tilespmem:s5+$0x2440] =	vst v29  }
0xc2: {  	v28 =	vld.idx.msk [tilespmem:v17+s11+$0x14000], $0xffff;
	[tilespmem:s5+$0x2450] =	vst v29  }
0xc3: {  	[tilespmem:s5+$0x2460] =	vst v29  }
0xc4: {  	[tilespmem:s5+$0x2470] =	vst v29  }
0xc5: {  	v29 =	vld.idx.msk [tilespmem:v22+s11+$0x14080], $0xffff;
	_ =	sdelay $0x1  }
0xc6: {  	[tilespmem:s4+$0x1400] =	vst v28  }
0xc7: {  	[tilespmem:s4+$0x1410] =	vst v28  }
0xc8: {  	[tilespmem:s4+$0x1420] =	vst v28  }
0xc9: {  	[tilespmem:s5+$0x2800] =	vst v29  }
0xca: {  	[tilespmem:s5+$0x2810] =	vst v29  }
0xcb: {  	[tilespmem:s5+$0x2820] =	vst v29  }
0xcc: {  	[tilespmem:s5+$0x2830] =	vst v29  }
0xcd: {  	[tilespmem:s5+$0x2840] =	vst v29  }
0xce: {  	[tilespmem:s5+$0x2850] =	vst v29  }
0xcf: {  	[tilespmem:s5+$0x2860] =	vst v29  }
0xd0: {  	[tilespmem:s5+$0x2870] =	vst v29  }
0xd1: {  	[tilespmem:s4+$0x1430] =	vst v28;
	v29 =	vld.idx.msk [tilespmem:v23+s11+$0x14080], $0xffff  }
0xd2: {  	[tilespmem:s4+$0x1440] =	vst v28  }
0xd3: {  	[tilespmem:s4+$0x1450] =	vst v28  }
0xd4: {  	[tilespmem:s4+$0x1460] =	vst v28  }
0xd5: {  	[tilespmem:s4+$0x1470] =	vst v28  }
0xd6: {  	[tilespmem:s5+$0x2C00] =	vst v29  }
0xd7: {  	[tilespmem:s5+$0x2C10] =	vst v29  }
0xd8: {  	[tilespmem:s5+$0x2C20] =	vst v29  }
0xd9: {  	[tilespmem:s5+$0x2C30] =	vst v29  }
0xda: {  	[tilespmem:s5+$0x2C40] =	vst v29  }
0xdb: {  	v28 =	vld.idx.msk [tilespmem:v18+s11+$0x14000], $0xffff;
	[tilespmem:s5+$0x2C50] =	vst v29  }
0xdc: {  	[tilespmem:s5+$0x2C60] =	vst v29  }
0xdd: {  	[tilespmem:s5+$0x2C70] =	vst v29  }
0xde: {  	v29 =	vld.idx.msk [tilespmem:v24+s11+$0x14080], $0xffff  }
0xdf: {  	s7 =	sand.u32 $0x7, s3  }
0xe0: {  	[tilespmem:s4+$0x1800] =	vst v28;
	s5 =	sshll.u32 s7, $0x7  }
0xe1: {  	[tilespmem:s4+$0x1810] =	vst v28;
	s5 =	sadd.s32 $0x80, s5  }
0xe2: {  	[tilespmem:s4+$0x1820] =	vst v28;
	s10 =	sor.u32 $0x3000, s5  }
0xe3: {  	s12 =	sor.u32 $0x3010, s5;
	[tilespmem:s10+$0x4000] =	vst v29  }
0xe4: {  	s13 =	sor.u32 $0x3020, s5;
	[tilespmem:s12+$0x4000] =	vst v29  }
0xe5: {  	s14 =	sor.u32 $0x3030, s5;
	[tilespmem:s13+$0x4000] =	vst v29  }
0xe6: {  	s15 =	sor.u32 $0x3040, s5;
	[tilespmem:s14+$0x4000] =	vst v29  }
0xe7: {  	s16 =	sor.u32 $0x3050, s5;
	[tilespmem:s15+$0x4000] =	vst v29  }
0xe8: {  	s17 =	sor.u32 $0x3060, s5;
	[tilespmem:s16+$0x4000] =	vst v29  }
0xe9: {  	s18 =	sor.u32 $0x3070, s5;
	[tilespmem:s17+$0x4000] =	vst v29  }
0xea: {  	[tilespmem:s18+$0x4000] =	vst v29  }
0xeb: {  	[tilespmem:s4+$0x1830] =	vst v28;
	v29 =	vld.idx.msk [tilespmem:v25+s11+$0x14080], $0xffff  }
0xec: {  	[tilespmem:s4+$0x1840] =	vst v28  }
0xed: {  	[tilespmem:s4+$0x1850] =	vst v28  }
0xee: {  	[tilespmem:s4+$0x1860] =	vst v28  }
0xef: {  	[tilespmem:s4+$0x1870] =	vst v28;
	s19 =	sor.u32 $0x3400, s5  }
0xf0: {  	s20 =	sor.u32 $0x3410, s5;
	[tilespmem:s19+$0x4000] =	vst v29  }
0xf1: {  	s21 =	sor.u32 $0x3420, s5;
	[tilespmem:s20+$0x4000] =	vst v29  }
0xf2: {  	s22 =	sor.u32 $0x3430, s5;
	[tilespmem:s21+$0x4000] =	vst v29  }
0xf3: {  	s23 =	sor.u32 $0x3440, s5;
	[tilespmem:s22+$0x4000] =	vst v29  }
0xf4: {  	s24 =	sor.u32 $0x3450, s5;
	[tilespmem:s23+$0x4000] =	vst v29  }
0xf5: {  	v30 =	vld.idx.msk [tilespmem:v19+s11+$0x14000], $0xffff;
	s25 =	sor.u32 $0x3460, s5;
	[tilespmem:s24+$0x4000] =	vst v29  }
0xf6: {  	s26 =	sor.u32 $0x3470, s5;
	[tilespmem:s25+$0x4000] =	vst v29  }
0xf7: {  	[tilespmem:s26+$0x4000] =	vst v29  }
0xf8: {  	v29 =	vld.idx.msk [tilespmem:v26+s11+$0x14080], $0xffff;
	_ =	sdelay $0x1  }
0xf9: {  	[tilespmem:s4+$0x1C00] =	vst v30  }
0xfa: {  	[tilespmem:s4+$0x1C10] =	vst v30  }
0xfb: {  	[tilespmem:s4+$0x1C20] =	vst v30;
	s30 =	sor.u32 $0x3800, s5;
	s14 =	simm.s32 $0x100  }
0xfc: {  	s10 =	sor.u32 $0x3810, s5;
	v28 =	vld.idx.msk [tilespmem:v27+s14+$0x80 ss:$0x1], $0xffff;
	[tilespmem:s30+$0x4000] =	vst v29  }
0xfd: {  	s12 =	sor.u32 $0x3820, s5;
	[tilespmem:s10+$0x4000] =	vst v29  }
0xfe: {  	s13 =	sor.u32 $0x3830, s5;
	[tilespmem:s12+$0x4000] =	vst v29  }
0xff: {  	s15 =	sor.u32 $0x3840, s5;
	[tilespmem:s13+$0x4000] =	vst v29  }
0x100: {  	s16 =	sor.u32 $0x3850, s5;
	[tilespmem:s15+$0x4000] =	vst v29  }
0x101: {  	s17 =	sor.u32 $0x3860, s5;
	(xrf0) =	vmax.scan.msk.f32 $0xffff, v28;
	[tilespmem:s16+$0x4000] =	vst v29  }
0x102: {  	s18 =	sor.u32 $0x3870, s5;
	[tilespmem:s17+$0x4000] =	vst v29  }
0x103: {  	[tilespmem:s18+$0x4000] =	vst v29  }
0x104: {  	[tilespmem:s4+$0x1C30] =	vst v30;
	v29 =	vld.idx.msk [tilespmem:v10+s11+$0x14080], $0xffff  }
0x105: {  	[tilespmem:s4+$0x1C40] =	vst v30  }
0x106: {  	[tilespmem:s4+$0x1C50] =	vst v30;
	v31 =	vld.idx.msk [tilespmem:v27+s14+$0x0 ss:$0x1], $0xffff  }
0x107: {  	[tilespmem:s4+$0x1C60] =	vst v30;
	v48, _, _ =	vpop (xrf0)  }
0x108: {  	s19 =	sor.u32 $0x3C00, s5;
	[tilespmem:s14+$0x14080] =	vst v48  }
0x109: {  	s20 =	sor.u32 $0x3C10, s5;
	[tilespmem:s19+$0x4000] =	vst v29  }
0x10a: {  	s21 =	sor.u32 $0x3C20, s5;
	[tilespmem:s20+$0x4000] =	vst v29  }
0x10b: {  	(xrf0) =	vmax.scan.msk.f32 $0xffff, v31;
	s22 =	sor.u32 $0x3C30, s5;
	[tilespmem:s21+$0x4000] =	vst v29  }
0x10c: {  	s23 =	sor.u32 $0x3C40, s5;
	[tilespmem:s22+$0x4000] =	vst v29  }
0x10d: {  	s24 =	sor.u32 $0x3C50, s5;
	[tilespmem:s23+$0x4000] =	vst v29  }
0x10e: {  	v50 =	vld.idx.msk [tilespmem:v10+s14+$0x14080], $0xffff;
	s25 =	sor.u32 $0x3C60, s5;
	[tilespmem:s24+$0x4000] =	vst v29  }
0x10f: {  	s5 =	sor.u32 $0x3C70, s5;
	[tilespmem:s25+$0x4000] =	vst v29  }
0x110: {  	[tilespmem:s5+$0x4000] =	vst v29  }
0x111: {  	v49, _, _ =	vpop (xrf0);
	s7 =	rddreg [dreg:$0x3];
	[tilespmem:s4+$0x1C70] =	vst v30  }
0x112: {  	[tilespmem:s14+$0x14000] =	vst v49;
	v51 =	vld.idx.msk [tilespmem:v20+s11+$0x14000], $0xffff  }
0x113: {  	v29 =	vld.idx.msk [tilespmem:v10+s14+$0x14000], $0xffff;
	v30 =	vsub.f32 v28, v50;
	_ =	sdelay $0x1  }
0x114: {  	v30 =	vmul.f32 $1.442695020e+00, v30;
	_ =	sdelay $0x1  }
0x115: {  	(erf) = vpow2.f32 v30;
	[tilespmem:s4+$0x2000] =	vst v51  }
0x116: {  	v29 =	vsub.f32 v31, v29;
	[tilespmem:s4+$0x2010] =	vst v51  }
0x117: {  	[tilespmem:s4+$0x2020] =	vst v51  }
0x118: {  	v29 =	vmul.f32 $1.442695020e+00, v29;
	[tilespmem:s4+$0x2030] =	vst v51  }
0x119: {  	[tilespmem:s4+$0x2040] =	vst v51  }
0x11a: {  	[tilespmem:s4+$0x2050] =	vst v51;
	(erf) = vpow2.f32 v29  }
0x11b: {  	[tilespmem:s4+$0x2060] =	vst v51  }
0x11c: {  	[tilespmem:s4+$0x2070] =	vst v51  }
0x11d: {  	v30 =	vld.idx.msk [tilespmem:v21+s11+$0x14000], $0xffff  }
0x11e: {  	v29 =	vpop (erf)  }
0x11f: {  	(xrf2) =	vadd.scan.msk.f32 $0xffff, v29;
	_ =	sdelay $0x2  }
0x120: {  	[tilespmem:s4+$0x2400] =	vst v30  }
0x121: {  	s26 =	sadd.s32 $0x0, s8;
	[tilespmem:s4+$0x2410] =	vst v30;
	v52 =	vpop (erf)  }
0x122: {  	s15 =	sadd.s32 $0x3, s26;
	[tilespmem:s4+$0x2420] =	vst v30;
	(xrf2) =	vadd.scan.msk.f32 $0xffff, v52  }
0x123: {  	v53 =	vmov s15;
	s5 =	sadd.s32 $0x2, s26;
	[tilespmem:s4+$0x2430] =	vst v30  }
0x124: {  	vm0 =	vgt.s32 v53, v11;
	v54 =	vmov s5;
	v56 =	vld.idx.msk [tilespmem:v1+s11+$0x14080], $0xffff;
	[tilespmem:s4+$0x2440] =	vst v30  }
0x125: {  	vm0 =	vmand vm0, vm2;
	vm1 =	vgt.s32 v54, v11;
	[tilespmem:s4+$0x2450] =	vst v30  }
0x126: {  	v28 =	vnsel vm0, $0xFF800000, v28;
	vm1 =	vmand vm1, vm2;
	[tilespmem:s4+$0x2460] =	vst v30  }
0x127: {  	(xrf1) =	vsort.dscd.msk.f32 $0xffff, v28, v0;
	v31 =	vnsel vm1, $0xFF800000, v31;
	[tilespmem:s4+$0x2470] =	vst v30;
	v55, _, _ =	vpop (xrf2)  }
0x128: {  	vm0 =	vgt.u32 v9, s0;
	s7 =	sadd.s32 s6, s7;
	(xrf1) =	vsort.dscd.msk.f32 $0xffff, v31, v0;
	v37 =	vld.idx.msk [tilespmem:v22+s11+$0x14000], $0xffff;
	[tilespmem:s14+$0x14080] =	vst v55  }
0x129: {  	s2 =	sadd.s32 s2, s7;
	vm1 =	vgt.u32 v2, s0;
	v38 =	vsel vm0, $0xFF800000, v56;
	v35 =	vld.idx.msk [tilespmem:v10+s14+$0x14080], $0xffff  }
0x12a: {  	vm2 =	vgt.u32 v5, s0;
	v39 =	vsel vm1, $0xFF800000, v56;
	[tilespmem:s2+$0x70] =	vst v38  }
0x12b: {  	v62 =	vsel vm2, $0xFF800000, v56;
	[tilespmem:s2+$0x0] =	vst v39  }
0x12c: {  	[tilespmem:s2+$0x30] =	vst v62;
	v30, _, _ =	vpop (xrf2)  }
0x12d: {  	[tilespmem:s14+$0x14000] =	vst v30  }
0x12e: {  	[tilespmem:s4+$0x2800] =	vst v37;
	v30 =	vld.idx.msk [tilespmem:v10+s14+$0x14000], $0xffff;
	(erf) = vrcp.f32 v35  }
0x12f: {  	[tilespmem:s4+$0x2810] =	vst v37  }
0x130: {  	[tilespmem:s4+$0x2820] =	vst v37  }
0x131: {  	[tilespmem:s4+$0x2830] =	vst v37  }
0x132: {  	[tilespmem:s4+$0x2840] =	vst v37  }
0x133: {  	[tilespmem:s4+$0x2850] =	vst v37;
	(erf) = vrcp.f32 v30  }
0x134: {  	[tilespmem:s4+$0x2860] =	vst v37  }
0x135: {  	[tilespmem:s4+$0x2870] =	vst v37;
	v30, _, _ =	vpop (xrf1)  }
0x136: {  	vm0 =	vgt.u32 v3, s0;
	v60 =	vld.idx.msk [tilespmem:v23+s11+$0x14000], $0xffff;
	[tilespmem:s14+$0x14080] =	vst v30;
	v30, _, _ =	vpop (xrf1)  }
0x137: {  	vm1 =	vgt.u32 v4, s0;
	v57 =	vsel vm0, $0xFF800000, v56;
	[tilespmem:s14+$0x14000] =	vst v30;
	v30 =	vld.idx.msk [tilespmem:v12+s14+$0x14080], $0xffff;
	v35 =	vpop (erf)  }
0x138: {  	vm0 =	vgt.u32 v6, s0;
	v59 =	vsel vm1, $0xFF800000, v56;
	[tilespmem:s2+$0x10] =	vst v57;
	v29 =	vmul.f32 v35, v29  }
0x139: {  	[tilespmem:s2+$0x20] =	vst v59;
	v63 =	vsel vm0, $0xFF800000, v56  }
0x13a: {  	[tilespmem:s2+$0x40] =	vst v63;
	v29 =	vsub.f32 $1.000000000e+00, v29  }
0x13b: {  	[tilespmem:s4+$0x2C00] =	vst v60  }
0x13c: {  	[tilespmem:s4+$0x2C10] =	vst v60;
	v58 =	vld.idx.msk [tilespmem:v12+s14+$0x14000], $0xffff;
	vm0 =	vge.f32 v28, v30;
	v61 =	vpop (erf);
	v29 =	vmul.f32 $-8.000000000e+00, v29  }
0x13d: {  	[tilespmem:s4+$0x2C20] =	vst v60;
	vm0 =	vmor vm0, vm3;
	v32 =	vmul.f32 v61, v52  }
0x13e: {  	[tilespmem:s4+$0x2C30] =	vst v60;
	v29 =	vsel vm0, $0x0, v29;
	vm0 =	vgt.s32 v53, v13  }
0x13f: {  	vm1 =	vgt.u32 v7, s0;
	[tilespmem:s4+$0x2C40] =	vst v60;
	v30 =	vsub.f32 $1.000000000e+00, v32;
	v29 =	vnsel vm0, $0xFF800000, v29  }
0x140: {  	v28 =	vsel vm1, $0xFF800000, v56;
	[tilespmem:s14+$0x14080] =	vst v29  }
0x141: {  	[tilespmem:s2+$0x50] =	vst v28;
	vm1 =	vge.f32 v31, v58;
	v28 =	vmul.f32 $-8.000000000e+00, v30;
	v29 =	vld.msk [tilespmem:s14+$0x14080], $0xffff  }
0x142: {  	s17 =	simm.s32 $0x1000;
	[tilespmem:s4+$0x2C50] =	vst v60;
	vm0 =	vmor vm1, vm3  }
0x143: {  	s18 =	simm.s32 $0x180;
	s19 =	sand.u32 $0xC000, s17;
	[tilespmem:s4+$0x2C60] =	vst v60;
	vm1 =	vgt.s32 v54, v13;
	v28 =	vsel vm0, $0x0, v28  }
0x144: {  	s13 =	sand.u32 $0x380, s18;
	s30 =	sadd.s32 $0x4000, s19;
	[tilespmem:s4+$0x2C70] =	vst v60;
	v28 =	vnsel vm1, $0xFF800000, v28  }
0x145: {  	s6 =	sor.u32 s13, s30;
	[tilespmem:s14+$0x14000] =	vst v28  }
0x146: {  	[tilespmem:s6+$0x0] =	vst v29  }
0x147: {  	[tilespmem:s6+$0x10] =	vst v29  }
0x148: {  	[tilespmem:s6+$0x20] =	vst v29  }
0x149: {  	v28 =	vld.msk [tilespmem:s14+$0x14000], $0xffff;
	[tilespmem:s6+$0x30] =	vst v29  }
0x14a: {  	[tilespmem:s6+$0x40] =	vst v29  }
0x14b: {  	s10 =	simm.s32 $0x100;
	[tilespmem:s6+$0x50] =	vst v29  }
0x14c: {  	s12 =	sand.u32 $0x300, s10;
	[tilespmem:s6+$0x60] =	vst v29  }
0x14d: {  	s16 =	sor.u32 s12, s30;
	[tilespmem:s6+$0x70] =	vst v29  }
0x14e: {  	[tilespmem:s16+$0x0] =	vst v28  }
0x14f: {  	[tilespmem:s16+$0x10] =	vst v28  }
0x150: {  	[tilespmem:s16+$0x20] =	vst v28  }
0x151: {  	[tilespmem:s16+$0x30] =	vst v28  }
0x152: {  	v29 =	vld.idx.msk [tilespmem:v14+s14+$0x14080], $0xffff;
	[tilespmem:s16+$0x40] =	vst v28  }
0x153: {  	[tilespmem:s16+$0x50] =	vst v28  }
0x154: {  	vm0 =	vgt.u32 v8, s0;
	[tilespmem:s16+$0x60] =	vst v28  }
0x155: {  	[tilespmem:s16+$0x70] =	vst v28;
	v28 =	vsel vm0, $0xFF800000, v56  }
0x156: {  	[tilespmem:s2+$0x60] =	vst v28  }
0x157: {  	[tilespmem:s6+$0x400] =	vst v29  }
0x158: {  	[tilespmem:s6+$0x410] =	vst v29  }
0x159: {  	[tilespmem:s6+$0x420] =	vst v29  }
0x15a: {  	[tilespmem:s6+$0x430] =	vst v29  }
0x15b: {  	v30 =	vld.idx.msk [tilespmem:v24+s11+$0x14000], $0xffff;
	[tilespmem:s6+$0x440] =	vst v29  }
0x15c: {  	s3 =	sand.u32 $0x3, s3;
	[tilespmem:s6+$0x450] =	vst v29  }
0x15d: {  	s0 =	sshll.u32 s3, $0x8;
	[tilespmem:s6+$0x460] =	vst v29  }
0x15e: {  	v28 =	vld.idx.msk [tilespmem:v14+s14+$0x14000], $0xffff;
	s2 =	sadd.s32 $0x0, s0;
	[tilespmem:s6+$0x470] =	vst v29  }
0x15f: {  	s0 =	sor.u32 $0x3000, s2;
	v29 =	vld.idx.msk [tilespmem:v12+s14+$0x14080], $0xffff  }
0x160: {  	s4 =	sor.u32 $0x3010, s2;
	[tilespmem:s0+$0x4000] =	vst v30  }
0x161: {  	s8 =	sor.u32 $0x3020, s2;
	[tilespmem:s4+$0x4000] =	vst v30  }
0x162: {  	[tilespmem:s8+$0x4000] =	vst v30  }
0x163: {  	[tilespmem:s16+$0x400] =	vst v28  }
0x164: {  	[tilespmem:s6+$0x800] =	vst v29  }
0x165: {  	[tilespmem:s6+$0x810] =	vst v29  }
0x166: {  	[tilespmem:s6+$0x820] =	vst v29  }
0x167: {  	[tilespmem:s6+$0x830] =	vst v29  }
0x168: {  	[tilespmem:s6+$0x840] =	vst v29  }
0x169: {  	[tilespmem:s6+$0x850] =	vst v29  }
0x16a: {  	[tilespmem:s6+$0x860] =	vst v29  }
0x16b: {  	[tilespmem:s6+$0x870] =	vst v29  }
0x16c: {  	[tilespmem:s16+$0x410] =	vst v28;
	v29 =	vld.idx.msk [tilespmem:v15+s14+$0x14080], $0xffff  }
0x16d: {  	[tilespmem:s16+$0x420] =	vst v28  }
0x16e: {  	[tilespmem:s16+$0x430] =	vst v28  }
0x16f: {  	[tilespmem:s16+$0x440] =	vst v28  }
0x170: {  	[tilespmem:s16+$0x450] =	vst v28  }
0x171: {  	[tilespmem:s6+$0xC00] =	vst v29  }
0x172: {  	[tilespmem:s6+$0xC10] =	vst v29  }
0x173: {  	[tilespmem:s6+$0xC20] =	vst v29  }
0x174: {  	[tilespmem:s6+$0xC30] =	vst v29  }
0x175: {  	[tilespmem:s6+$0xC40] =	vst v29  }
0x176: {  	[tilespmem:s6+$0xC50] =	vst v29  }
0x177: {  	[tilespmem:s6+$0xC60] =	vst v29  }
0x178: {  	[tilespmem:s6+$0xC70] =	vst v29  }
0x179: {  	[tilespmem:s16+$0x460] =	vst v28;
	v29 =	vld.idx.msk [tilespmem:v16+s14+$0x14080], $0xffff  }
0x17a: {  	s10 =	sor.u32 $0x3030, s2;
	[tilespmem:s16+$0x470] =	vst v28  }
0x17b: {  	s20 =	sor.u32 $0x3040, s2;
	[tilespmem:s10+$0x4000] =	vst v30  }
0x17c: {  	s21 =	sor.u32 $0x3050, s2;
	[tilespmem:s20+$0x4000] =	vst v30  }
0x17d: {  	[tilespmem:s21+$0x4000] =	vst v30  }
0x17e: {  	[tilespmem:s6+$0x1000] =	vst v29  }
0x17f: {  	[tilespmem:s6+$0x1010] =	vst v29  }
0x180: {  	[tilespmem:s6+$0x1020] =	vst v29  }
0x181: {  	[tilespmem:s6+$0x1030] =	vst v29  }
0x182: {  	[tilespmem:s6+$0x1040] =	vst v29  }
0x183: {  	v28 =	vld.idx.msk [tilespmem:v12+s14+$0x14000], $0xffff;
	[tilespmem:s6+$0x1050] =	vst v29  }
0x184: {  	[tilespmem:s6+$0x1060] =	vst v29  }
0x185: {  	s22 =	sor.u32 $0x3060, s2;
	[tilespmem:s6+$0x1070] =	vst v29  }
0x186: {  	s23 =	sor.u32 $0x3070, s2;
	[tilespmem:s22+$0x4000] =	vst v30;
	v29 =	vld.idx.msk [tilespmem:v17+s14+$0x14080], $0xffff  }
0x187: {  	[tilespmem:s23+$0x4000] =	vst v30  }
0x188: {  	[tilespmem:s16+$0x800] =	vst v28  }
0x189: {  	[tilespmem:s16+$0x810] =	vst v28  }
0x18a: {  	[tilespmem:s16+$0x820] =	vst v28  }
0x18b: {  	[tilespmem:s6+$0x1400] =	vst v29  }
0x18c: {  	[tilespmem:s6+$0x1410] =	vst v29  }
0x18d: {  	[tilespmem:s6+$0x1420] =	vst v29  }
0x18e: {  	[tilespmem:s6+$0x1430] =	vst v29  }
0x18f: {  	[tilespmem:s6+$0x1440] =	vst v29  }
0x190: {  	[tilespmem:s6+$0x1450] =	vst v29  }
0x191: {  	[tilespmem:s6+$0x1460] =	vst v29  }
0x192: {  	[tilespmem:s6+$0x1470] =	vst v29  }
0x193: {  	[tilespmem:s16+$0x830] =	vst v28;
	v29 =	vld.idx.msk [tilespmem:v18+s14+$0x14080], $0xffff  }
0x194: {  	[tilespmem:s16+$0x840] =	vst v28  }
0x195: {  	[tilespmem:s16+$0x850] =	vst v28  }
0x196: {  	[tilespmem:s16+$0x860] =	vst v28  }
0x197: {  	[tilespmem:s16+$0x870] =	vst v28  }
0x198: {  	[tilespmem:s6+$0x1800] =	vst v29  }
0x199: {  	[tilespmem:s6+$0x1810] =	vst v29  }
0x19a: {  	[tilespmem:s6+$0x1820] =	vst v29  }
0x19b: {  	v30 =	vld.idx.msk [tilespmem:v25+s11+$0x14000], $0xffff;
	[tilespmem:s6+$0x1830] =	vst v29  }
0x19c: {  	[tilespmem:s6+$0x1840] =	vst v29  }
0x19d: {  	v28 =	vld.idx.msk [tilespmem:v15+s14+$0x14000], $0xffff;
	[tilespmem:s6+$0x1850] =	vst v29  }
0x19e: {  	[tilespmem:s6+$0x1860] =	vst v29  }
0x19f: {  	s24 =	sor.u32 $0x3400, s2;
	[tilespmem:s6+$0x1870] =	vst v29  }
0x1a0: {  	s25 =	sor.u32 $0x3410, s2;
	[tilespmem:s24+$0x4000] =	vst v30;
	v29 =	vld.idx.msk [tilespmem:v19+s14+$0x14080], $0xffff  }
0x1a1: {  	[tilespmem:s25+$0x4000] =	vst v30  }
0x1a2: {  	[tilespmem:s16+$0xC00] =	vst v28  }
0x1a3: {  	[tilespmem:s16+$0xC10] =	vst v28  }
0x1a4: {  	[tilespmem:s16+$0xC20] =	vst v28  }
0x1a5: {  	[tilespmem:s6+$0x1C00] =	vst v29  }
0x1a6: {  	[tilespmem:s6+$0x1C10] =	vst v29  }
0x1a7: {  	[tilespmem:s6+$0x1C20] =	vst v29  }
0x1a8: {  	[tilespmem:s6+$0x1C30] =	vst v29  }
0x1a9: {  	[tilespmem:s6+$0x1C40] =	vst v29  }
0x1aa: {  	[tilespmem:s6+$0x1C50] =	vst v29  }
0x1ab: {  	[tilespmem:s6+$0x1C60] =	vst v29  }
0x1ac: {  	[tilespmem:s6+$0x1C70] =	vst v29  }
0x1ad: {  	[tilespmem:s16+$0xC30] =	vst v28;
	v29 =	vld.idx.msk [tilespmem:v20+s14+$0x14080], $0xffff  }
0x1ae: {  	[tilespmem:s16+$0xC40] =	vst v28  }
0x1af: {  	[tilespmem:s16+$0xC50] =	vst v28  }
0x1b0: {  	[tilespmem:s16+$0xC60] =	vst v28  }
0x1b1: {  	[tilespmem:s16+$0xC70] =	vst v28  }
0x1b2: {  	[tilespmem:s6+$0x2000] =	vst v29  }
0x1b3: {  	[tilespmem:s6+$0x2010] =	vst v29  }
0x1b4: {  	[tilespmem:s6+$0x2020] =	vst v29  }
0x1b5: {  	[tilespmem:s6+$0x2030] =	vst v29  }
0x1b6: {  	[tilespmem:s6+$0x2040] =	vst v29  }
0x1b7: {  	v28 =	vld.idx.msk [tilespmem:v16+s14+$0x14000], $0xffff;
	[tilespmem:s6+$0x2050] =	vst v29  }
0x1b8: {  	[tilespmem:s6+$0x2060] =	vst v29  }
0x1b9: {  	s26 =	sor.u32 $0x3420, s2;
	[tilespmem:s6+$0x2070] =	vst v29  }
0x1ba: {  	s30 =	sor.u32 $0x3430, s2;
	[tilespmem:s26+$0x4000] =	vst v30;
	v29 =	vld.idx.msk [tilespmem:v21+s14+$0x14080], $0xffff  }
0x1bb: {  	[tilespmem:s30+$0x4000] =	vst v30  }
0x1bc: {  	[tilespmem:s16+$0x1000] =	vst v28  }
0x1bd: {  	[tilespmem:s16+$0x1010] =	vst v28  }
0x1be: {  	[tilespmem:s16+$0x1020] =	vst v28  }
0x1bf: {  	[tilespmem:s6+$0x2400] =	vst v29  }
0x1c0: {  	[tilespmem:s6+$0x2410] =	vst v29  }
0x1c1: {  	[tilespmem:s6+$0x2420] =	vst v29  }
0x1c2: {  	[tilespmem:s6+$0x2430] =	vst v29  }
0x1c3: {  	[tilespmem:s6+$0x2440] =	vst v29  }
0x1c4: {  	[tilespmem:s6+$0x2450] =	vst v29  }
0x1c5: {  	[tilespmem:s6+$0x2460] =	vst v29  }
0x1c6: {  	[tilespmem:s6+$0x2470] =	vst v29  }
0x1c7: {  	[tilespmem:s16+$0x1030] =	vst v28;
	v29 =	vld.idx.msk [tilespmem:v22+s14+$0x14080], $0xffff  }
0x1c8: {  	[tilespmem:s16+$0x1040] =	vst v28  }
0x1c9: {  	[tilespmem:s16+$0x1050] =	vst v28  }
0x1ca: {  	[tilespmem:s16+$0x1060] =	vst v28  }
0x1cb: {  	[tilespmem:s16+$0x1070] =	vst v28  }
0x1cc: {  	[tilespmem:s6+$0x2800] =	vst v29  }
0x1cd: {  	[tilespmem:s6+$0x2810] =	vst v29  }
0x1ce: {  	[tilespmem:s6+$0x2820] =	vst v29  }
0x1cf: {  	[tilespmem:s6+$0x2830] =	vst v29  }
0x1d0: {  	[tilespmem:s6+$0x2840] =	vst v29  }
0x1d1: {  	[tilespmem:s6+$0x2850] =	vst v29  }
0x1d2: {  	[tilespmem:s6+$0x2860] =	vst v29  }
0x1d3: {  	s4 =	sor.u32 $0x3440, s2;
	[tilespmem:s6+$0x2870] =	vst v29;
	v29 =	vld.idx.msk [tilespmem:v17+s14+$0x14000], $0xffff  }
0x1d4: {  	s8 =	sor.u32 $0x3450, s2;
	[tilespmem:s4+$0x4000] =	vst v30  }
0x1d5: {  	s10 =	sor.u32 $0x3460, s2;
	[tilespmem:s8+$0x4000] =	vst v30;
	v28 =	vld.idx.msk [tilespmem:v23+s14+$0x14080], $0xffff  }
0x1d6: {  	s20 =	sor.u32 $0x3470, s2;
	[tilespmem:s10+$0x4000] =	vst v30  }
0x1d7: {  	[tilespmem:s20+$0x4000] =	vst v30  }
0x1d8: {  	[tilespmem:s16+$0x1400] =	vst v29  }
0x1d9: {  	[tilespmem:s16+$0x1410] =	vst v29  }
0x1da: {  	[tilespmem:s6+$0x2C00] =	vst v28  }
0x1db: {  	[tilespmem:s6+$0x2C10] =	vst v28  }
0x1dc: {  	[tilespmem:s6+$0x2C20] =	vst v28  }
0x1dd: {  	[tilespmem:s6+$0x2C30] =	vst v28  }
0x1de: {  	[tilespmem:s6+$0x2C40] =	vst v28  }
0x1df: {  	[tilespmem:s6+$0x2C50] =	vst v28  }
0x1e0: {  	[tilespmem:s6+$0x2C60] =	vst v28  }
0x1e1: {  	[tilespmem:s6+$0x2C70] =	vst v28  }
0x1e2: {  	s0 =	simm.s32 $0x2;
	[tilespmem:s16+$0x1420] =	vst v29;
	v30 =	vld.idx.msk [tilespmem:v24+s14+$0x14080], $0xffff  }
0x1e3: {  	s21 =	sand.u32 $0x7, s0;
	[tilespmem:s16+$0x1430] =	vst v29  }
0x1e4: {  	s3 =	sshll.u32 s21, $0x7;
	[tilespmem:s16+$0x1440] =	vst v29  }
0x1e5: {  	[tilespmem:s16+$0x1450] =	vst v29;
	s6 =	sadd.s32 $0x1080, s3  }
0x1e6: {  	[tilespmem:s16+$0x1460] =	vst v29;
	s3 =	sor.u32 $0x3000, s6  }
0x1e7: {  	s22 =	sor.u32 $0x3010, s6;
	[tilespmem:s3+$0x4000] =	vst v30  }
0x1e8: {  	s23 =	sor.u32 $0x3020, s6;
	[tilespmem:s22+$0x4000] =	vst v30  }
0x1e9: {  	s24 =	sor.u32 $0x3030, s6;
	[tilespmem:s23+$0x4000] =	vst v30  }
0x1ea: {  	s25 =	sor.u32 $0x3040, s6;
	[tilespmem:s24+$0x4000] =	vst v30  }
0x1eb: {  	v28 =	vld.idx.msk [tilespmem:v26+s11+$0x14000], $0xffff;
	s26 =	sor.u32 $0x3050, s6;
	[tilespmem:s25+$0x4000] =	vst v30  }
0x1ec: {  	s30 =	sor.u32 $0x3060, s6;
	[tilespmem:s26+$0x4000] =	vst v30  }
0x1ed: {  	s4 =	sor.u32 $0x3070, s6;
	[tilespmem:s30+$0x4000] =	vst v30  }
0x1ee: {  	[tilespmem:s4+$0x4000] =	vst v30  }
0x1ef: {  	s8 =	sor.u32 $0x3800, s2;
	[tilespmem:s16+$0x1470] =	vst v29;
	v30 =	vld.idx.msk [tilespmem:v25+s14+$0x14080], $0xffff  }
0x1f0: {  	s10 =	sor.u32 $0x3810, s2;
	[tilespmem:s8+$0x4000] =	vst v28  }
0x1f1: {  	s20 =	sor.u32 $0x3820, s2;
	[tilespmem:s10+$0x4000] =	vst v28  }
0x1f2: {  	s21 =	sor.u32 $0x3830, s2;
	[tilespmem:s20+$0x4000] =	vst v28  }
0x1f3: {  	s22 =	sor.u32 $0x3400, s6;
	[tilespmem:s21+$0x4000] =	vst v28  }
0x1f4: {  	s23 =	sor.u32 $0x3410, s6;
	[tilespmem:s22+$0x4000] =	vst v30  }
0x1f5: {  	s24 =	sor.u32 $0x3420, s6;
	[tilespmem:s23+$0x4000] =	vst v30  }
0x1f6: {  	s25 =	sor.u32 $0x3430, s6;
	[tilespmem:s24+$0x4000] =	vst v30  }
0x1f7: {  	s8 =	simm.s32 $0x1;
	s26 =	sor.u32 $0x3440, s6;
	[tilespmem:s25+$0x4000] =	vst v30  }
0x1f8: {  	vm10 =	vgt.u32 v2, s1;
	vm5 =	vgt.u32 v3, s1;
	s30 =	sor.u32 $0x3450, s6;
	s22 =	sadd.s32 s9, s7;
	s7 =	sand.u32 $0x3, s8;
	[tilespmem:s26+$0x4000] =	vst v30  }
0x1f9: {  	vm11 =	vgt.u32 v4, s1;
	vm12 =	vgt.u32 v5, s1;
	vm7 =	vgt.u32 v6, s1;
	s9 =	sshll.u32 s7, $0x8;
	[tilespmem:s30+$0x4000] =	vst v30;
	s30 =	sor.u32 $0x3460, s6  }
0x1fa: {  	vm13 =	vgt.u32 v7, s1;
	vm14 =	vgt.u32 v8, s1;
	vm8 =	vgt.u32 v9, s1;
	s1 =	sadd.s32 $0x1000, s9;
	s9 =	sor.u32 $0x3C60, s2;
	[tilespmem:s30+$0x4000] =	vst v30  }
0x1fb: {  	v29 =	vld.idx.msk [tilespmem:v18+s14+$0x14000], $0xffff;
	s30 =	sor.u32 $0x3470, s6;
	[dreg:$0x11] =	wrdreg s9  }
0x1fc: {  	vm0 =	vgt.u32 v7, s5;
	[tilespmem:s30+$0x4000] =	vst v30;
	v30 =	vimm.s32 $0x0  }
0x1fd: {  	v30 =	vsel vm0, $0xFFFFFFFF, v30  }
0x1fe: {  	s9 =	sor.u32 $0x3000, s1;
	vm0 =	vgt.u32 v9, s5;
	[tilespmem:$0x1FFD0] =	vst v30;
	v30 =	vimm.s32 $0x0  }
0x1ff: {  	s30 =	sor.u32 $0x3010, s1;
	[dreg:$0x5] =	wrdreg s9;
	v30 =	vsel vm0, $0xFFFFFFFF, v30  }
0x200: {  	s4 =	sor.u32 $0x3840, s2;
	[dreg:$0x6] =	wrdreg s30;
	[tilespmem:$0x1FFE0] =	vst v30  }
0x201: {  	vm15 =	vgt.u32 v2, s5;
	vm9 =	vgt.u32 v3, s5;
	vm4 =	vgt.u32 v4, s5;
	[tilespmem:s4+$0x4000] =	vst v28;
	s4 =	sor.u32 $0x3020, s1  }
0x202: {  	vm6 =	vgt.u32 v5, s5;
	vm2 =	vgt.u32 v8, s5;
	vm3 =	vgt.u32 v6, s5;
	s5 =	sor.u32 $0x3030, s1;
	[dreg:$0x7] =	wrdreg s4  }
0x203: {  	s9 =	sor.u32 $0x3040, s1;
	[dreg:$0x8] =	wrdreg s5  }
0x204: {  	s10 =	sor.u32 $0x3850, s2;
	[dreg:$0x9] =	wrdreg s9  }
0x205: {  	s30 =	sor.u32 $0x3050, s1;
	[tilespmem:s10+$0x4000] =	vst v28  }
0x206: {  	s4 =	sor.u32 $0x3060, s1;
	[dreg:$0xb] =	wrdreg s30  }
0x207: {  	vm10 =	vmmov vm10;
	vm0 =	vmmov vm5;
	s5 =	sor.u32 $0x3070, s1;
	[dreg:$0xa] =	wrdreg s4  }
0x208: {  	vm5 =	vmmov vm8;
	vm8 =	vmmov vm10;
	v30 =	vimm.s32 $0x0;
	[smem:$0x7F7] =	sst s5  }
0x209: {  	v30 =	vsel vm8, $0xFFFFFFFF, v30;
	[tilespmem:s16+$0x1800] =	vst v29  }
0x20a: {  	vm8 =	vmmov vm15;
	[tilespmem:$0x1FF40] =	vst v30;
	v30 =	vimm.s32 $0x0  }
0x20b: {  	v30 =	vsel vm8, $0xFFFFFFFF, v30  }
0x20c: {  	vm8 =	vmmov vm0;
	vm0 =	vmmov vm9;
	[tilespmem:$0x1FF50] =	vst v30;
	v30 =	vimm.s32 $0x0  }
0x20d: {  	vm11 =	vmmov vm11;
	s9 =	sor.u32 $0x3430, s1;
	[tilespmem:s16+$0x1810] =	vst v29;
	v30 =	vsel vm0, $0xFFFFFFFF, v30  }
0x20e: {  	s30 =	sor.u32 $0x3440, s1;
	vm0 =	vmmov vm11;
	[dreg:$0xc] =	wrdreg s9;
	[tilespmem:$0x1FF60] =	vst v30;
	v30 =	vimm.s32 $0x0  }
0x20f: {  	[dreg:$0xd] =	wrdreg s30;
	s9 =	sor.u32 $0x3450, s1;
	v30 =	vsel vm0, $0xFFFFFFFF, v30  }
0x210: {  	[dreg:$0xe] =	wrdreg s9;
	vm0 =	vmmov vm4;
	[tilespmem:$0x1FF70] =	vst v30;
	v30 =	vimm.s32 $0x0  }
0x211: {  	vm12 =	vmmov vm12;
	[tilespmem:s16+$0x1820] =	vst v29;
	v30 =	vsel vm0, $0xFFFFFFFF, v30  }
0x212: {  	vm0 =	vmmov vm12;
	[tilespmem:$0x1FF80] =	vst v30;
	v30 =	vimm.s32 $0x0  }
0x213: {  	v30 =	vsel vm0, $0xFFFFFFFF, v30  }
0x214: {  	s30 =	sor.u32 $0x3460, s1;
	vm0 =	vmmov vm6;
	[tilespmem:$0x1FF90] =	vst v30;
	v30 =	vimm.s32 $0x0  }
0x215: {  	vm1 =	vmmov vm7;
	s9 =	sor.u32 $0x3470, s1;
	[dreg:$0x13] =	wrdreg s30;
	v30 =	vsel vm0, $0xFFFFFFFF, v30  }
0x216: {  	[dreg:$0x14] =	wrdreg s9;
	vm0 =	vmmov vm1;
	[tilespmem:$0x1FFA0] =	vst v30;
	v30 =	vimm.s32 $0x0  }
0x217: {  	s30 =	sor.u32 $0x3810, s1;
	[tilespmem:s16+$0x1830] =	vst v29;
	v30 =	vsel vm0, $0xFFFFFFFF, v30  }
0x218: {  	s9 =	sor.u32 $0x3820, s1;
	vm0 =	vmmov vm3;
	[dreg:$0x12] =	wrdreg s30;
	[tilespmem:$0x1FFB0] =	vst v30;
	v30 =	vimm.s32 $0x0  }
0x219: {  	[dreg:$0xf] =	wrdreg s9;
	s30 =	sor.u32 $0x3830, s1;
	v30 =	vsel vm0, $0xFFFFFFFF, v30  }
0x21a: {  	[dreg:$0x10] =	wrdreg s30;
	[tilespmem:$0x1FFC0] =	vst v30  }
0x21b: {  	s9 =	sor.u32 $0x3850, s1;
	[tilespmem:s16+$0x1840] =	vst v29  }
0x21c: {  	s30 =	sor.u32 $0x3860, s1;
	[dreg:$0x15] =	wrdreg s9  }
0x21d: {  	s28 =	sor.u32 $0x3870, s2;
	[dreg:$0x16] =	wrdreg s30;
	v30 =	vld [tilespmem:$0x1FFD0]  }
0x21e: {  	s3 =	sor.u32 $0x3860, s2;
	s20 =	sor.u32 $0x3C00, s2;
	s9 =	sor.u32 $0x3870, s1;
	[tilespmem:s16+$0x1850] =	vst v29  }
0x21f: {  	s21 =	sor.u32 $0x3C40, s2;
	s30 =	sor.u32 $0x3C00, s1;
	[smem:$0x7F8] =	sst s9  }
0x220: {  	s23 =	sor.u32 $0x3C30, s2;
	[dreg:$0x1e] =	wrdreg s30;
	s9 =	sor.u32 $0x3C10, s1  }
0x221: {  	s7 =	sor.u32 $0x3C70, s2;
	s24 =	sor.u32 $0x3C10, s2;
	[dreg:$0x1d] =	wrdreg s9  }
0x222: {  	s25 =	sor.u32 $0x3C20, s2;
	s31 =	sor.u32 $0x3800, s1;
	s30 =	sor.u32 $0x3C20, s1;
	vm0 =	vnez.u8 v30;
	v30 =	vld [tilespmem:$0x1FFE0];
	[tilespmem:s16+$0x1860] =	vst v29  }
0x223: {  	s29 =	sor.u32 $0x3840, s1;
	s9 =	sor.u32 $0x3C30, s1;
	[dreg:$0x1c] =	wrdreg s30  }
0x224: {  	s26 =	sor.u32 $0x3C50, s2;
	[dreg:$0x1b] =	wrdreg s9;
	s30 =	sor.u32 $0x3C40, s1  }
0x225: {  	vm13 =	vmmov vm13;
	vm2 =	vmmov vm2;
	s2 =	sor.u32 $0x3400, s1;
	s9 =	sor.u32 $0x3C50, s1;
	[dreg:$0x1a] =	wrdreg s30  }
0x226: {  	vm7 =	vmmov vm14;
	vm14 =	vmmov vm13;
	vm10 =	vgt.u32 v2, s15;
	s10 =	sor.u32 $0x3420, s1;
	[dreg:$0x19] =	wrdreg s9;
	s30 =	sor.u32 $0x3C60, s1  }
0x227: {  	s4 =	sor.u32 $0x3410, s1;
	vm9 =	vgt.u32 v7, s15;
	vm11 =	vgt.u32 v3, s15;
	vm4 =	vmmov vm7;
	s1 =	sor.u32 $0x3C70, s1;
	[dreg:$0x18] =	wrdreg s30  }
0x228: {  	vm7 =	vmmov vm5;
	vm5 =	vgt.u32 v8, s15;
	vm12 =	vgt.u32 v4, s15;
	[dreg:$0x17] =	wrdreg s1  }
0x229: {  	vm6 =	vmmov vm8;
	vm13 =	vmmov vm0;
	[tilespmem:s16+$0x1870] =	vst v29;
	vm0 =	vnez.u8 v30;
	v30 =	vld.idx.msk [tilespmem:v26+s14+$0x14080], $0xffff  }
0x22a: {  	s5 =	simm.s32 $0x800;
	vm8 =	vgt.u32 v6, s15;
	vm1 =	vgt.u32 v5, s15;
	s9 =	simm.s32 $0x2;
	[tilespmem:s3+$0x4000] =	vst v28;
	s3 =	simm.s32 $0x1080;
	v29 =	vld.idx.msk [tilespmem:v19+s14+$0x14000], $0xffff;
	vm3 =	vmmov vm0  }
.LBB2_3:
0x22b: {  	v31 =	vimm.s32 $0x0  }
0x22c: {  	v31 =	vsel vm13, $0xFFFFFFFF, v31  }
0x22d: {  	[tilespmem:$0x1FEC0] =	vst v31;
	v31 =	vimm.s32 $0x0  }
0x22e: {  	[dreg:$0x1f] =	wrdreg s2;
	s2 =	sshra.s32 s5, $0x2;
	[tilespmem:s28+$0x4000] =	vst v28;
	v31 =	vsel vm2, $0xFFFFFFFF, v31  }
0x22f: {  	v32 =	vld.idx.msk [tilespmem:v27+s2+$0x0 ss:$0x1], $0xffff;
	[tilespmem:$0x1FED0] =	vst v31;
	v31 =	vimm.s32 $0x0  }
0x230: {  	s28 =	sld [smem:$0x7F8];
	v35 =	vld.idx.msk [tilespmem:v10+s11+$0x14000], $0xffff;
	[tilespmem:s16+$0x1C00] =	vst v29;
	v31 =	vsel vm3, $0xFFFFFFFF, v31  }
0x231: {  	s1 =	sor.u32 $0x3800, s6;
	[tilespmem:$0x1FEF0] =	vst v31  }
0x232: {  	[smem:$0x7E4] =	sst s10;
	s30 =	sor.u32 $0x3810, s6;
	v31 =	vld.idx.msk [tilespmem:v27+s2+$0x80 ss:$0x1], $0xffff;
	[tilespmem:s1+$0x4000] =	vst v30  }
0x233: {  	[smem:$0x7E3] =	sst s4;
	s4 =	sor.u32 $0x3820, s6;
	s10 =	smov.u32 s28;
	[tilespmem:s30+$0x4000] =	vst v30  }
0x234: {  	[smem:$0x7DC] =	sst s10;
	s10 =	sor.u32 $0x3830, s6;
	[tilespmem:s4+$0x4000] =	vst v30  }
0x235: {  	s30 =	sor.u32 $0x3840, s6;
	[tilespmem:s10+$0x4000] =	vst v30  }
0x236: {  	s4 =	sor.u32 $0x3850, s6;
	[tilespmem:s30+$0x4000] =	vst v30  }
0x237: {  	s10 =	sor.u32 $0x3860, s6;
	[tilespmem:s4+$0x4000] =	vst v30;
	(xrf0) =	vmax.scan.msk.f32 $0xffff, v31  }
0x238: {  	s30 =	sor.u32 $0x3870, s6;
	[tilespmem:s10+$0x4000] =	vst v30  }
0x239: {  	(xrf0) =	vmax.scan.msk.f32 $0xffff, v32;
	[tilespmem:s30+$0x4000] =	vst v30  }
0x23a: {  	[tilespmem:s16+$0x1C10] =	vst v29;
	v28 =	vld.idx.msk [tilespmem:v10+s14+$0x14080], $0xffff  }
0x23b: {  	[tilespmem:s16+$0x1C20] =	vst v29  }
0x23c: {  	[tilespmem:s16+$0x1C30] =	vst v29  }
0x23d: {  	[tilespmem:s16+$0x1C40] =	vst v29;
	v30, _, _ =	vpop (xrf0)  }
0x23e: {  	s4 =	sor.u32 $0x3C00, s6;
	[tilespmem:s2+$0x14080] =	vst v30  }
0x23f: {  	v30, _, _ =	vpop (xrf0);
	[tilespmem:s4+$0x4000] =	vst v28  }
0x240: {  	s10 =	sor.u32 $0x3C10, s6;
	[tilespmem:s2+$0x14000] =	vst v30  }
0x241: {  	[tilespmem:s10+$0x4000] =	vst v28  }
0x242: {  	s30 =	sor.u32 $0x3C20, s6;
	v30 =	vld.idx.msk [tilespmem:v10+s2+$0x14000], $0xffff;
	[tilespmem:s16+$0x1C50] =	vst v29  }
0x243: {  	s4 =	sor.u32 $0x3C30, s6;
	[tilespmem:s30+$0x4000] =	vst v28  }
0x244: {  	s10 =	sor.u32 $0x3C40, s6;
	[tilespmem:s4+$0x4000] =	vst v28  }
0x245: {  	s30 =	sor.u32 $0x3C50, s6;
	[tilespmem:s10+$0x4000] =	vst v28  }
0x246: {  	s4 =	sor.u32 $0x3C60, s6;
	[tilespmem:s30+$0x4000] =	vst v28  }
0x247: {  	[tilespmem:s4+$0x4000] =	vst v28  }
0x248: {  	[tilespmem:s16+$0x1C60] =	vst v29;
	v33 =	vld.idx.msk [tilespmem:v10+s2+$0x14080], $0xffff  }
0x249: {  	[tilespmem:s16+$0x1C70] =	vst v29  }
0x24a: {  	v34 =	vld.idx.msk [tilespmem:v20+s14+$0x14000], $0xffff;
	[tilespmem:s20+$0x4000] =	vst v35  }
0x24b: {  	[tilespmem:s24+$0x4000] =	vst v35  }
0x24c: {  	[tilespmem:s25+$0x4000] =	vst v35  }
0x24d: {  	[tilespmem:s23+$0x4000] =	vst v35;
	v29 =	vsub.f32 v31, v33  }
0x24e: {  	s10 =	sor.u32 $0x3C70, s6;
	[tilespmem:s21+$0x4000] =	vst v35  }
0x24f: {  	[tilespmem:s10+$0x4000] =	vst v28;
	v56 =	vmul.f32 $1.442695020e+00, v29  }
0x250: {  	[tilespmem:s16+$0x2000] =	vst v34  }
0x251: {  	[tilespmem:s16+$0x2010] =	vst v34;
	(erf) = vpow2.f32 v56  }
0x252: {  	[tilespmem:s16+$0x2020] =	vst v34  }
0x253: {  	[tilespmem:s16+$0x2030] =	vst v34  }
0x254: {  	v30 =	vsub.f32 v32, v30;
	[tilespmem:s16+$0x2040] =	vst v34  }
0x255: {  	[tilespmem:s16+$0x2050] =	vst v34  }
0x256: {  	s10 =	rddreg [dreg:$0x1e];
	[tilespmem:s16+$0x2060] =	vst v34;
	v40 =	vmul.f32 $1.442695020e+00, v30  }
0x257: {  	[tilespmem:s16+$0x2070] =	vst v34;
	s20 =	smov.u32 s10;
	s10 =	rddreg [dreg:$0x1d]  }
0x258: {  	vm0 =	vgt.u32 v9, s15;
	v57 =	vld.idx.msk [tilespmem:v21+s14+$0x14000], $0xffff;
	s15 =	smov.u32 s10;
	(erf) = vpow2.f32 v40  }
0x259: {  	[smem:$0x7DE] =	sst s15  }
0x25a: {  	[tilespmem:s26+$0x4000] =	vst v35;
	s15 =	rddreg [dreg:$0x11];
	v34 =	vpop (erf)  }
0x25b: {  	s30 =	rddreg [dreg:$0x3];
	v28 =	vld.idx.msk [tilespmem:v1+s14+$0x14080], $0xffff;
	[tilespmem:s15+$0x4000] =	vst v35;
	(xrf2) =	vadd.scan.msk.f32 $0xffff, v34  }
0x25c: {  	s25 =	rddreg [dreg:$0x1b];
	s30 =	sadd.s32 s19, s30;
	[tilespmem:s7+$0x4000] =	vst v35  }
0x25d: {  	s1 =	sadd.s32 s12, s30;
	[smem:$0x7DD] =	sst s20;
	v58 =	vld.idx.msk [tilespmem:v1+s11+$0x14000], $0xffff;
	[tilespmem:s16+$0x2400] =	vst v57  }
0x25e: {  	s20 =	sadd.s32 s13, s30;
	s30 =	smov.u32 s25;
	s25 =	rddreg [dreg:$0x4];
	[tilespmem:s16+$0x2410] =	vst v57  }
0x25f: {  	v60 =	vimm.s32 $0x0;
	s11 =	smov.u32 s14;
	s14 =	smov.u32 s2;
	s2 =	sadd.s32 s9, s25;
	[tilespmem:s16+$0x2420] =	vst v57  }
0x260: {  	vm2 =	vcmask $0x3F14;
	v36 =	vsel vm10, $0xFF800000, v28;
	v55 =	vsel vm0, $0xFF800000, v28;
	[tilespmem:s16+$0x2430] =	vst v57;
	s26 =	sadd.s32 $0x2, s2  }
0x261: {  	v37 =	vsel vm11, $0xFF800000, v28;
	v39 =	vsel vm1, $0xFF800000, v28;
	[tilespmem:s20+$0x70] =	vst v55;
	s15 =	sadd.s32 $0x3, s2;
	v59 =	vmov s26;
	v33 =	vpop (erf)  }
0x262: {  	[tilespmem:s20+$0x0] =	vst v36;
	v35 =	vmov s15;
	vm1 =	vgt.s32 v59, v13;
	(xrf2) =	vadd.scan.msk.f32 $0xffff, v33  }
0x263: {  	v38 =	vsel vm12, $0xFF800000, v28;
	[tilespmem:s20+$0x10] =	vst v37;
	v37 =	vsel vm1, $0xFFFFFFFF, v60;
	vm1 =	vgt.s32 v35, v11  }
0x264: {  	v45 =	vimm.s32 $0x0;
	[tilespmem:s20+$0x20] =	vst v38;
	vm0 =	vgt.s32 v59, v11;
	vm1 =	vmand vm1, vm2  }
0x265: {  	v48 =	vld [tilespmem:$0x1FF40];
	vm0 =	vmand vm0, vm2;
	[tilespmem:$0x1FF30] =	vst v37;
	vm2 =	vgt.u32 v8, s26;
	v37 =	vnsel vm1, $0xFF800000, v31;
	v31, _, _ =	vpop (xrf2)  }
0x266: {  	v51 =	vld [tilespmem:$0x1FF70];
	v44 =	vsel vm2, $0xFFFFFFFF, v45;
	vm2 =	vgt.u32 v9, s26;
	[tilespmem:s14+$0x14080] =	vst v31;
	v31 =	vimm.s32 $0x0  }
0x267: {  	v52 =	vld [tilespmem:$0x1FF90];
	[tilespmem:s16+$0x2440] =	vst v57;
	v31 =	vsel vm2, $0xFFFFFFFF, v31  }
0x268: {  	[tilespmem:$0x1FF00] =	vst v31;
	v31 =	vld.idx.msk [tilespmem:v10+s14+$0x14080], $0xffff  }
0x269: {  	v43 =	vimm.s32 $0x0;
	v53 =	vld [tilespmem:$0x1FFB0];
	[tilespmem:s16+$0x2450] =	vst v57;
	vm2 =	vgt.u32 v2, s15  }
0x26a: {  	v41 =	vimm.s32 $0x0;
	[tilespmem:s16+$0x2460] =	vst v57;
	v56 =	vld [tilespmem:$0x1FF50];
	v42 =	vsel vm2, $0xFFFFFFFF, v43;
	vm2 =	vgt.u32 v5, s15  }
0x26b: {  	[tilespmem:s16+$0x2470] =	vst v57;
	v57 =	vimm.s32 $0x0;
	v61 =	vsel vm2, $0xFFFFFFFF, v41;
	vm2 =	vnez.u8 v48  }
0x26c: {  	v63 =	vld.idx.msk [tilespmem:v22+s11+$0x14000], $0xffff;
	vm10 =	vgt.u32 v2, s26;
	v62, _, _ =	vpop (xrf2);
	v38 =	vsel vm2, $0xFF800000, v58;
	vm2 =	vnez.u8 v51  }
0x26d: {  	[tilespmem:s14+$0x14000] =	vst v62;
	v41 =	vsel vm2, $0xFF800000, v58;
	vm2 =	vnez.u8 v52;
	(erf) = vrcp.f32 v31;
	v31 =	vld [tilespmem:$0x1FF60]  }
0x26e: {  	v50 =	vsel vm6, $0xFF800000, v58;
	[tilespmem:$0x1FF10] =	vst v42;
	v42 =	vsel vm2, $0xFF800000, v58;
	vm2 =	vnez.u8 v53  }
0x26f: {  	v54 =	vsel vm14, $0xFF800000, v58;
	v49 =	vld.idx.msk [tilespmem:v10+s14+$0x14000], $0xffff;
	[tilespmem:s22+$0x0] =	vst v38;
	v38 =	vsel vm2, $0xFF800000, v58;
	vm2 =	vnez.u8 v56  }
0x270: {  	v55 =	vsel vm4, $0xFF800000, v58;
	v36 =	vsel vm7, $0xFF800000, v58;
	vm6 =	vmmov vm2  }
0x271: {  	[tilespmem:s22+$0x20] =	vst v41;
	v58 =	vimm.s32 $0x0;
	vm2 =	vmmov vm10;
	v41 =	vsel vm6, $0xFFFFFFFF, v57  }
0x272: {  	vm13 =	vgt.u32 v3, s26;
	[tilespmem:$0x1FF40] =	vst v41;
	v41 =	vsel vm2, $0xFFFFFFFF, v58;
	vm2 =	vnez.u8 v31  }
0x273: {  	v31 =	vimm.s32 $0x0;
	vm6 =	vmmov vm2;
	vm2 =	vmmov vm13  }
0x274: {  	v31 =	vsel vm2, $0xFFFFFFFF, v31  }
0x275: {  	[tilespmem:$0x1FF60] =	vst v31;
	v31 =	vld [tilespmem:$0x1FF80];
	_ =	sdelay $0x4  }
0x276: {  	vm2 =	vnez.u8 v31  }
0x277: {  	v31 =	vimm.s32 $0x0;
	vm10 =	vmmov vm2  }
0x278: {  	v32 =	vnsel vm0, $0xFF800000, v32;
	vm0 =	vgt.u32 v4, s26;
	v31 =	vsel vm10, $0xFFFFFFFF, v31  }
0x279: {  	vm2 =	vmmov vm0;
	[tilespmem:$0x1FF70] =	vst v31;
	v31 =	vimm.s32 $0x0  }
0x27a: {  	v31 =	vsel vm2, $0xFFFFFFFF, v31  }
0x27b: {  	[tilespmem:$0x1FF80] =	vst v31;
	v31 =	vld [tilespmem:$0x1FFA0];
	_ =	sdelay $0x4  }
0x27c: {  	vm0 =	vnez.u8 v31  }
0x27d: {  	v31 =	vimm.s32 $0x0;
	vm2 =	vmmov vm0  }
0x27e: {  	vm1 =	vgt.u32 v5, s26;
	v31 =	vsel vm2, $0xFFFFFFFF, v31  }
0x27f: {  	vm0 =	vmmov vm1;
	[tilespmem:$0x1FF90] =	vst v31;
	v31 =	vimm.s32 $0x0  }
0x280: {  	v31 =	vsel vm0, $0xFFFFFFFF, v31  }
0x281: {  	[tilespmem:$0x1FFA0] =	vst v31;
	v31 =	vld [tilespmem:$0x1FFC0];
	_ =	sdelay $0x4  }
0x282: {  	vm0 =	vnez.u8 v31  }
0x283: {  	v31 =	vimm.s32 $0x0;
	vm1 =	vmmov vm0  }
0x284: {  	vm3 =	vgt.u32 v6, s26;
	v31 =	vsel vm1, $0xFFFFFFFF, v31  }
0x285: {  	vm0 =	vmmov vm3;
	[tilespmem:$0x1FFB0] =	vst v31;
	v31 =	vimm.s32 $0x0  }
0x286: {  	v31 =	vsel vm0, $0xFFFFFFFF, v31  }
0x287: {  	[tilespmem:$0x1FFC0] =	vst v31;
	v31 =	vld [tilespmem:$0x1FEC0];
	_ =	sdelay $0x4  }
0x288: {  	vm0 =	vnez.u8 v31;
	v31 =	vld [tilespmem:$0x1FED0];
	_ =	sdelay $0x3  }
0x289: {  	[tilespmem:$0x1FEE0] =	vst v44  }
0x28a: {  	vm14 =	vmmov vm0;
	vm0 =	vnez.u8 v31;
	v31 =	vld [tilespmem:$0x1FEE0]  }
0x28b: {  	(xrf1) =	vsort.dscd.msk.f32 $0xffff, v37, v0  }
0x28c: {  	(xrf1) =	vsort.dscd.msk.f32 $0xffff, v32, v0;
	_ =	sdelay $0x2  }
0x28d: {  	vm4 =	vmmov vm0;
	vm0 =	vnez.u8 v31;
	v31 =	vld [tilespmem:$0x1FEF0]  }
0x28e: {  	[tilespmem:s20+$0x30] =	vst v39  }
0x28f: {  	[tilespmem:s22+$0x10] =	vst v50  }
0x290: {  	[tilespmem:$0x1FF20] =	vst v61  }
0x291: {  	[tilespmem:s22+$0x30] =	vst v42  }
0x292: {  	[tilespmem:s16+$0x2800] =	vst v63;
	vm2 =	vmmov vm0;
	vm0 =	vnez.u8 v31;
	v31 =	vld [tilespmem:$0x1FF00]  }
0x293: {  	[tilespmem:s16+$0x2810] =	vst v63;
	(erf) = vrcp.f32 v49  }
0x294: {  	[tilespmem:s16+$0x2820] =	vst v63  }
0x295: {  	[tilespmem:s16+$0x2830] =	vst v63  }
0x296: {  	[tilespmem:s16+$0x2840] =	vst v63  }
0x297: {  	[tilespmem:s16+$0x2850] =	vst v63;
	vm7 =	vmmov vm0;
	vm0 =	vnez.u8 v31;
	v31, _, _ =	vpop (xrf1)  }
0x298: {  	[tilespmem:s14+$0x14080] =	vst v31;
	v31, _, _ =	vpop (xrf1)  }
0x299: {  	v29 =	vsel vm8, $0xFF800000, v28;
	v62 =	vld [tilespmem:$0x1FFF0];
	[tilespmem:s14+$0x14000] =	vst v31  }
0x29a: {  	v59 =	vld.idx.msk [tilespmem:v12+s14+$0x14080], $0xffff;
	[tilespmem:s20+$0x40] =	vst v29  }
0x29b: {  	v31 =	vpop (erf);
	v60 =	vld.idx.msk [tilespmem:v12+s14+$0x14000], $0xffff;
	[tilespmem:s16+$0x2860] =	vst v63  }
0x29c: {  	v30 =	vsel vm9, $0xFF800000, v28;
	v29 =	vld [tilespmem:$0x1FF10];
	v34 =	vmul.f32 v31, v34;
	[tilespmem:s16+$0x2870] =	vst v63;
	v61 =	vpop (erf)  }
0x29d: {  	[tilespmem:s20+$0x50] =	vst v30;
	v31 =	vld.idx.msk [tilespmem:v23+s11+$0x14000], $0xffff;
	v33 =	vmul.f32 v61, v33  }
0x29e: {  	[tilespmem:s22+$0x40] =	vst v38;
	v34 =	vsub.f32 $1.000000000e+00, v34  }
0x29f: {  	vm10 =	vnez.u8 v62;
	vm3 =	vmmov vm0;
	v63 =	vld [tilespmem:$0x1FF30];
	[tilespmem:s22+$0x50] =	vst v54;
	v33 =	vsub.f32 $1.000000000e+00, v33  }
0x2a0: {  	[tilespmem:s22+$0x60] =	vst v55;
	v34 =	vmul.f32 $-8.000000000e+00, v34;
	vm0 =	vge.f32 v37, v59;
	vm1 =	vge.f32 v32, v60  }
0x2a1: {  	[tilespmem:s22+$0x70] =	vst v36;
	vm0 =	vmor vm0, vm10;
	v30 =	vmul.f32 $-8.000000000e+00, v33;
	vm1 =	vmor vm1, vm10  }
0x2a2: {  	vm10 =	vnez.u8 v29;
	v29 =	vsel vm0, $0x0, v34;
	vm0 =	vgt.s32 v35, v13;
	[tilespmem:s16+$0x2C00] =	vst v31  }
0x2a3: {  	[tilespmem:s16+$0x2C10] =	vst v31;
	v29 =	vnsel vm0, $0xFF800000, v29  }
0x2a4: {  	vm0 =	vnez.u8 v63;
	[tilespmem:s14+$0x14080] =	vst v29;
	v29 =	vsel vm1, $0x0, v30  }
0x2a5: {  	[tilespmem:s16+$0x2C20] =	vst v31;
	v29 =	vnsel vm0, $0xFF800000, v29  }
0x2a6: {  	s19 =	rddreg [dreg:$0x1c];
	[tilespmem:s14+$0x14000] =	vst v29  }
0x2a7: {  	s17 =	sadd.s32 $0x1000, s17;
	s12 =	rddreg [dreg:$0x19];
	v29 =	vld.msk [tilespmem:s14+$0x14000], $0xffff  }
0x2a8: {  	s18 =	sadd.s32 $0x100, s18;
	s24 =	smov.u32 s19;
	s19 =	rddreg [dreg:$0x18]  }
0x2a9: {  	s21 =	smov.u32 s19;
	s19 =	sand.u32 $0xC000, s17;
	s2 =	sadd.s32 $0xFFFFFF80, s18  }
0x2aa: {  	s13 =	smov.u32 s12;
	s4 =	sadd.s32 $0x4000, s19;
	s12 =	sand.u32 $0x300, s2;
	[tilespmem:s16+$0x2C30] =	vst v31  }
0x2ab: {  	s28 =	sor.u32 s12, s4;
	[tilespmem:s16+$0x2C40] =	vst v31  }
0x2ac: {  	[tilespmem:s28+$0x0] =	vst v29  }
0x2ad: {  	v30 =	vld [tilespmem:$0x1FF20];
	[tilespmem:s28+$0x10] =	vst v29  }
0x2ae: {  	[smem:$0x7EC] =	sst s31;
	[tilespmem:s28+$0x20] =	vst v29  }
0x2af: {  	[smem:$0x7F1] =	sst s29;
	[tilespmem:s28+$0x30] =	vst v29  }
0x2b0: {  	s6 =	rddreg [dreg:$0x1a];
	[tilespmem:s28+$0x40] =	vst v29  }
0x2b1: {  	s23 =	rddreg [dreg:$0x17];
	[tilespmem:s28+$0x50] =	vst v29  }
0x2b2: {  	[smem:$0x7DF] =	sst s24;
	vm1 =	vnez.u8 v30;
	v30 =	vld.msk [tilespmem:s14+$0x14080], $0xffff;
	[tilespmem:s28+$0x60] =	vst v29  }
0x2b3: {  	s8 =	sadd.s32 $0x1, s8;
	[smem:$0x7E1] =	sst s30;
	[tilespmem:s28+$0x70] =	vst v29  }
0x2b4: {  	[smem:$0x7E0] =	sst s13;
	s30 =	sand.u32 $0x3, s8;
	v29 =	vld.idx.msk [tilespmem:v14+s14+$0x14000], $0xffff;
	[tilespmem:s16+$0x2C50] =	vst v31  }
0x2b5: {  	s13 =	sand.u32 $0x380, s18;
	s22 =	smov.u32 s1;
	s1 =	sshll.u32 s30, $0x8;
	[tilespmem:s16+$0x2C60] =	vst v31  }
0x2b6: {  	s24 =	smov.u32 s23;
	s31 =	sor.u32 s13, s4;
	s29 =	sadd.s32 s1, s17;
	[tilespmem:s16+$0x2C70] =	vst v31  }
0x2b7: {  	s10 =	smov.u32 s6;
	[smem:$0x7E7] =	sst s24;
	s6 =	sor.u32 $0x3420, s29;
	[tilespmem:s31+$0x0] =	vst v30  }
0x2b8: {  	s2 =	sor.u32 $0x3860, s29;
	[smem:$0x7E5] =	sst s6;
	[tilespmem:s31+$0x10] =	vst v30  }
0x2b9: {  	s6 =	sor.u32 $0x3430, s29;
	[smem:$0x7F4] =	sst s2;
	[tilespmem:s31+$0x20] =	vst v30  }
0x2ba: {  	s2 =	sor.u32 $0x3870, s29;
	[smem:$0x7E6] =	sst s6;
	[tilespmem:s31+$0x30] =	vst v30  }
0x2bb: {  	s6 =	sor.u32 $0x3440, s29;
	[smem:$0x7F8] =	sst s2;
	[tilespmem:s31+$0x40] =	vst v30  }
0x2bc: {  	s2 =	sor.u32 $0x3C00, s29;
	[smem:$0x7E8] =	sst s6;
	[tilespmem:s31+$0x50] =	vst v30  }
0x2bd: {  	s6 =	sor.u32 $0x3450, s29;
	[dreg:$0x1e] =	wrdreg s2;
	[tilespmem:s31+$0x60] =	vst v30  }
0x2be: {  	s2 =	sor.u32 $0x3C10, s29;
	[smem:$0x7E9] =	sst s6;
	s16 =	smov.u32 s28;
	[tilespmem:s31+$0x70] =	vst v30  }
0x2bf: {  	[dreg:$0x1d] =	wrdreg s2;
	s2 =	sor.u32 $0x3C20, s29;
	v31 =	vld.idx.msk [tilespmem:v24+s11+$0x14000], $0xffff;
	[tilespmem:s16+$0x400] =	vst v29  }
0x2c0: {  	[dreg:$0x1c] =	wrdreg s2;
	s2 =	sor.u32 $0x3C30, s29;
	[tilespmem:s16+$0x410] =	vst v29  }
0x2c1: {  	[dreg:$0x1b] =	wrdreg s2;
	s2 =	sor.u32 $0x3C40, s29;
	[tilespmem:s16+$0x420] =	vst v29  }
0x2c2: {  	[dreg:$0x1a] =	wrdreg s2;
	s2 =	sor.u32 $0x3C50, s29;
	[tilespmem:s16+$0x430] =	vst v29  }
0x2c3: {  	[dreg:$0x19] =	wrdreg s2;
	s2 =	sor.u32 $0x3C60, s29;
	v30 =	vld.idx.msk [tilespmem:v14+s14+$0x14080], $0xffff;
	[tilespmem:s16+$0x440] =	vst v29  }
0x2c4: {  	[dreg:$0x18] =	wrdreg s2;
	s2 =	sor.u32 $0x3C70, s29;
	[tilespmem:s16+$0x450] =	vst v29  }
0x2c5: {  	[dreg:$0x17] =	wrdreg s2;
	[tilespmem:s16+$0x460] =	vst v29  }
0x2c6: {  	s6 =	sor.u32 $0x3460, s29;
	s2 =	rddreg [dreg:$0x5];
	[tilespmem:s16+$0x470] =	vst v29  }
0x2c7: {  	[smem:$0x7EA] =	sst s6;
	s6 =	sor.u32 $0x3470, s29;
	v29 =	vld.idx.msk [tilespmem:v12+s14+$0x14000], $0xffff;
	[tilespmem:s2+$0x4000] =	vst v31  }
0x2c8: {  	[smem:$0x7EB] =	sst s6;
	s6 =	sor.u32 $0x3800, s29;
	[tilespmem:s31+$0x400] =	vst v30  }
0x2c9: {  	[smem:$0x7ED] =	sst s6;
	s6 =	sor.u32 $0x3810, s29;
	[tilespmem:s31+$0x410] =	vst v30  }
0x2ca: {  	[smem:$0x7EE] =	sst s6;
	s6 =	sor.u32 $0x3820, s29;
	[tilespmem:s31+$0x420] =	vst v30  }
0x2cb: {  	[smem:$0x7EF] =	sst s6;
	s6 =	sor.u32 $0x3830, s29;
	[tilespmem:s31+$0x430] =	vst v30  }
0x2cc: {  	[smem:$0x7F0] =	sst s6;
	s6 =	sor.u32 $0x3840, s29;
	[tilespmem:s31+$0x440] =	vst v30  }
0x2cd: {  	s24 =	sor.u32 $0x3000, s29;
	[smem:$0x7F2] =	sst s6;
	s6 =	sor.u32 $0x3850, s29;
	[tilespmem:s31+$0x450] =	vst v30  }
0x2ce: {  	[smem:$0x7F3] =	sst s6;
	s2 =	smov.u32 s24;
	[tilespmem:s31+$0x460] =	vst v30  }
0x2cf: {  	v28 =	vsel vm5, $0xFF800000, v28;
	[tilespmem:s31+$0x470] =	vst v30;
	[dreg:$0x5] =	wrdreg s2  }
0x2d0: {  	s2 =	rddreg [dreg:$0x6];
	v30 =	vld.idx.msk [tilespmem:v12+s14+$0x14080], $0xffff;
	[tilespmem:s20+$0x60] =	vst v28  }
0x2d1: {  	s6 =	rddreg [dreg:$0x7];
	[tilespmem:s2+$0x4000] =	vst v31  }
0x2d2: {  	[tilespmem:s6+$0x4000] =	vst v31;
	s6 =	rddreg [dreg:$0x8]  }
0x2d3: {  	[tilespmem:s6+$0x4000] =	vst v31  }
0x2d4: {  	[tilespmem:s16+$0x800] =	vst v29  }
0x2d5: {  	[tilespmem:s16+$0x810] =	vst v29  }
0x2d6: {  	[tilespmem:s16+$0x820] =	vst v29  }
0x2d7: {  	[tilespmem:s16+$0x830] =	vst v29  }
0x2d8: {  	[tilespmem:s16+$0x840] =	vst v29  }
0x2d9: {  	[tilespmem:s16+$0x850] =	vst v29  }
0x2da: {  	[tilespmem:s31+$0x800] =	vst v30  }
0x2db: {  	[tilespmem:s31+$0x810] =	vst v30  }
0x2dc: {  	[tilespmem:s31+$0x820] =	vst v30  }
0x2dd: {  	[tilespmem:s31+$0x830] =	vst v30  }
0x2de: {  	[tilespmem:s31+$0x840] =	vst v30  }
0x2df: {  	[tilespmem:s31+$0x850] =	vst v30  }
0x2e0: {  	[tilespmem:s31+$0x860] =	vst v30  }
0x2e1: {  	[tilespmem:s31+$0x870] =	vst v30  }
0x2e2: {  	[tilespmem:s16+$0x860] =	vst v29;
	v28 =	vld.idx.msk [tilespmem:v15+s14+$0x14080], $0xffff  }
0x2e3: {  	s6 =	rddreg [dreg:$0x9];
	[tilespmem:s16+$0x870] =	vst v29  }
0x2e4: {  	v29 =	vld.idx.msk [tilespmem:v15+s14+$0x14000], $0xffff;
	[tilespmem:s6+$0x4000] =	vst v31;
	s6 =	rddreg [dreg:$0xb]  }
0x2e5: {  	[tilespmem:s6+$0x4000] =	vst v31;
	s6 =	rddreg [dreg:$0xa]  }
0x2e6: {  	[tilespmem:s6+$0x4000] =	vst v31  }
0x2e7: {  	[tilespmem:s31+$0xC00] =	vst v28  }
0x2e8: {  	[tilespmem:s31+$0xC10] =	vst v28  }
0x2e9: {  	[tilespmem:s31+$0xC20] =	vst v28  }
0x2ea: {  	[tilespmem:s31+$0xC30] =	vst v28  }
0x2eb: {  	[tilespmem:s31+$0xC40] =	vst v28  }
0x2ec: {  	[tilespmem:s31+$0xC50] =	vst v28  }
0x2ed: {  	s6 =	sld [smem:$0x7F7];
	[tilespmem:s31+$0xC60] =	vst v28  }
0x2ee: {  	[tilespmem:s31+$0xC70] =	vst v28  }
0x2ef: {  	v28 =	vld.idx.msk [tilespmem:v16+s14+$0x14080], $0xffff  }
0x2f0: {  	[tilespmem:s6+$0x4000] =	vst v31  }
0x2f1: {  	v30 =	vld.idx.msk [tilespmem:v25+s11+$0x14000], $0xffff;
	[tilespmem:s16+$0xC00] =	vst v29  }
0x2f2: {  	[tilespmem:s16+$0xC10] =	vst v29  }
0x2f3: {  	[tilespmem:s16+$0xC20] =	vst v29  }
0x2f4: {  	[tilespmem:s31+$0x1000] =	vst v28  }
0x2f5: {  	[tilespmem:s31+$0x1010] =	vst v28  }
0x2f6: {  	[tilespmem:s31+$0x1020] =	vst v28  }
0x2f7: {  	[tilespmem:s31+$0x1030] =	vst v28  }
0x2f8: {  	[tilespmem:s31+$0x1040] =	vst v28  }
0x2f9: {  	[tilespmem:s31+$0x1050] =	vst v28  }
0x2fa: {  	[tilespmem:s31+$0x1060] =	vst v28  }
0x2fb: {  	[tilespmem:s31+$0x1070] =	vst v28  }
0x2fc: {  	[tilespmem:s16+$0xC30] =	vst v29;
	v28 =	vld.idx.msk [tilespmem:v17+s14+$0x14080], $0xffff  }
0x2fd: {  	[tilespmem:s16+$0xC40] =	vst v29  }
0x2fe: {  	[tilespmem:s16+$0xC50] =	vst v29  }
0x2ff: {  	[tilespmem:s16+$0xC60] =	vst v29  }
0x300: {  	s1 =	sor.u32 $0x3010, s29;
	[tilespmem:s16+$0xC70] =	vst v29  }
0x301: {  	[dreg:$0x11] =	wrdreg s21;
	s25 =	sor.u32 $0x3020, s29;
	s2 =	smov.u32 s1;
	[tilespmem:s31+$0x1400] =	vst v28  }
0x302: {  	vm15 =	vgt.u32 v7, s26;
	s26 =	sor.u32 $0x3030, s29;
	[dreg:$0x6] =	wrdreg s2;
	s2 =	smov.u32 s25;
	[tilespmem:s31+$0x1410] =	vst v28  }
0x303: {  	s23 =	sor.u32 $0x3040, s29;
	[dreg:$0x7] =	wrdreg s2;
	s2 =	smov.u32 s26;
	[tilespmem:s31+$0x1420] =	vst v28  }
0x304: {  	s21 =	sor.u32 $0x3050, s29;
	[dreg:$0x8] =	wrdreg s2;
	s2 =	smov.u32 s23;
	[tilespmem:s31+$0x1430] =	vst v28  }
0x305: {  	s30 =	sor.u32 $0x3060, s29;
	[dreg:$0x9] =	wrdreg s2;
	s2 =	smov.u32 s21;
	[tilespmem:s31+$0x1440] =	vst v28  }
0x306: {  	[dreg:$0xb] =	wrdreg s2;
	s2 =	smov.u32 s30;
	[tilespmem:s31+$0x1450] =	vst v28  }
0x307: {  	[dreg:$0xa] =	wrdreg s2;
	[tilespmem:s31+$0x1460] =	vst v28  }
0x308: {  	s4 =	sor.u32 $0x3400, s29;
	s2 =	rddreg [dreg:$0x1f];
	v29 =	vld.idx.msk [tilespmem:v16+s14+$0x14000], $0xffff;
	[tilespmem:s31+$0x1470] =	vst v28  }
0x309: {  	[tilespmem:s2+$0x4000] =	vst v30;
	s2 =	smov.u32 s4;
	s4 =	sld [smem:$0x7E3];
	v28 =	vld.idx.msk [tilespmem:v18+s14+$0x14080], $0xffff  }
0x30a: {  	s6 =	sld [smem:$0x7E4];
	_ =	sdelay $0x1  }
0x30b: {  	[tilespmem:s4+$0x4000] =	vst v30  }
0x30c: {  	[tilespmem:s6+$0x4000] =	vst v30  }
0x30d: {  	[tilespmem:s31+$0x1800] =	vst v28  }
0x30e: {  	[tilespmem:s31+$0x1810] =	vst v28  }
0x30f: {  	[tilespmem:s31+$0x1820] =	vst v28  }
0x310: {  	[tilespmem:s31+$0x1830] =	vst v28  }
0x311: {  	[smem:$0x7E2] =	sst s10;
	s10 =	sor.u32 $0x3070, s29;
	[tilespmem:s31+$0x1840] =	vst v28  }
0x312: {  	s30 =	smov.u32 s10;
	[tilespmem:s31+$0x1850] =	vst v28  }
0x313: {  	[smem:$0x7F7] =	sst s30;
	[tilespmem:s31+$0x1860] =	vst v28  }
0x314: {  	s30 =	rddreg [dreg:$0xc];
	[tilespmem:s31+$0x1870] =	vst v28  }
0x315: {  	[tilespmem:s30+$0x4000] =	vst v30;
	v28 =	vld.idx.msk [tilespmem:v19+s14+$0x14080], $0xffff  }
0x316: {  	[tilespmem:s16+$0x1000] =	vst v29  }
0x317: {  	[tilespmem:s16+$0x1010] =	vst v29  }
0x318: {  	[tilespmem:s16+$0x1020] =	vst v29  }
0x319: {  	[tilespmem:s16+$0x1030] =	vst v29  }
0x31a: {  	[tilespmem:s31+$0x1C00] =	vst v28  }
0x31b: {  	[tilespmem:s31+$0x1C10] =	vst v28  }
0x31c: {  	[tilespmem:s31+$0x1C20] =	vst v28  }
0x31d: {  	[tilespmem:s31+$0x1C30] =	vst v28  }
0x31e: {  	[tilespmem:s31+$0x1C40] =	vst v28  }
0x31f: {  	[tilespmem:s31+$0x1C50] =	vst v28  }
0x320: {  	[tilespmem:s31+$0x1C60] =	vst v28  }
0x321: {  	[tilespmem:s31+$0x1C70] =	vst v28  }
0x322: {  	[tilespmem:s16+$0x1040] =	vst v29;
	v28 =	vld.idx.msk [tilespmem:v20+s14+$0x14080], $0xffff  }
0x323: {  	[tilespmem:s16+$0x1050] =	vst v29  }
0x324: {  	[tilespmem:s16+$0x1060] =	vst v29  }
0x325: {  	s30 =	rddreg [dreg:$0xd];
	[tilespmem:s16+$0x1070] =	vst v29  }
0x326: {  	s7 =	sor.u32 $0x3410, s29;
	s1 =	sld [smem:$0x7E6];
	v29 =	vld.idx.msk [tilespmem:v17+s14+$0x14000], $0xffff;
	[tilespmem:s30+$0x4000] =	vst v30  }
0x327: {  	s4 =	smov.u32 s7;
	s7 =	sld [smem:$0x7E5];
	[tilespmem:s31+$0x2000] =	vst v28  }
0x328: {  	[tilespmem:s31+$0x2010] =	vst v28  }
0x329: {  	[tilespmem:s31+$0x2020] =	vst v28  }
0x32a: {  	s10 =	smov.u32 s7;
	s7 =	smov.u32 s1;
	s1 =	sld [smem:$0x7E8];
	[tilespmem:s31+$0x2030] =	vst v28  }
0x32b: {  	[tilespmem:s31+$0x2040] =	vst v28  }
0x32c: {  	[tilespmem:s31+$0x2050] =	vst v28  }
0x32d: {  	s30 =	smov.u32 s1;
	s1 =	sld [smem:$0x7E9];
	[tilespmem:s31+$0x2060] =	vst v28  }
0x32e: {  	[dreg:$0xd] =	wrdreg s30;
	[tilespmem:s31+$0x2070] =	vst v28  }
0x32f: {  	s30 =	rddreg [dreg:$0xe];
	v28 =	vld.idx.msk [tilespmem:v21+s14+$0x14080], $0xffff  }
0x330: {  	[tilespmem:s30+$0x4000] =	vst v30;
	s30 =	smov.u32 s1  }
0x331: {  	[dreg:$0xe] =	wrdreg s30  }
0x332: {  	s30 =	rddreg [dreg:$0x13]  }
0x333: {  	[tilespmem:s30+$0x4000] =	vst v30  }
0x334: {  	[tilespmem:s31+$0x2400] =	vst v28  }
0x335: {  	[tilespmem:s31+$0x2410] =	vst v28  }
0x336: {  	s1 =	sld [smem:$0x7EA];
	[tilespmem:s31+$0x2420] =	vst v28  }
0x337: {  	[tilespmem:s31+$0x2430] =	vst v28  }
0x338: {  	[tilespmem:s31+$0x2440] =	vst v28  }
0x339: {  	s30 =	smov.u32 s1;
	[tilespmem:s31+$0x2450] =	vst v28  }
0x33a: {  	[dreg:$0x13] =	wrdreg s30;
	[tilespmem:s31+$0x2460] =	vst v28  }
0x33b: {  	s30 =	rddreg [dreg:$0x14];
	[tilespmem:s31+$0x2470] =	vst v28  }
0x33c: {  	[tilespmem:s30+$0x4000] =	vst v30;
	v31 =	vld.idx.msk [tilespmem:v22+s14+$0x14080], $0xffff  }
0x33d: {  	v28 =	vld.idx.msk [tilespmem:v26+s11+$0x14000], $0xffff;
	[tilespmem:s16+$0x1400] =	vst v29  }
0x33e: {  	[tilespmem:s16+$0x1410] =	vst v29  }
0x33f: {  	[tilespmem:s16+$0x1420] =	vst v29  }
0x340: {  	[tilespmem:s16+$0x1430] =	vst v29  }
0x341: {  	[tilespmem:s31+$0x2800] =	vst v31  }
0x342: {  	[tilespmem:s31+$0x2810] =	vst v31  }
0x343: {  	[tilespmem:s31+$0x2820] =	vst v31  }
0x344: {  	[tilespmem:s31+$0x2830] =	vst v31  }
0x345: {  	s1 =	sld [smem:$0x7EB];
	[tilespmem:s31+$0x2840] =	vst v31  }
0x346: {  	[tilespmem:s31+$0x2850] =	vst v31  }
0x347: {  	[tilespmem:s31+$0x2860] =	vst v31  }
0x348: {  	s30 =	smov.u32 s1;
	[tilespmem:s31+$0x2870] =	vst v31  }
0x349: {  	[dreg:$0x14] =	wrdreg s30;
	[tilespmem:s16+$0x1440] =	vst v29;
	v30 =	vld.idx.msk [tilespmem:v23+s14+$0x14080], $0xffff  }
0x34a: {  	s30 =	sld [smem:$0x7EC];
	[tilespmem:s16+$0x1450] =	vst v29  }
0x34b: {  	[tilespmem:s16+$0x1460] =	vst v29  }
0x34c: {  	[tilespmem:s16+$0x1470] =	vst v29  }
0x34d: {  	v29 =	vld.idx.msk [tilespmem:v18+s14+$0x14000], $0xffff;
	[tilespmem:s30+$0x4000] =	vst v28  }
0x34e: {  	[tilespmem:s31+$0x2C00] =	vst v30  }
0x34f: {  	[tilespmem:s31+$0x2C10] =	vst v30  }
0x350: {  	[tilespmem:s31+$0x2C20] =	vst v30  }
0x351: {  	[tilespmem:s31+$0x2C30] =	vst v30  }
0x352: {  	s30 =	sld [smem:$0x7ED];
	[tilespmem:s31+$0x2C40] =	vst v30  }
0x353: {  	s29 =	sld [smem:$0x7EE];
	[tilespmem:s31+$0x2C50] =	vst v30  }
0x354: {  	[tilespmem:s31+$0x2C60] =	vst v30  }
0x355: {  	[tilespmem:s31+$0x2C70] =	vst v30;
	s31 =	smov.u32 s30;
	s30 =	rddreg [dreg:$0x12]  }
0x356: {  	[tilespmem:s30+$0x4000] =	vst v28;
	s30 =	smov.u32 s29;
	s29 =	sld [smem:$0x7EF]  }
0x357: {  	[dreg:$0x12] =	wrdreg s30  }
0x358: {  	s0 =	sadd.s32 $0x2, s0;
	v30 =	vld.idx.msk [tilespmem:v24+s14+$0x14080], $0xffff;
	s30 =	rddreg [dreg:$0xf]  }
0x359: {  	s1 =	sand.u32 $0x7, s0;
	[tilespmem:s30+$0x4000] =	vst v28;
	s30 =	smov.u32 s29;
	s29 =	rddreg [dreg:$0x10]  }
0x35a: {  	s3 =	sadd.s32 $0x1000, s3;
	s1 =	sshll.u32 s1, $0x7;
	[dreg:$0xf] =	wrdreg s30  }
0x35b: {  	s6 =	sadd.s32 s1, s3;
	s30 =	sld [smem:$0x7F0]  }
0x35c: {  	s1 =	sor.u32 $0x3000, s6;
	[tilespmem:s29+$0x4000] =	vst v28  }
0x35d: {  	[tilespmem:s1+$0x4000] =	vst v30  }
0x35e: {  	[tilespmem:s16+$0x1800] =	vst v29;
	s29 =	smov.u32 s30;
	s30 =	sor.u32 $0x3010, s6  }
0x35f: {  	[tilespmem:s30+$0x4000] =	vst v30;
	s30 =	sor.u32 $0x3020, s6  }
0x360: {  	[tilespmem:s30+$0x4000] =	vst v30;
	s30 =	sor.u32 $0x3030, s6  }
0x361: {  	[tilespmem:s30+$0x4000] =	vst v30;
	s30 =	sor.u32 $0x3040, s6  }
0x362: {  	[tilespmem:s30+$0x4000] =	vst v30;
	s30 =	sor.u32 $0x3050, s6  }
0x363: {  	[tilespmem:s30+$0x4000] =	vst v30;
	s30 =	sor.u32 $0x3060, s6  }
0x364: {  	[tilespmem:s30+$0x4000] =	vst v30;
	s30 =	sor.u32 $0x3070, s6  }
0x365: {  	[tilespmem:s30+$0x4000] =	vst v30  }
0x366: {  	[tilespmem:s16+$0x1810] =	vst v29;
	v30 =	vld.idx.msk [tilespmem:v25+s14+$0x14080], $0xffff  }
0x367: {  	[tilespmem:s16+$0x1820] =	vst v29  }
0x368: {  	[tilespmem:s16+$0x1830] =	vst v29  }
0x369: {  	[tilespmem:s16+$0x1840] =	vst v29  }
0x36a: {  	[tilespmem:s16+$0x1850] =	vst v29;
	s30 =	sor.u32 $0x3400, s6  }
0x36b: {  	[tilespmem:s30+$0x4000] =	vst v30;
	s30 =	sor.u32 $0x3410, s6  }
0x36c: {  	[tilespmem:s30+$0x4000] =	vst v30;
	s30 =	sor.u32 $0x3420, s6  }
0x36d: {  	[tilespmem:s30+$0x4000] =	vst v30;
	s30 =	sor.u32 $0x3430, s6  }
0x36e: {  	[tilespmem:s30+$0x4000] =	vst v30;
	s30 =	sor.u32 $0x3440, s6  }
0x36f: {  	[tilespmem:s30+$0x4000] =	vst v30;
	s30 =	sor.u32 $0x3450, s6  }
0x370: {  	s28 =	sld [smem:$0x7DC];
	[tilespmem:s30+$0x4000] =	vst v30;
	s30 =	sor.u32 $0x3460, s6  }
0x371: {  	s24 =	sld [smem:$0x7DE];
	[tilespmem:s30+$0x4000] =	vst v30;
	s30 =	sor.u32 $0x3470, s6  }
0x372: {  	[tilespmem:s30+$0x4000] =	vst v30;
	s30 =	sld [smem:$0x7F1]  }
0x373: {  	s20 =	sld [smem:$0x7DD];
	[tilespmem:s16+$0x1860] =	vst v29  }
0x374: {  	s25 =	sld [smem:$0x7DF];
	[tilespmem:s16+$0x1870] =	vst v29  }
0x375: {  	v29 =	vld.idx.msk [tilespmem:v19+s14+$0x14000], $0xffff;
	[tilespmem:s30+$0x4000] =	vst v28;
	s30 =	sld [smem:$0x7F2]  }
0x376: {  	s26 =	sld [smem:$0x7E0]  }
0x377: {  	[dreg:$0x10] =	wrdreg s29  }
0x378: {  	s29 =	smov.u32 s30;
	s30 =	rddreg [dreg:$0x15]  }
0x379: {  	[tilespmem:s30+$0x4000] =	vst v28;
	s30 =	sld [smem:$0x7F3]  }
0x37a: {  	s23 =	sld [smem:$0x7E1]  }
0x37b: {  	s9 =	sadd.s32 $0x2, s9;
	s21 =	sld [smem:$0x7E2]  }
0x37c: {  	p0 =	slt.u32 s9, $0x1E;
	s1 =	smov.u32 s30;
	s30 =	rddreg [dreg:$0x16]  }
.Ltmp0:
0x37d: {  	[tilespmem:s30+$0x4000] =	vst v28;
	s30 =	sld [smem:$0x7F4];
	(pc) =	sbr.rel @p0 .LBB2_3-.Ltmp0, $4  }
0x37e: {  	[dreg:$0xc] =	wrdreg s7  }
0x37f: {  	s7 =	sld [smem:$0x7E7]  }
0x380: {  	vm11 =	vgt.u32 v3, s15;
	vm12 =	vgt.u32 v4, s15;
	vm8 =	vgt.u32 v6, s15;
	[dreg:$0x15] =	wrdreg s1;
	s1 =	smov.u32 s30  }
0x381: {  	s5 =	sadd.s32 $0x400, s5;
	vm9 =	vgt.u32 v7, s15;
	vm5 =	vgt.u32 v8, s15;
	[tilespmem:$0x1FF50] =	vst v41;
	vm13 =	vmmov vm15;
	v30 =	vld.idx.msk [tilespmem:v26+s14+$0x14080], $0xffff;
	[dreg:$0x16] =	wrdreg s1  }
0x382: {  	_ =	sdelay $0x1  }
0x383: {  	[tilespmem:s16+$0x1C00] =	vst v29  }
0x384: {  	s0 =	sor.u32 $0x3800, s6;
	[tilespmem:s16+$0x1C10] =	vst v29  }
0x385: {  	s1 =	sor.u32 $0x3810, s6;
	[tilespmem:s0+$0x4000] =	vst v30  }
0x386: {  	s3 =	sor.u32 $0x3820, s6;
	[tilespmem:s1+$0x4000] =	vst v30  }
0x387: {  	s5 =	sor.u32 $0x3830, s6;
	[tilespmem:s3+$0x4000] =	vst v30  }
0x388: {  	s8 =	sor.u32 $0x3840, s6;
	[tilespmem:s5+$0x4000] =	vst v30  }
0x389: {  	s9 =	sor.u32 $0x3850, s6;
	[tilespmem:s8+$0x4000] =	vst v30  }
0x38a: {  	s17 =	sor.u32 $0x3860, s6;
	[tilespmem:s9+$0x4000] =	vst v30  }
0x38b: {  	s18 =	sor.u32 $0x3870, s6;
	[tilespmem:s17+$0x4000] =	vst v30  }
0x38c: {  	[tilespmem:s18+$0x4000] =	vst v30  }
0x38d: {  	[tilespmem:s16+$0x1C20] =	vst v29;
	v27 =	vld.idx.msk [tilespmem:v10+s14+$0x14080], $0xffff  }
0x38e: {  	[tilespmem:s16+$0x1C30] =	vst v29  }
0x38f: {  	[tilespmem:s16+$0x1C40] =	vst v29  }
0x390: {  	[tilespmem:s16+$0x1C50] =	vst v29  }
0x391: {  	s30 =	sor.u32 $0x3C00, s6;
	[tilespmem:s16+$0x1C60] =	vst v29  }
0x392: {  	s1 =	sor.u32 $0x3C10, s6;
	[tilespmem:s30+$0x4000] =	vst v27  }
0x393: {  	s3 =	sor.u32 $0x3C20, s6;
	[tilespmem:s1+$0x4000] =	vst v27  }
0x394: {  	s5 =	sor.u32 $0x3C30, s6;
	[tilespmem:s3+$0x4000] =	vst v27  }
0x395: {  	s8 =	sor.u32 $0x3C40, s6;
	[tilespmem:s5+$0x4000] =	vst v27  }
0x396: {  	s9 =	sor.u32 $0x3C50, s6;
	[tilespmem:s8+$0x4000] =	vst v27  }
0x397: {  	s17 =	sor.u32 $0x3C60, s6;
	[tilespmem:s9+$0x4000] =	vst v27  }
0x398: {  	s18 =	sor.u32 $0x3C70, s6;
	[tilespmem:s17+$0x4000] =	vst v27  }
0x399: {  	[tilespmem:s18+$0x4000] =	vst v27  }
0x39a: {  	s0 =	rddreg [dreg:$0x3];
	[tilespmem:s16+$0x1C70] =	vst v29  }
0x39b: {  	v27 =	vld.idx.msk [tilespmem:v20+s14+$0x14000], $0xffff;
	_ =	sdelay $0x4  }
0x39c: {  	[tilespmem:s16+$0x2000] =	vst v27  }
0x39d: {  	[tilespmem:s16+$0x2010] =	vst v27  }
0x39e: {  	[tilespmem:s16+$0x2020] =	vst v27  }
0x39f: {  	[tilespmem:s16+$0x2030] =	vst v27  }
0x3a0: {  	[tilespmem:s16+$0x2040] =	vst v27  }
0x3a1: {  	[tilespmem:s16+$0x2050] =	vst v27  }
0x3a2: {  	[tilespmem:s16+$0x2060] =	vst v27  }
0x3a3: {  	[tilespmem:s16+$0x2070] =	vst v27  }
0x3a4: {  	v27 =	vld.idx.msk [tilespmem:v21+s14+$0x14000], $0xffff;
	_ =	sdelay $0x4  }
0x3a5: {  	[tilespmem:s16+$0x2400] =	vst v27  }
0x3a6: {  	[tilespmem:s16+$0x2410] =	vst v27  }
0x3a7: {  	[tilespmem:s16+$0x2420] =	vst v27  }
0x3a8: {  	[tilespmem:s16+$0x2430] =	vst v27  }
0x3a9: {  	[tilespmem:s16+$0x2440] =	vst v27  }
0x3aa: {  	[tilespmem:s16+$0x2450] =	vst v27  }
0x3ab: {  	[tilespmem:s16+$0x2460] =	vst v27  }
0x3ac: {  	[tilespmem:s16+$0x2470] =	vst v27  }
0x3ad: {  	v27 =	vld.idx.msk [tilespmem:v22+s14+$0x14000], $0xffff;
	_ =	sdelay $0x4  }
0x3ae: {  	[tilespmem:s16+$0x2800] =	vst v27  }
0x3af: {  	[tilespmem:s16+$0x2810] =	vst v27  }
0x3b0: {  	[tilespmem:s16+$0x2820] =	vst v27  }
0x3b1: {  	[tilespmem:s16+$0x2830] =	vst v27  }
0x3b2: {  	[tilespmem:s16+$0x2840] =	vst v27  }
0x3b3: {  	[tilespmem:s16+$0x2850] =	vst v27  }
0x3b4: {  	[tilespmem:s16+$0x2860] =	vst v27  }
0x3b5: {  	[tilespmem:s16+$0x2870] =	vst v27  }
0x3b6: {  	v27 =	vld.idx.msk [tilespmem:v23+s14+$0x14000], $0xffff;
	_ =	sdelay $0x4  }
0x3b7: {  	[tilespmem:s16+$0x2C00] =	vst v27  }
0x3b8: {  	[tilespmem:s16+$0x2C10] =	vst v27  }
0x3b9: {  	[tilespmem:s16+$0x2C20] =	vst v27  }
0x3ba: {  	[tilespmem:s16+$0x2C30] =	vst v27  }
0x3bb: {  	[tilespmem:s16+$0x2C40] =	vst v27  }
0x3bc: {  	[tilespmem:s16+$0x2C50] =	vst v27  }
0x3bd: {  	[tilespmem:s16+$0x2C60] =	vst v27  }
0x3be: {  	[tilespmem:s16+$0x2C70] =	vst v27  }
0x3bf: {  	v27 =	vld.idx.msk [tilespmem:v24+s14+$0x14000], $0xffff;
	_ =	sdelay $0x2  }
0x3c0: {  	[tilespmem:s28+$0x4000] =	vst v28  }
0x3c1: {  	s1 =	rddreg [dreg:$0x5]  }
0x3c2: {  	[tilespmem:s1+$0x4000] =	vst v27  }
0x3c3: {  	s1 =	rddreg [dreg:$0x6]  }
0x3c4: {  	[tilespmem:s1+$0x4000] =	vst v27  }
0x3c5: {  	s1 =	rddreg [dreg:$0x7]  }
0x3c6: {  	[tilespmem:s1+$0x4000] =	vst v27  }
0x3c7: {  	s1 =	rddreg [dreg:$0x8]  }
0x3c8: {  	[tilespmem:s1+$0x4000] =	vst v27  }
0x3c9: {  	s1 =	rddreg [dreg:$0x9]  }
0x3ca: {  	[tilespmem:s1+$0x4000] =	vst v27  }
0x3cb: {  	s1 =	rddreg [dreg:$0xb]  }
0x3cc: {  	[tilespmem:s1+$0x4000] =	vst v27  }
0x3cd: {  	s1 =	rddreg [dreg:$0xa]  }
0x3ce: {  	[tilespmem:s1+$0x4000] =	vst v27  }
0x3cf: {  	s1 =	sld [smem:$0x7F7]  }
0x3d0: {  	v28 =	vld.idx.msk [tilespmem:v10+s11+$0x14000], $0xffff;
	_ =	sdelay $0x1  }
0x3d1: {  	[tilespmem:s1+$0x4000] =	vst v27  }
0x3d2: {  	v27 =	vld.idx.msk [tilespmem:v25+s14+$0x14000], $0xffff;
	_ =	sdelay $0x1  }
0x3d3: {  	[tilespmem:s20+$0x4000] =	vst v28  }
0x3d4: {  	[tilespmem:s24+$0x4000] =	vst v28  }
0x3d5: {  	[tilespmem:s25+$0x4000] =	vst v28  }
0x3d6: {  	[tilespmem:s2+$0x4000] =	vst v27  }
0x3d7: {  	[tilespmem:s4+$0x4000] =	vst v27  }
0x3d8: {  	[tilespmem:s10+$0x4000] =	vst v27  }
0x3d9: {  	s1 =	rddreg [dreg:$0xc]  }
0x3da: {  	[tilespmem:s1+$0x4000] =	vst v27  }
0x3db: {  	s1 =	rddreg [dreg:$0xd]  }
0x3dc: {  	[tilespmem:s1+$0x4000] =	vst v27  }
0x3dd: {  	s1 =	rddreg [dreg:$0xe]  }
0x3de: {  	[tilespmem:s1+$0x4000] =	vst v27  }
0x3df: {  	s1 =	rddreg [dreg:$0x13]  }
0x3e0: {  	[tilespmem:s1+$0x4000] =	vst v27  }
0x3e1: {  	s1 =	rddreg [dreg:$0x14];
	[tilespmem:s23+$0x4000] =	vst v28  }
0x3e2: {  	[tilespmem:s1+$0x4000] =	vst v27  }
0x3e3: {  	[tilespmem:s21+$0x4000] =	vst v28;
	v27 =	vld.idx.msk [tilespmem:v26+s14+$0x14000], $0xffff  }
0x3e4: {  	[tilespmem:s26+$0x4000] =	vst v28  }
0x3e5: {  	s1 =	rddreg [dreg:$0x11]  }
0x3e6: {  	[tilespmem:s1+$0x4000] =	vst v28  }
0x3e7: {  	[tilespmem:s7+$0x4000] =	vst v28  }
0x3e8: {  	[tilespmem:s31+$0x4000] =	vst v27  }
0x3e9: {  	s1 =	rddreg [dreg:$0x12]  }
0x3ea: {  	[tilespmem:s1+$0x4000] =	vst v27  }
0x3eb: {  	s1 =	rddreg [dreg:$0xf]  }
0x3ec: {  	[tilespmem:s1+$0x4000] =	vst v27  }
0x3ed: {  	s1 =	rddreg [dreg:$0x10]  }
0x3ee: {  	[tilespmem:s1+$0x4000] =	vst v27  }
0x3ef: {  	[tilespmem:s29+$0x4000] =	vst v27  }
0x3f0: {  	s1 =	rddreg [dreg:$0x15]  }
0x3f1: {  	[tilespmem:s1+$0x4000] =	vst v27  }
0x3f2: {  	s1 =	rddreg [dreg:$0x16]  }
0x3f3: {  	[tilespmem:s1+$0x4000] =	vst v27  }
0x3f4: {  	v29 =	vld [tilespmem:$0x1FF40]  }
0x3f5: {  	v28 =	vld.idx.msk [tilespmem:v1+s11+$0x14000], $0xffff;
	_ =	sdelay $0x1  }
0x3f6: {  	s1 =	sld [smem:$0x7F8];
	_ =	sdelay $0x1  }
0x3f7: {  	vm0 =	vnez.u8 v29  }
0x3f8: {  	[tilespmem:s1+$0x4000] =	vst v27;
	v29 =	vsel vm0, $0xFF800000, v28  }
0x3f9: {  	[tilespmem:s22+$0x0] =	vst v29  }
0x3fa: {  	v29 =	vld [tilespmem:$0x1FF70];
	_ =	sdelay $0x2  }
0x3fb: {  	v27 =	vsel vm6, $0xFF800000, v28  }
0x3fc: {  	[tilespmem:s22+$0x10] =	vst v27  }
0x3fd: {  	v27 =	vld [tilespmem:$0x1FF90];
	vm0 =	vnez.u8 v29  }
0x3fe: {  	v29 =	vsel vm0, $0xFF800000, v28  }
0x3ff: {  	[tilespmem:s22+$0x20] =	vst v29  }
0x400: {  	v29 =	vld [tilespmem:$0x1FFB0];
	_ =	sdelay $0x1  }
0x401: {  	vm0 =	vnez.u8 v27  }
0x402: {  	v27 =	vsel vm0, $0xFF800000, v28  }
0x403: {  	v49 =	vsel vm14, $0xFF800000, v28;
	[tilespmem:s22+$0x30] =	vst v27  }
0x404: {  	v50 =	vsel vm4, $0xFF800000, v28;
	v27 =	vld.idx.msk [tilespmem:v10+s14+$0x14000], $0xffff;
	[tilespmem:s22+$0x50] =	vst v49;
	vm0 =	vnez.u8 v29  }
0x405: {  	[tilespmem:s22+$0x60] =	vst v50;
	v29 =	vsel vm0, $0xFF800000, v28  }
0x406: {  	v28 =	vsel vm7, $0xFF800000, v28;
	[tilespmem:s22+$0x40] =	vst v29  }
0x407: {  	[tilespmem:s22+$0x70] =	vst v28  }
0x408: {  	s1 =	rddreg [dreg:$0x1e]  }
0x409: {  	[tilespmem:s1+$0x4000] =	vst v27  }
0x40a: {  	s1 =	rddreg [dreg:$0x1d]  }
0x40b: {  	[tilespmem:s1+$0x4000] =	vst v27  }
0x40c: {  	s1 =	rddreg [dreg:$0x1c]  }
0x40d: {  	[tilespmem:s1+$0x4000] =	vst v27  }
0x40e: {  	s1 =	rddreg [dreg:$0x1b]  }
0x40f: {  	[tilespmem:s1+$0x4000] =	vst v27  }
0x410: {  	v51 =	vld.idx.msk [tilespmem:v1+s14+$0x14080], $0xffff;
	s1 =	rddreg [dreg:$0x1a]  }
0x411: {  	[tilespmem:s1+$0x4000] =	vst v27  }
0x412: {  	s1 =	rddreg [dreg:$0x19]  }
0x413: {  	[tilespmem:s1+$0x4000] =	vst v27  }
0x414: {  	s0 =	sadd.s32 s19, s0;
	s1 =	rddreg [dreg:$0x18]  }
0x415: {  	v52 =	vsel vm10, $0xFF800000, v51;
	s24 =	sadd.s32 s13, s0;
	[tilespmem:s1+$0x4000] =	vst v27  }
0x416: {  	v54 =	vsel vm12, $0xFF800000, v51;
	s1 =	rddreg [dreg:$0x17];
	[tilespmem:s24+$0x0] =	vst v52  }
0x417: {  	v55 =	vsel vm8, $0xFF800000, v51;
	[tilespmem:s24+$0x20] =	vst v54  }
0x418: {  	vm0 =	vgt.u32 v9, s15;
	[tilespmem:s24+$0x40] =	vst v55  }
0x419: {  	[tilespmem:s1+$0x4000] =	vst v27;
	v27 =	vsel vm0, $0xFF800000, v51  }
0x41a: {  	[tilespmem:s24+$0x70] =	vst v27;
	v27 =	vsel vm11, $0xFF800000, v51  }
0x41b: {  	[tilespmem:s24+$0x10] =	vst v27;
	v27 =	vsel vm1, $0xFF800000, v51  }
0x41c: {  	[tilespmem:s24+$0x30] =	vst v27  }
0x41d: {  	v27 =	vsel vm9, $0xFF800000, v51;
	v30 =	vld [tilespmem:$0x1FF50]  }
0x41e: {  	v53 =	vld.idx.msk [tilespmem:v1+s14+$0x14000], $0xffff;
	[tilespmem:s24+$0x50] =	vst v27  }
0x41f: {  	v56 =	vld [tilespmem:$0x1FF60];
	_ =	sdelay $0x2  }
0x420: {  	v28 =	vsel vm5, $0xFF800000, v51;
	vm0 =	vnez.u8 v30  }
0x421: {  	[tilespmem:s24+$0x60] =	vst v28;
	vm0 =	vmmov vm0  }
0x422: {  	s0 =	sadd.s32 s12, s0;
	v58 =	vld [tilespmem:$0x1FF80];
	v27 =	vsel vm0, $0xFF800000, v53;
	vm0 =	vnez.u8 v56  }
0x423: {  	vm0 =	vmmov vm0;
	[tilespmem:s0+$0x0] =	vst v27  }
0x424: {  	v57 =	vsel vm0, $0xFF800000, v53;
	v59 =	vld [tilespmem:$0x1FFA0]  }
0x425: {  	[tilespmem:s0+$0x10] =	vst v57  }
0x426: {  	v61 =	vld [tilespmem:$0x1FFC0]  }
0x427: {  	vm0 =	vnez.u8 v58  }
0x428: {  	vm0 =	vmmov vm0  }
0x429: {  	v27 =	vsel vm0, $0xFF800000, v53;
	vm0 =	vnez.u8 v59  }
0x42a: {  	vm0 =	vmmov vm0  }
0x42b: {  	v60 =	vsel vm0, $0xFF800000, v53;
	vm0 =	vnez.u8 v61  }
0x42c: {  	[tilespmem:s0+$0x20] =	vst v27;
	vm0 =	vmmov vm0  }
0x42d: {  	[tilespmem:s0+$0x30] =	vst v60;
	v27 =	vsel vm0, $0xFF800000, v53;
	vm0 =	vmmov vm13  }
0x42e: {  	v62 =	vsel vm0, $0xFF800000, v53;
	vm0 =	vmmov vm2;
	[tilespmem:s0+$0x40] =	vst v27  }
0x42f: {  	v27 =	vsel vm0, $0xFF800000, v53;
	vm0 =	vmmov vm3;
	[tilespmem:s0+$0x50] =	vst v62  }
0x430: {  	v63 =	vsel vm0, $0xFF800000, v53;
	[tilespmem:s0+$0x60] =	vst v27  }
0x431: {  	s3 =	sld [smem:$0x7F5];
	[tilespmem:s0+$0x70] =	vst v63  }
0x432: {  	s0 =	sld [smem:$0x7FC];
	_ =	sdelay $0x1  }
0x433: {  	s28 =	simm.s32 $0x4000;
	s25 =	sshll.u32 s3, $0xD  }
0x434: {  	s26 =	simm.s32 $0x0;
	s29 =	simm.s32 $0x1;
	s0 =	sadd.s32 s25, s0  }
0x435: {  	[hbm4b:s0+s26] =	stream.linear.scatter [tilespmem:s28], [sflag:$0x1], $0x10000, $0x38;
	[tilespmem:$0x15000] =	vst v63  }
0x436: {  	s3 =	sadd.s32 $0x1, s3;
	_ =	swait.ge [sflag:s29], $0x10000  }
0x437: {  	p0 =	sne.s32 s3, $0x4;
	v27 =	vld [tilespmem:$0x1FFF0]  }
.Ltmp1:
0x438: {  	_ = 	snop;
	(pc) =	sbr.rel @p0 .LBB2_2-.Ltmp1, $4  }
0x439: {  	s31 =	sld [smem:$0x7F6]  }
0x43a: {  	s30 =	rddreg [dreg:$0x4]  }
0x43b: {  	[sflag:s29] =	ssyncset.done $0x0;
	s0 =	sadd.s32 $0x20, s30  }
0x43c: {  	vm2 =	vcmask $0x3F14;
	[sflag:s29] =	ssyncadd.s32 $0xFFFF0000;
	[dreg:$0x4] =	wrdreg s0;
	s0 =	sadd.s32 $0x1000, s31;
	vm3 =	vnez.u8 v27  }
0x43d: {  	s1 =	sld [smem:$0x7F9]  }
0x43e: {  	s0 =	sld [smem:$0x7FD];
	_ =	sdelay $0x1  }
0x43f: {  	s1 =	sadd.s32 $0x1, s1  }
0x440: {  	p0 =	sne.s32 s1, s0  }
.Ltmp2:
0x441: {  	_ = 	snop;
	(pc) =	sbr.rel @p0 .LBB2_1-.Ltmp2, $1  }
0x442: {  	_ =	sdelay $0x3  }
0x443: {  	_ =	sfence.sel $0x180000  }
0x444: {  	[bflag:$0x0] =	sbarrier.arrive $0xFFFF  }
0x445: {  	_ =	strace $0x90000047  }
0x446: {  	s0 =	stileid.u32;
	[bflag:$0x2] =	sbarrier.arrive $0xFFFF  }
0x447: {  	p0 =	sne.s32 s0, $0x0;
	s0 =	rddreg [dreg:$0x2]  }
0x448: {  	s0 =	sadd.s32 @!p0 $0x100000, s0  }
0x449: {  	[sflag:s0] =	ssyncadd.tile.s32 @!p0 $0x1;
	_ =	shalt  }
.Lfunc_end2:
_tile_overlayer_lowered:
.L_overlay_start_2:
0x44a: {  	(tag) =	ssettag $0x2  }
0x44b: {  	s0 =	rddreg [dreg:$0x0];
	s2 =	stileid.u32  }
0x44c: {  	s1 =	rddreg [dreg:$0x1];
	p0 =	sne.s32 s2, $0x0  }
0x44d: {  	s3 =	rddreg [dreg:$0x2];
	[bflag:$0x3] =	sbarrier.arrive $0xFFFF;
	s2 =	simm.s32 @!p0 $0x1C01  }
0x44e: {  	[timem:s3], [sflag:s2] =	dma.local @!p0 [hbm:s0], s1  }
0x44f: {  	s0 =	simm.s32 @!p0 $0x1  }
0x450: {  	_ =	swait.ge @!p0 [sflag:s0], s1  }
0x451: {  	s1 =	ssub.s32 @!p0 $0x0, s1;
	[sflag:s0] =	ssyncset.done @!p0 $0x0  }
0x452: {  	[sflag:s0] =	ssyncadd.s32 @!p0 s1  }
0x453: {  	[bflag:$0x3] =	sbarrier.arrive $0xFFFF  }
0x454: {  	_ =	shalt  }

</sc_bundles>
